<compile_context>
chip_gen: v7x
topology: tpu7x:2x2x1
jax: 0.10.2.dev20260603
libtpu: 0.0.44.dev20260713+nightly
codegen_flags: <defaults>
</compile_context>

<pallas_src>
import functools

import jax
import jax.numpy as jnp
import numpy as np
from jax import lax
from jax.experimental import pallas as pl
from jax.experimental.pallas import tpu as pltpu
from jax.experimental.pallas import tpu_sc as plsc

N_GRAPH, N_NODE, N_FEAT, HIDDEN = 256, 128, 9, 128
N_DEG = 512
N_TOTAL = N_GRAPH * N_NODE
NW = 32
NODES_PER_W = N_TOTAL // NW
CHUNK = 128
N_CHUNKS = NODES_PER_W // CHUNK
WIN = 9


def _sc_gather(x_idx, atom_table, scat, zeros, n_graphs):
    n_chunks = n_graphs // NW
    mesh = plsc.VectorSubcoreMesh(core_axis_name="c", subcore_axis_name="s")

    @functools.partial(
        pl.kernel,
        out_type=jax.ShapeDtypeStruct((n_graphs * N_NODE, HIDDEN), jnp.float32),
        mesh=mesh,
        scratch_types=[
            pltpu.VMEM((WIN * CHUNK,), jnp.int32),
            pltpu.VMEM((WIN, CHUNK), jnp.int32),
            pltpu.VMEM((CHUNK, HIDDEN), jnp.float32),
            pltpu.VMEM((CHUNK, HIDDEN), jnp.float32),
            pltpu.VMEM((CHUNK, HIDDEN), jnp.float32),
            pltpu.VMEM((CHUNK, HIDDEN), jnp.float32),
            pltpu.VMEM_SHARED((16, CHUNK, HIDDEN), jnp.float32),
            pltpu.VMEM((CHUNK, HIDDEN), jnp.float32),
            pltpu.SemaphoreType.DMA,
            pltpu.SemaphoreType.DMA,
            pltpu.SemaphoreType.DMA,
            pltpu.SemaphoreType.DMA,
            pltpu.SemaphoreType.DMA,
            pltpu.SemaphoreType.DMA,
            pltpu.SemaphoreType.DMA,
            pltpu.SemaphoreType.DMA,
            pltpu.SemaphoreType.DMA,
            pltpu.SemaphoreType.DMA,
        ],
    )
    def kern(x_hbm, atab_hbm, scat_hbm, zeros_hbm, afeat_hbm,
             idx_v, scat_v, rows0, rows1, rows2, rows3, accum_sh, zeros_v,
             sem_g0, sem_g1, sem_g2, sem_g3,
             sem_s0, sem_s1, sem_s2, sem_s3, sem_z, sem_o):
        sid = lax.axis_index("s")
        wid = sid * 2 + lax.axis_index("c")
        accum_v = accum_sh.at[sid]
        rows = (rows0, rows1, rows2, rows3)
        sem_g = (sem_g0, sem_g1, sem_g2, sem_g3)
        sem_s = (sem_s0, sem_s1, sem_s2, sem_s3)
        pltpu.sync_copy(scat_hbm, scat_v)
        pltpu.sync_copy(zeros_hbm, zeros_v)

        @pl.loop(0, n_chunks)
        def _(c):
            gidx = wid * n_chunks + c
            base = gidx * CHUNK
            pltpu.sync_copy(x_hbm.at[gidx], idx_v)
            g = [None] * 4
            s = [None] * 4
            for w in range(2):
                g[w] = pltpu.async_copy(
                    atab_hbm.at[idx_v.at[pl.ds(w * CHUNK, CHUNK)]],
                    rows[w], sem_g[w])

            @pl.when(c > 0)
            def _():
                pltpu.make_async_copy(
                    accum_v, afeat_hbm.at[pl.ds(base, CHUNK)], sem_o).wait()
            z = pltpu.async_copy(zeros_v, accum_v, sem_z)

            for w in range(WIN):
                nxt = w + 2
                if nxt < WIN:
                    b = nxt % 4
                    if s[b] is not None:
                        s[b].wait()
                        s[b] = None
                    g[b] = pltpu.async_copy(
                        atab_hbm.at[idx_v.at[pl.ds(nxt * CHUNK, CHUNK)]],
                        rows[b], sem_g[b])
                g[w % 4].wait()
                if w == 0:
                    z.wait()
                s[w % 4] = pltpu.async_copy(
                    rows[w % 4], accum_v.at[scat_v.at[w]],
                    sem_s[w % 4], add=True)
            for b in range(4):
                if s[b] is not None:
                    s[b].wait()
            pltpu.async_copy(accum_v, afeat_hbm.at[pl.ds(base, CHUNK)], sem_o)

        pltpu.make_async_copy(
            accum_v, afeat_hbm.at[pl.ds(wid * n_chunks * CHUNK, CHUNK)],
            sem_o).wait()

    return kern(x_idx, atom_table, scat, zeros)


def _fold_body(itab, otab, w1b, w1c, pcat):
    pcat[:N_DEG] = jnp.dot(itab[...], w1b[...],
                           preferred_element_type=jnp.float32).astype(jnp.bfloat16)
    pcat[N_DEG:] = jnp.dot(otab[...], w1c[...],
                           preferred_element_type=jnp.float32).astype(jnp.bfloat16)


def _fold_tables(in_tab, out_tab, w1b, w1c):
    p = jax.ShapeDtypeStruct((2 * N_DEG, HIDDEN), jnp.bfloat16)
    return pl.pallas_call(_fold_body, out_shape=p)(in_tab, out_tab, w1b, w1c)


_G_BLK = 16


_DN0 = (((0,), (0,)), ((), ()))


def _mlp_body(a_ref, i_ref, o_ref, w1a, pcat, b1, w2, b2, tok, out_ref):
    rows = _G_BLK * N_NODE
    bf = jnp.bfloat16
    h = jnp.dot(a_ref[...].reshape(rows, HIDDEN).astype(bf),
                w1a[...].astype(bf), preferred_element_type=jnp.float32)
    rowsT = lax.broadcasted_iota(jnp.int32, (N_DEG, N_NODE), 0)
    pin16, pout16 = pcat[:N_DEG], pcat[N_DEG:]
    degs = []
    for k in range(_G_BLK):
        oh_i = (rowsT == i_ref[k][None, :]).astype(bf)
        dk = lax.dot_general(oh_i, pin16, _DN0,
                             preferred_element_type=jnp.float32)
        oh_o = (rowsT == o_ref[k][None, :]).astype(bf)
        dk = dk + lax.dot_general(oh_o, pout16, _DN0,
                                  preferred_element_type=jnp.float32)
        degs.append(dk)
    h = h + jnp.concatenate(degs, axis=0)
    h = jnp.maximum(h + b1[...], 0.0)
    y = jnp.dot(h.astype(bf), w2[...].astype(bf),
                preferred_element_type=jnp.float32) + b2[...]
    y = y.reshape(_G_BLK, N_NODE, HIDDEN)
    out_ref[:, 1:, :] = y
    out_ref[:, 0:1, :] = jnp.broadcast_to(tok[...][None], (_G_BLK, 1, HIDDEN))


def _tc_mlp(afeat, in_deg, out_deg, w1a, pcat, b1, w2, b2, tok,
            n_graphs, off, prev=None):
    full = lambda shape: pl.BlockSpec(shape, lambda g: (0,) * len(shape))
    blk_off = off // _G_BLK
    in_specs = [
        pl.BlockSpec((_G_BLK, N_NODE, HIDDEN), lambda g: (g, 0, 0)),
        pl.BlockSpec((_G_BLK, N_NODE), lambda g: (g, 0)),
        pl.BlockSpec((_G_BLK, N_NODE), lambda g: (g, 0)),
        full((HIDDEN, HIDDEN)),
        full((2 * N_DEG, HIDDEN)),
        full((1, HIDDEN)), full((HIDDEN, HIDDEN)), full((1, HIDDEN)),
        full((1, HIDDEN)),
    ]
    args = [afeat, in_deg, out_deg, w1a, pcat, b1, w2, b2, tok]
    aliases = {}
    body = _mlp_body
    if prev is not None:
        in_specs.append(pl.BlockSpec(memory_space=pl.ANY))
        args.append(prev)
        aliases = {9: 0}
        body = lambda *refs: _mlp_body(*refs[:9], refs[-1])
    return pl.pallas_call(
        body,
        grid=(n_graphs // _G_BLK,),
        in_specs=in_specs,
        out_specs=pl.BlockSpec((_G_BLK, N_NODE + 1, HIDDEN),
                               lambda g: (g + blk_off, 0, 0)),
        out_shape=jax.ShapeDtypeStruct((N_GRAPH, N_NODE + 1, HIDDEN), jnp.float32),
        input_output_aliases=aliases,
    )(*args)


_SCAT = np.arange(WIN * CHUNK, dtype=np.int32).reshape(WIN, CHUNK) // N_FEAT


def kernel(x, in_degree, out_degree, atom_table, in_deg_table, out_deg_table,
           W1, b1, W2, b2, graph_token):
    x_idx = x.astype(jnp.int32).reshape(N_GRAPH, N_NODE * N_FEAT)
    scat = jnp.asarray(_SCAT)
    zeros = jnp.zeros((CHUNK, HIDDEN), jnp.float32)
    half = N_GRAPH // 2

    afa = _sc_gather(x_idx[:half], atom_table, scat, zeros, half)
    afb = _sc_gather(x_idx[half:], atom_table, scat, zeros, half)

    w1a, w1b, w1c = W1[:HIDDEN], W1[HIDDEN:2 * HIDDEN], W1[2 * HIDDEN:]
    pcat = _fold_tables(in_deg_table, out_deg_table, w1b, w1c)
    ind = in_degree.astype(jnp.int32)
    outd = out_degree.astype(jnp.int32)
    common = (w1a, pcat, b1.reshape(1, HIDDEN), W2, b2.reshape(1, HIDDEN),
              graph_token.reshape(1, HIDDEN))
    out = _tc_mlp(afa.reshape(half, N_NODE, HIDDEN), ind[:half], outd[:half],
                  *common, n_graphs=half, off=0)
    out = _tc_mlp(afb.reshape(half, N_NODE, HIDDEN), ind[half:], outd[half:],
                  *common, n_graphs=half, off=half, prev=out)
    return out

# --- scband reference (transcript-rebuilt; emitter-appended) ---
"""Pipeline reference for scband-graph-node-feature-28930899706438 (READ-ONLY COPY).

The authoritative reference and input builder live on the scoring server;
editing this copy changes nothing except your own understanding.
"""

import jax, jax.numpy as jnp
import numpy as np
import math

NUM_ATOMS = 100000
NUM_IN_DEG = 512
NUM_OUT_DEG = 512
HIDDEN = 128
N_LAYERS = 12
N_GRAPH, N_NODE, N_FEAT = 256, 128, 9

def setup_inputs(seed: int = 0) -> dict:
    key = jax.random.key(seed)
    ks = jax.random.split(key, 12)
    x = jax.random.randint(ks[0], (N_GRAPH, N_NODE, N_FEAT), 0, NUM_ATOMS)
    in_degree = jax.random.randint(ks[1], (N_GRAPH, N_NODE), 0, NUM_IN_DEG)
    out_degree = jax.random.randint(ks[2], (N_GRAPH, N_NODE), 0, NUM_OUT_DEG)
    emb_std = 0.02
    lin_std = 0.02 / math.sqrt(N_LAYERS)
    atom_table = jax.random.normal(ks[3], (NUM_ATOMS + 1, HIDDEN), dtype=jnp.float32) * emb_std
    in_deg_table = jax.random.normal(ks[4], (NUM_IN_DEG, HIDDEN), dtype=jnp.float32) * emb_std
    out_deg_table = jax.random.normal(ks[5], (NUM_OUT_DEG, HIDDEN), dtype=jnp.float32) * emb_std
    W1 = jax.random.normal(ks[6], (HIDDEN * 3, HIDDEN), dtype=jnp.float32) * lin_std
    b1 = jnp.zeros((HIDDEN,), dtype=jnp.float32)
    W2 = jax.random.normal(ks[7], (HIDDEN, HIDDEN), dtype=jnp.float32) * lin_std
    b2 = jnp.zeros((HIDDEN,), dtype=jnp.float32)
    graph_token = jax.random.normal(ks[8], (1, HIDDEN), dtype=jnp.float32) * emb_std
    return {"x": x, "in_degree": in_degree, "out_degree": out_degree,
            "atom_table": atom_table, "in_deg_table": in_deg_table,
            "out_deg_table": out_deg_table, "W1": W1, "b1": b1,
            "W2": W2, "b2": b2, "graph_token": graph_token}

def reference(x, in_degree, out_degree, atom_table, in_deg_table, out_deg_table, W1, b1, W2, b2, graph_token):
    # atom_encoder(x).sum(dim=-2): gather [G,N,F,H] then reduce over F
    atom_feat = jnp.take(atom_table, x, axis=0).sum(axis=-2)
    in_deg_feat = jnp.take(in_deg_table, in_degree, axis=0)
    out_deg_feat = jnp.take(out_deg_table, out_degree, axis=0)
    node_feature = jnp.concatenate([atom_feat, in_deg_feat, out_deg_feat], axis=-1)
    h = jnp.maximum(node_feature @ W1 + b1, 0.0)
    node_feature = h @ W2 + b2
    n_graph = x.shape[0]
    tok = jnp.broadcast_to(graph_token[None, :, :], (n_graph, 1, graph_token.shape[-1]))
    graph_node_feature = jnp.concatenate([tok, node_feature], axis=1)
    return graph_node_feature

if __name__ == "__main__":
    import jax
    _d = setup_inputs()
    print(jax.jit(kernel)(*tuple(_d.values())))

</pallas_src>

<mosaic_0001>
#map = affine_map<(d0, d1) -> (0, 0)>
module attributes {stable_mosaic.version = 14 : i64} {
  func.func @kern(%arg0: i32, %arg1: i32, %arg2: memref<128x1152xi32, #tpu.memory_space<hbm>>, %arg3: memref<100001x128xf32, #tpu.memory_space<hbm>>, %arg4: memref<9x128xi32, #tpu.memory_space<hbm>>, %arg5: memref<128x128xf32, #tpu.memory_space<hbm>>, %arg6: memref<16384x128xf32, #tpu.memory_space<hbm>>, %arg7: memref<1152xi32, #tpu.memory_space<vmem>>, %arg8: memref<9x128xi32, #tpu.memory_space<vmem>>, %arg9: memref<128x128xf32, #tpu.memory_space<vmem>>, %arg10: memref<128x128xf32, #tpu.memory_space<vmem>>, %arg11: memref<128x128xf32, #tpu.memory_space<vmem>>, %arg12: memref<128x128xf32, #tpu.memory_space<vmem>>, %arg13: memref<16x128x128xf32, #tpu.memory_space<vmem_shared>>, %arg14: memref<128x128xf32, #tpu.memory_space<vmem>>, %arg15: memref<!tpu.dma_semaphore, #tpu.memory_space<semaphore_mem>>, %arg16: memref<!tpu.dma_semaphore, #tpu.memory_space<semaphore_mem>>, %arg17: memref<!tpu.dma_semaphore, #tpu.memory_space<semaphore_mem>>, %arg18: memref<!tpu.dma_semaphore, #tpu.memory_space<semaphore_mem>>, %arg19: memref<!tpu.dma_semaphore, #tpu.memory_space<semaphore_mem>>, %arg20: memref<!tpu.dma_semaphore, #tpu.memory_space<semaphore_mem>>, %arg21: memref<!tpu.dma_semaphore, #tpu.memory_space<semaphore_mem>>, %arg22: memref<!tpu.dma_semaphore, #tpu.memory_space<semaphore_mem>>, %arg23: memref<!tpu.dma_semaphore, #tpu.memory_space<semaphore_mem>>, %arg24: memref<!tpu.dma_semaphore, #tpu.memory_space<semaphore_mem>>) attributes {dimension_semantics = [#tpu.dimension_semantics<core_parallel>, #tpu.dimension_semantics<subcore_parallel>], iteration_bounds = array<i64: 2, 16>, scalar_prefetch = 0 : i64, scratch_operands = 18 : i64, tpu.core_type = #tpu.core_type<sc_vector_subcore>, window_params = [{transform_indices = #map}, {transform_indices = #map}, {transform_indices = #map}, {transform_indices = #map}, {transform_indices = #map}]} {
    %mul3A = arith.constant 2 : i32
    %mul3A_0 = arith.muli %arg1, %mul3A : i32
    %add3A = arith.addi %mul3A_0, %arg0 : i32
    "tpu.region"() ({
      %run_scoped3A = tpu.sem_alloc : memref<!tpu.dma_semaphore, #tpu.memory_space<semaphore_mem>>
      tpu.enqueue_dma source(%arg4 : memref<9x128xi32, #tpu.memory_space<hbm>>) target(%arg8 : memref<9x128xi32, #tpu.memory_space<vmem>>) target_semaphore(%run_scoped3A : memref<!tpu.dma_semaphore, #tpu.memory_space<semaphore_mem>>)
      tpu.wait_dma2 semaphore(%run_scoped3A : memref<!tpu.dma_semaphore, #tpu.memory_space<semaphore_mem>>) src(%arg4 : memref<9x128xi32, #tpu.memory_space<hbm>>) dst(%arg8 : memref<9x128xi32, #tpu.memory_space<vmem>>)
      tpu.yield
    }) : () -> ()
    "tpu.region"() ({
      %run_scoped3A = tpu.sem_alloc : memref<!tpu.dma_semaphore, #tpu.memory_space<semaphore_mem>>
      tpu.enqueue_dma source(%arg5 : memref<128x128xf32, #tpu.memory_space<hbm>>) target(%arg14 : memref<128x128xf32, #tpu.memory_space<vmem>>) target_semaphore(%run_scoped3A : memref<!tpu.dma_semaphore, #tpu.memory_space<semaphore_mem>>)
      tpu.wait_dma2 semaphore(%run_scoped3A : memref<!tpu.dma_semaphore, #tpu.memory_space<semaphore_mem>>) src(%arg5 : memref<128x128xf32, #tpu.memory_space<hbm>>) dst(%arg14 : memref<128x128xf32, #tpu.memory_space<vmem>>)
      tpu.yield
    }) : () -> ()
    %scan3A = arith.constant 0 : i32
    %scan3A_1 = arith.constant 4 : i32
    %scan3A_2 = arith.addi %scan3A, %scan3A_1 : i32
    %scan3A_3 = arith.constant 1 : i32
    scf.for %scan3A_14 = %scan3A to %scan3A_2 step %scan3A_3  : i32 {
      %mul3A_15 = arith.constant 1 : i32
      %mul3A_16 = arith.muli %scan3A_14, %mul3A_15 : i32
      %add3A_17 = arith.constant 0 : i32
      %add3A_18 = arith.addi %add3A_17, %mul3A_16 : i32
      %mul3A_19 = arith.constant 4 : i32
      %mul3A_20 = arith.muli %add3A, %mul3A_19 : i32
      %add3A_21 = arith.addi %mul3A_20, %add3A_18 : i32
      %mul3A_22 = arith.constant 128 : i32
      %mul3A_23 = arith.muli %add3A_21, %mul3A_22 : i32
      "tpu.region"() ({
        %run_scoped3A = tpu.sem_alloc : memref<!tpu.dma_semaphore, #tpu.memory_space<semaphore_mem>>
        %dma_start3A_335 = arith.constant 0 : i32
        %dma_start3A_336 = tpu.memref_slice %arg2[%add3A_21, %dma_start3A_335] : memref<128x1152xi32, #tpu.memory_space<hbm>> -> memref<1x1152xi32, #tpu.memory_space<hbm>>
        %dma_start3A_337 = tpu.memref_squeeze %dma_start3A_336 : memref<1x1152xi32, #tpu.memory_space<hbm>> -> memref<1152xi32, #tpu.memory_space<hbm>>
        %dma_start3A_338 = arith.constant 0 : i32
        %dma_start3A_339 = tpu.memref_slice %arg2[%add3A_21, %dma_start3A_338] : memref<128x1152xi32, #tpu.memory_space<hbm>> -> memref<1x1152xi32, #tpu.memory_space<hbm>>
        %dma_start3A_340 = tpu.memref_squeeze %dma_start3A_339 : memref<1x1152xi32, #tpu.memory_space<hbm>> -> memref<1152xi32, #tpu.memory_space<hbm>>
        tpu.enqueue_dma source(%dma_start3A_340 : memref<1152xi32, #tpu.memory_space<hbm>>) target(%arg7 : memref<1152xi32, #tpu.memory_space<vmem>>) target_semaphore(%run_scoped3A : memref<!tpu.dma_semaphore, #tpu.memory_space<semaphore_mem>>)
        %dma_wait3A_341 = arith.constant 0 : i32
        %dma_wait3A_342 = tpu.memref_slice %arg2[%add3A_21, %dma_wait3A_341] : memref<128x1152xi32, #tpu.memory_space<hbm>> -> memref<1x1152xi32, #tpu.memory_space<hbm>>
        %dma_wait3A_343 = tpu.memref_squeeze %dma_wait3A_342 : memref<1x1152xi32, #tpu.memory_space<hbm>> -> memref<1152xi32, #tpu.memory_space<hbm>>
        %dma_wait3A_344 = arith.constant 0 : i32
        %dma_wait3A_345 = tpu.memref_slice %arg2[%add3A_21, %dma_wait3A_344] : memref<128x1152xi32, #tpu.memory_space<hbm>> -> memref<1x1152xi32, #tpu.memory_space<hbm>>
        %dma_wait3A_346 = tpu.memref_squeeze %dma_wait3A_345 : memref<1x1152xi32, #tpu.memory_space<hbm>> -> memref<1152xi32, #tpu.memory_space<hbm>>
        tpu.wait_dma2 semaphore(%run_scoped3A : memref<!tpu.dma_semaphore, #tpu.memory_space<semaphore_mem>>) src(%dma_wait3A_346 : memref<1152xi32, #tpu.memory_space<hbm>>) dst(%arg7 : memref<1152xi32, #tpu.memory_space<vmem>>)
        tpu.yield
      }) : () -> ()
      %dma_start3A = arith.constant 0 : i32
      %dma_start3A_24 = tpu.memref_slice %arg7[%dma_start3A] : memref<1152xi32, #tpu.memory_space<vmem>> -> memref<128xi32, #tpu.memory_space<vmem>>
      %dma_start3A_25 = arith.constant 0 : i32
      %dma_start3A_26 = arith.constant 0 : i32
      %dma_start3A_27 = tpu.memref_slice %arg3[%dma_start3A_25, %dma_start3A_26] : memref<100001x128xf32, #tpu.memory_space<hbm>> -> memref<100001x128xf32, #tpu.memory_space<hbm>>
      tpu.enqueue_indirect_dma source(%dma_start3A_27 : memref<100001x128xf32, #tpu.memory_space<hbm>>) target(%arg9 : memref<128x128xf32, #tpu.memory_space<vmem>>) offsets(%dma_start3A_24 : memref<128xi32, #tpu.memory_space<vmem>>) semaphore(%arg15 : memref<!tpu.dma_semaphore, #tpu.memory_space<semaphore_mem>>)
      %dma_start3A_28 = arith.constant 128 : i32
      %dma_start3A_29 = tpu.memref_slice %arg7[%dma_start3A_28] : memref<1152xi32, #tpu.memory_space<vmem>> -> memref<128xi32, #tpu.memory_space<vmem>>
      %dma_start3A_30 = arith.constant 0 : i32
      %dma_start3A_31 = arith.constant 0 : i32
      %dma_start3A_32 = tpu.memref_slice %arg3[%dma_start3A_30, %dma_start3A_31] : memref<100001x128xf32, #tpu.memory_space<hbm>> -> memref<100001x128xf32, #tpu.memory_space<hbm>>
      tpu.enqueue_indirect_dma source(%dma_start3A_32 : memref<100001x128xf32, #tpu.memory_space<hbm>>) target(%arg10 : memref<128x128xf32, #tpu.memory_space<vmem>>) offsets(%dma_start3A_29 : memref<128xi32, #tpu.memory_space<vmem>>) semaphore(%arg16 : memref<!tpu.dma_semaphore, #tpu.memory_space<semaphore_mem>>)
      %gt3A = arith.constant 0 : i32
      %gt3A_33 = arith.cmpi sgt, %add3A_18, %gt3A : i32
      %convert_element_type3A = arith.extui %gt3A_33 : i1 to i32
      %cond3A = arith.constant 0 : i32
      %cond3A_34 = arith.cmpi ne, %convert_element_type3A, %cond3A : i32
      scf.if %cond3A_34 {
        %dma_wait3A_335 = arith.constant 0 : i32
        %dma_wait3A_336 = tpu.memref_slice %arg6[%mul3A_23, %dma_wait3A_335] : memref<16384x128xf32, #tpu.memory_space<hbm>> -> memref<128x128xf32, #tpu.memory_space<hbm>>
        %dma_wait3A_337 = arith.constant 0 : i32
        %dma_wait3A_338 = arith.constant 0 : i32
        %dma_wait3A_339 = tpu.memref_slice %arg13[%arg1, %dma_wait3A_337, %dma_wait3A_338] : memref<16x128x128xf32, #tpu.memory_space<vmem_shared>> -> memref<1x128x128xf32, #tpu.memory_space<vmem_shared>>
        %dma_wait3A_340 = tpu.memref_squeeze %dma_wait3A_339 : memref<1x128x128xf32, #tpu.memory_space<vmem_shared>> -> memref<128x128xf32, #tpu.memory_space<vmem_shared>>
        tpu.wait_dma2 semaphore(%arg24 : memref<!tpu.dma_semaphore, #tpu.memory_space<semaphore_mem>>) src(%dma_wait3A_340 : memref<128x128xf32, #tpu.memory_space<vmem_shared>>) dst(%dma_wait3A_336 : memref<128x128xf32, #tpu.memory_space<hbm>>)
      } else {
      }
      %dma_start3A_35 = arith.constant 0 : i32
      %dma_start3A_36 = arith.constant 0 : i32
      %dma_start3A_37 = tpu.memref_slice %arg13[%arg1, %dma_start3A_35, %dma_start3A_36] : memref<16x128x128xf32, #tpu.memory_space<vmem_shared>> -> memref<1x128x128xf32, #tpu.memory_space<vmem_shared>>
      %dma_start3A_38 = tpu.memref_squeeze %dma_start3A_37 : memref<1x128x128xf32, #tpu.memory_space<vmem_shared>> -> memref<128x128xf32, #tpu.memory_space<vmem_shared>>
      %dma_start3A_39 = arith.constant 0 : i32
      %dma_start3A_40 = arith.constant 0 : i32
      %dma_start3A_41 = tpu.memref_slice %arg13[%arg1, %dma_start3A_39, %dma_start3A_40] : memref<16x128x128xf32, #tpu.memory_space<vmem_shared>> -> memref<1x128x128xf32, #tpu.memory_space<vmem_shared>>
      %dma_start3A_42 = tpu.memref_squeeze %dma_start3A_41 : memref<1x128x128xf32, #tpu.memory_space<vmem_shared>> -> memref<128x128xf32, #tpu.memory_space<vmem_shared>>
      tpu.enqueue_dma source(%arg14 : memref<128x128xf32, #tpu.memory_space<vmem>>) target(%dma_start3A_42 : memref<128x128xf32, #tpu.memory_space<vmem_shared>>) target_semaphore(%arg23 : memref<!tpu.dma_semaphore, #tpu.memory_space<semaphore_mem>>)
      %dma_start3A_43 = arith.constant 256 : i32
      %dma_start3A_44 = tpu.memref_slice %arg7[%dma_start3A_43] : memref<1152xi32, #tpu.memory_space<vmem>> -> memref<128xi32, #tpu.memory_space<vmem>>
      %dma_start3A_45 = arith.constant 0 : i32
      %dma_start3A_46 = arith.constant 0 : i32
      %dma_start3A_47 = tpu.memref_slice %arg3[%dma_start3A_45, %dma_start3A_46] : memref<100001x128xf32, #tpu.memory_space<hbm>> -> memref<100001x128xf32, #tpu.memory_space<hbm>>
      tpu.enqueue_indirect_dma source(%dma_start3A_47 : memref<100001x128xf32, #tpu.memory_space<hbm>>) target(%arg11 : memref<128x128xf32, #tpu.memory_space<vmem>>) offsets(%dma_start3A_44 : memref<128xi32, #tpu.memory_space<vmem>>) semaphore(%arg17 : memref<!tpu.dma_semaphore, #tpu.memory_space<semaphore_mem>>)
      %dma_wait3A_48 = arith.constant 0 : i32
      %dma_wait3A_49 = tpu.memref_slice %arg7[%dma_wait3A_48] : memref<1152xi32, #tpu.memory_space<vmem>> -> memref<128xi32, #tpu.memory_space<vmem>>
      %dma_wait3A_50 = arith.constant 0 : i32
      %dma_wait3A_51 = arith.constant 0 : i32
      %dma_wait3A_52 = tpu.memref_slice %arg3[%dma_wait3A_50, %dma_wait3A_51] : memref<100001x128xf32, #tpu.memory_space<hbm>> -> memref<100001x128xf32, #tpu.memory_space<hbm>>
      tpu.wait_indirect_dma semaphore(%arg15 : memref<!tpu.dma_semaphore, #tpu.memory_space<semaphore_mem>>) src(%dma_wait3A_52 : memref<100001x128xf32, #tpu.memory_space<hbm>>) dst(%arg9 : memref<128x128xf32, #tpu.memory_space<vmem>>)
      %dma_wait3A_53 = arith.constant 0 : i32
      %dma_wait3A_54 = arith.constant 0 : i32
      %dma_wait3A_55 = tpu.memref_slice %arg13[%arg1, %dma_wait3A_53, %dma_wait3A_54] : memref<16x128x128xf32, #tpu.memory_space<vmem_shared>> -> memref<1x128x128xf32, #tpu.memory_space<vmem_shared>>
      %dma_wait3A_56 = tpu.memref_squeeze %dma_wait3A_55 : memref<1x128x128xf32, #tpu.memory_space<vmem_shared>> -> memref<128x128xf32, #tpu.memory_space<vmem_shared>>
      %dma_wait3A_57 = arith.constant 0 : i32
      %dma_wait3A_58 = arith.constant 0 : i32
      %dma_wait3A_59 = tpu.memref_slice %arg13[%arg1, %dma_wait3A_57, %dma_wait3A_58] : memref<16x128x128xf32, #tpu.memory_space<vmem_shared>> -> memref<1x128x128xf32, #tpu.memory_space<vmem_shared>>
      %dma_wait3A_60 = tpu.memref_squeeze %dma_wait3A_59 : memref<1x128x128xf32, #tpu.memory_space<vmem_shared>> -> memref<128x128xf32, #tpu.memory_space<vmem_shared>>
      tpu.wait_dma2 semaphore(%arg23 : memref<!tpu.dma_semaphore, #tpu.memory_space<semaphore_mem>>) src(%arg14 : memref<128x128xf32, #tpu.memory_space<vmem>>) dst(%dma_wait3A_60 : memref<128x128xf32, #tpu.memory_space<vmem_shared>>)
      %dma_start3A_61 = arith.constant 0 : i32
      %dma_start3A_62 = arith.constant 0 : i32
      %dma_start3A_63 = tpu.memref_slice %arg8[%dma_start3A_61, %dma_start3A_62] : memref<9x128xi32, #tpu.memory_space<vmem>> -> memref<1x128xi32, #tpu.memory_space<vmem>>
      %dma_start3A_64 = tpu.memref_squeeze %dma_start3A_63 : memref<1x128xi32, #tpu.memory_space<vmem>> -> memref<128xi32, #tpu.memory_space<vmem>>
      %dma_start3A_65 = arith.constant 0 : i32
      %dma_start3A_66 = arith.constant 0 : i32
      %dma_start3A_67 = tpu.memref_slice %arg13[%arg1, %dma_start3A_65, %dma_start3A_66] : memref<16x128x128xf32, #tpu.memory_space<vmem_shared>> -> memref<1x128x128xf32, #tpu.memory_space<vmem_shared>>
      %dma_start3A_68 = tpu.memref_squeeze %dma_start3A_67 : memref<1x128x128xf32, #tpu.memory_space<vmem_shared>> -> memref<128x128xf32, #tpu.memory_space<vmem_shared>>
      %dma_start3A_69 = arith.constant 0 : i32
      %dma_start3A_70 = arith.constant 0 : i32
      %dma_start3A_71 = tpu.memref_slice %dma_start3A_68[%dma_start3A_69, %dma_start3A_70] : memref<128x128xf32, #tpu.memory_space<vmem_shared>> -> memref<128x128xf32, #tpu.memory_space<vmem_shared>>
      tpu.enqueue_indirect_dma source(%arg9 : memref<128x128xf32, #tpu.memory_space<vmem>>) target(%dma_start3A_71 : memref<128x128xf32, #tpu.memory_space<vmem_shared>>) offsets(%dma_start3A_64 : memref<128xi32, #tpu.memory_space<vmem>>) semaphore(%arg19 : memref<!tpu.dma_semaphore, #tpu.memory_space<semaphore_mem>>) {add = true}
      %dma_start3A_72 = arith.constant 384 : i32
      %dma_start3A_73 = tpu.memref_slice %arg7[%dma_start3A_72] : memref<1152xi32, #tpu.memory_space<vmem>> -> memref<128xi32, #tpu.memory_space<vmem>>
      %dma_start3A_74 = arith.constant 0 : i32
      %dma_start3A_75 = arith.constant 0 : i32
      %dma_start3A_76 = tpu.memref_slice %arg3[%dma_start3A_74, %dma_start3A_75] : memref<100001x128xf32, #tpu.memory_space<hbm>> -> memref<100001x128xf32, #tpu.memory_space<hbm>>
      tpu.enqueue_indirect_dma source(%dma_start3A_76 : memref<100001x128xf32, #tpu.memory_space<hbm>>) target(%arg12 : memref<128x128xf32, #tpu.memory_space<vmem>>) offsets(%dma_start3A_73 : memref<128xi32, #tpu.memory_space<vmem>>) semaphore(%arg18 : memref<!tpu.dma_semaphore, #tpu.memory_space<semaphore_mem>>)
      %dma_wait3A_77 = arith.constant 128 : i32
      %dma_wait3A_78 = tpu.memref_slice %arg7[%dma_wait3A_77] : memref<1152xi32, #tpu.memory_space<vmem>> -> memref<128xi32, #tpu.memory_space<vmem>>
      %dma_wait3A_79 = arith.constant 0 : i32
      %dma_wait3A_80 = arith.constant 0 : i32
      %dma_wait3A_81 = tpu.memref_slice %arg3[%dma_wait3A_79, %dma_wait3A_80] : memref<100001x128xf32, #tpu.memory_space<hbm>> -> memref<100001x128xf32, #tpu.memory_space<hbm>>
      tpu.wait_indirect_dma semaphore(%arg16 : memref<!tpu.dma_semaphore, #tpu.memory_space<semaphore_mem>>) src(%dma_wait3A_81 : memref<100001x128xf32, #tpu.memory_space<hbm>>) dst(%arg10 : memref<128x128xf32, #tpu.memory_space<vmem>>)
      %dma_start3A_82 = arith.constant 1 : i32
      %dma_start3A_83 = arith.constant 0 : i32
      %dma_start3A_84 = tpu.memref_slice %arg8[%dma_start3A_82, %dma_start3A_83] : memref<9x128xi32, #tpu.memory_space<vmem>> -> memref<1x128xi32, #tpu.memory_space<vmem>>
      %dma_start3A_85 = tpu.memref_squeeze %dma_start3A_84 : memref<1x128xi32, #tpu.memory_space<vmem>> -> memref<128xi32, #tpu.memory_space<vmem>>
      %dma_start3A_86 = arith.constant 0 : i32
      %dma_start3A_87 = arith.constant 0 : i32
      %dma_start3A_88 = tpu.memref_slice %arg13[%arg1, %dma_start3A_86, %dma_start3A_87] : memref<16x128x128xf32, #tpu.memory_space<vmem_shared>> -> memref<1x128x128xf32, #tpu.memory_space<vmem_shared>>
      %dma_start3A_89 = tpu.memref_squeeze %dma_start3A_88 : memref<1x128x128xf32, #tpu.memory_space<vmem_shared>> -> memref<128x128xf32, #tpu.memory_space<vmem_shared>>
      %dma_start3A_90 = arith.constant 0 : i32
      %dma_start3A_91 = arith.constant 0 : i32
      %dma_start3A_92 = tpu.memref_slice %dma_start3A_89[%dma_start3A_90, %dma_start3A_91] : memref<128x128xf32, #tpu.memory_space<vmem_shared>> -> memref<128x128xf32, #tpu.memory_space<vmem_shared>>
      tpu.enqueue_indirect_dma source(%arg10 : memref<128x128xf32, #tpu.memory_space<vmem>>) target(%dma_start3A_92 : memref<128x128xf32, #tpu.memory_space<vmem_shared>>) offsets(%dma_start3A_85 : memref<128xi32, #tpu.memory_space<vmem>>) semaphore(%arg20 : memref<!tpu.dma_semaphore, #tpu.memory_space<semaphore_mem>>) {add = true}
      %dma_wait3A_93 = arith.constant 0 : i32
      %dma_wait3A_94 = arith.constant 0 : i32
      %dma_wait3A_95 = tpu.memref_slice %arg8[%dma_wait3A_93, %dma_wait3A_94] : memref<9x128xi32, #tpu.memory_space<vmem>> -> memref<1x128xi32, #tpu.memory_space<vmem>>
      %dma_wait3A_96 = tpu.memref_squeeze %dma_wait3A_95 : memref<1x128xi32, #tpu.memory_space<vmem>> -> memref<128xi32, #tpu.memory_space<vmem>>
      %dma_wait3A_97 = arith.constant 0 : i32
      %dma_wait3A_98 = arith.constant 0 : i32
      %dma_wait3A_99 = tpu.memref_slice %arg13[%arg1, %dma_wait3A_97, %dma_wait3A_98] : memref<16x128x128xf32, #tpu.memory_space<vmem_shared>> -> memref<1x128x128xf32, #tpu.memory_space<vmem_shared>>
      %dma_wait3A_100 = tpu.memref_squeeze %dma_wait3A_99 : memref<1x128x128xf32, #tpu.memory_space<vmem_shared>> -> memref<128x128xf32, #tpu.memory_space<vmem_shared>>
      %dma_wait3A_101 = arith.constant 0 : i32
      %dma_wait3A_102 = arith.constant 0 : i32
      %dma_wait3A_103 = tpu.memref_slice %dma_wait3A_100[%dma_wait3A_101, %dma_wait3A_102] : memref<128x128xf32, #tpu.memory_space<vmem_shared>> -> memref<128x128xf32, #tpu.memory_space<vmem_shared>>
      tpu.wait_indirect_dma semaphore(%arg19 : memref<!tpu.dma_semaphore, #tpu.memory_space<semaphore_mem>>) src(%arg9 : memref<128x128xf32, #tpu.memory_space<vmem>>) dst(%dma_wait3A_103 : memref<128x128xf32, #tpu.memory_space<vmem_shared>>)
      %dma_start3A_104 = arith.constant 512 : i32
      %dma_start3A_105 = tpu.memref_slice %arg7[%dma_start3A_104] : memref<1152xi32, #tpu.memory_space<vmem>> -> memref<128xi32, #tpu.memory_space<vmem>>
      %dma_start3A_106 = arith.constant 0 : i32
      %dma_start3A_107 = arith.constant 0 : i32
      %dma_start3A_108 = tpu.memref_slice %arg3[%dma_start3A_106, %dma_start3A_107] : memref<100001x128xf32, #tpu.memory_space<hbm>> -> memref<100001x128xf32, #tpu.memory_space<hbm>>
      tpu.enqueue_indirect_dma source(%dma_start3A_108 : memref<100001x128xf32, #tpu.memory_space<hbm>>) target(%arg9 : memref<128x128xf32, #tpu.memory_space<vmem>>) offsets(%dma_start3A_105 : memref<128xi32, #tpu.memory_space<vmem>>) semaphore(%arg15 : memref<!tpu.dma_semaphore, #tpu.memory_space<semaphore_mem>>)
      %dma_wait3A_109 = arith.constant 256 : i32
      %dma_wait3A_110 = tpu.memref_slice %arg7[%dma_wait3A_109] : memref<1152xi32, #tpu.memory_space<vmem>> -> memref<128xi32, #tpu.memory_space<vmem>>
      %dma_wait3A_111 = arith.constant 0 : i32
      %dma_wait3A_112 = arith.constant 0 : i32
      %dma_wait3A_113 = tpu.memref_slice %arg3[%dma_wait3A_111, %dma_wait3A_112] : memref<100001x128xf32, #tpu.memory_space<hbm>> -> memref<100001x128xf32, #tpu.memory_space<hbm>>
      tpu.wait_indirect_dma semaphore(%arg17 : memref<!tpu.dma_semaphore, #tpu.memory_space<semaphore_mem>>) src(%dma_wait3A_113 : memref<100001x128xf32, #tpu.memory_space<hbm>>) dst(%arg11 : memref<128x128xf32, #tpu.memory_space<vmem>>)
      %dma_start3A_114 = arith.constant 2 : i32
      %dma_start3A_115 = arith.constant 0 : i32
      %dma_start3A_116 = tpu.memref_slice %arg8[%dma_start3A_114, %dma_start3A_115] : memref<9x128xi32, #tpu.memory_space<vmem>> -> memref<1x128xi32, #tpu.memory_space<vmem>>
      %dma_start3A_117 = tpu.memref_squeeze %dma_start3A_116 : memref<1x128xi32, #tpu.memory_space<vmem>> -> memref<128xi32, #tpu.memory_space<vmem>>
      %dma_start3A_118 = arith.constant 0 : i32
      %dma_start3A_119 = arith.constant 0 : i32
      %dma_start3A_120 = tpu.memref_slice %arg13[%arg1, %dma_start3A_118, %dma_start3A_119] : memref<16x128x128xf32, #tpu.memory_space<vmem_shared>> -> memref<1x128x128xf32, #tpu.memory_space<vmem_shared>>
      %dma_start3A_121 = tpu.memref_squeeze %dma_start3A_120 : memref<1x128x128xf32, #tpu.memory_space<vmem_shared>> -> memref<128x128xf32, #tpu.memory_space<vmem_shared>>
      %dma_start3A_122 = arith.constant 0 : i32
      %dma_start3A_123 = arith.constant 0 : i32
      %dma_start3A_124 = tpu.memref_slice %dma_start3A_121[%dma_start3A_122, %dma_start3A_123] : memref<128x128xf32, #tpu.memory_space<vmem_shared>> -> memref<128x128xf32, #tpu.memory_space<vmem_shared>>
      tpu.enqueue_indirect_dma source(%arg11 : memref<128x128xf32, #tpu.memory_space<vmem>>) target(%dma_start3A_124 : memref<128x128xf32, #tpu.memory_space<vmem_shared>>) offsets(%dma_start3A_117 : memref<128xi32, #tpu.memory_space<vmem>>) semaphore(%arg21 : memref<!tpu.dma_semaphore, #tpu.memory_space<semaphore_mem>>) {add = true}
      %dma_wait3A_125 = arith.constant 1 : i32
      %dma_wait3A_126 = arith.constant 0 : i32
      %dma_wait3A_127 = tpu.memref_slice %arg8[%dma_wait3A_125, %dma_wait3A_126] : memref<9x128xi32, #tpu.memory_space<vmem>> -> memref<1x128xi32, #tpu.memory_space<vmem>>
      %dma_wait3A_128 = tpu.memref_squeeze %dma_wait3A_127 : memref<1x128xi32, #tpu.memory_space<vmem>> -> memref<128xi32, #tpu.memory_space<vmem>>
      %dma_wait3A_129 = arith.constant 0 : i32
      %dma_wait3A_130 = arith.constant 0 : i32
      %dma_wait3A_131 = tpu.memref_slice %arg13[%arg1, %dma_wait3A_129, %dma_wait3A_130] : memref<16x128x128xf32, #tpu.memory_space<vmem_shared>> -> memref<1x128x128xf32, #tpu.memory_space<vmem_shared>>
      %dma_wait3A_132 = tpu.memref_squeeze %dma_wait3A_131 : memref<1x128x128xf32, #tpu.memory_space<vmem_shared>> -> memref<128x128xf32, #tpu.memory_space<vmem_shared>>
      %dma_wait3A_133 = arith.constant 0 : i32
      %dma_wait3A_134 = arith.constant 0 : i32
      %dma_wait3A_135 = tpu.memref_slice %dma_wait3A_132[%dma_wait3A_133, %dma_wait3A_134] : memref<128x128xf32, #tpu.memory_space<vmem_shared>> -> memref<128x128xf32, #tpu.memory_space<vmem_shared>>
      tpu.wait_indirect_dma semaphore(%arg20 : memref<!tpu.dma_semaphore, #tpu.memory_space<semaphore_mem>>) src(%arg10 : memref<128x128xf32, #tpu.memory_space<vmem>>) dst(%dma_wait3A_135 : memref<128x128xf32, #tpu.memory_space<vmem_shared>>)
      %dma_start3A_136 = arith.constant 640 : i32
      %dma_start3A_137 = tpu.memref_slice %arg7[%dma_start3A_136] : memref<1152xi32, #tpu.memory_space<vmem>> -> memref<128xi32, #tpu.memory_space<vmem>>
      %dma_start3A_138 = arith.constant 0 : i32
      %dma_start3A_139 = arith.constant 0 : i32
      %dma_start3A_140 = tpu.memref_slice %arg3[%dma_start3A_138, %dma_start3A_139] : memref<100001x128xf32, #tpu.memory_space<hbm>> -> memref<100001x128xf32, #tpu.memory_space<hbm>>
      tpu.enqueue_indirect_dma source(%dma_start3A_140 : memref<100001x128xf32, #tpu.memory_space<hbm>>) target(%arg10 : memref<128x128xf32, #tpu.memory_space<vmem>>) offsets(%dma_start3A_137 : memref<128xi32, #tpu.memory_space<vmem>>) semaphore(%arg16 : memref<!tpu.dma_semaphore, #tpu.memory_space<semaphore_mem>>)
      %dma_wait3A_141 = arith.constant 384 : i32
      %dma_wait3A_142 = tpu.memref_slice %arg7[%dma_wait3A_141] : memref<1152xi32, #tpu.memory_space<vmem>> -> memref<128xi32, #tpu.memory_space<vmem>>
      %dma_wait3A_143 = arith.constant 0 : i32
      %dma_wait3A_144 = arith.constant 0 : i32
      %dma_wait3A_145 = tpu.memref_slice %arg3[%dma_wait3A_143, %dma_wait3A_144] : memref<100001x128xf32, #tpu.memory_space<hbm>> -> memref<100001x128xf32, #tpu.memory_space<hbm>>
      tpu.wait_indirect_dma semaphore(%arg18 : memref<!tpu.dma_semaphore, #tpu.memory_space<semaphore_mem>>) src(%dma_wait3A_145 : memref<100001x128xf32, #tpu.memory_space<hbm>>) dst(%arg12 : memref<128x128xf32, #tpu.memory_space<vmem>>)
      %dma_start3A_146 = arith.constant 3 : i32
      %dma_start3A_147 = arith.constant 0 : i32
      %dma_start3A_148 = tpu.memref_slice %arg8[%dma_start3A_146, %dma_start3A_147] : memref<9x128xi32, #tpu.memory_space<vmem>> -> memref<1x128xi32, #tpu.memory_space<vmem>>
      %dma_start3A_149 = tpu.memref_squeeze %dma_start3A_148 : memref<1x128xi32, #tpu.memory_space<vmem>> -> memref<128xi32, #tpu.memory_space<vmem>>
      %dma_start3A_150 = arith.constant 0 : i32
      %dma_start3A_151 = arith.constant 0 : i32
      %dma_start3A_152 = tpu.memref_slice %arg13[%arg1, %dma_start3A_150, %dma_start3A_151] : memref<16x128x128xf32, #tpu.memory_space<vmem_shared>> -> memref<1x128x128xf32, #tpu.memory_space<vmem_shared>>
      %dma_start3A_153 = tpu.memref_squeeze %dma_start3A_152 : memref<1x128x128xf32, #tpu.memory_space<vmem_shared>> -> memref<128x128xf32, #tpu.memory_space<vmem_shared>>
      %dma_start3A_154 = arith.constant 0 : i32
      %dma_start3A_155 = arith.constant 0 : i32
      %dma_start3A_156 = tpu.memref_slice %dma_start3A_153[%dma_start3A_154, %dma_start3A_155] : memref<128x128xf32, #tpu.memory_space<vmem_shared>> -> memref<128x128xf32, #tpu.memory_space<vmem_shared>>
      tpu.enqueue_indirect_dma source(%arg12 : memref<128x128xf32, #tpu.memory_space<vmem>>) target(%dma_start3A_156 : memref<128x128xf32, #tpu.memory_space<vmem_shared>>) offsets(%dma_start3A_149 : memref<128xi32, #tpu.memory_space<vmem>>) semaphore(%arg22 : memref<!tpu.dma_semaphore, #tpu.memory_space<semaphore_mem>>) {add = true}
      %dma_wait3A_157 = arith.constant 2 : i32
      %dma_wait3A_158 = arith.constant 0 : i32
      %dma_wait3A_159 = tpu.memref_slice %arg8[%dma_wait3A_157, %dma_wait3A_158] : memref<9x128xi32, #tpu.memory_space<vmem>> -> memref<1x128xi32, #tpu.memory_space<vmem>>
      %dma_wait3A_160 = tpu.memref_squeeze %dma_wait3A_159 : memref<1x128xi32, #tpu.memory_space<vmem>> -> memref<128xi32, #tpu.memory_space<vmem>>
      %dma_wait3A_161 = arith.constant 0 : i32
      %dma_wait3A_162 = arith.constant 0 : i32
      %dma_wait3A_163 = tpu.memref_slice %arg13[%arg1, %dma_wait3A_161, %dma_wait3A_162] : memref<16x128x128xf32, #tpu.memory_space<vmem_shared>> -> memref<1x128x128xf32, #tpu.memory_space<vmem_shared>>
      %dma_wait3A_164 = tpu.memref_squeeze %dma_wait3A_163 : memref<1x128x128xf32, #tpu.memory_space<vmem_shared>> -> memref<128x128xf32, #tpu.memory_space<vmem_shared>>
      %dma_wait3A_165 = arith.constant 0 : i32
      %dma_wait3A_166 = arith.constant 0 : i32
      %dma_wait3A_167 = tpu.memref_slice %dma_wait3A_164[%dma_wait3A_165, %dma_wait3A_166] : memref<128x128xf32, #tpu.memory_space<vmem_shared>> -> memref<128x128xf32, #tpu.memory_space<vmem_shared>>
      tpu.wait_indirect_dma semaphore(%arg21 : memref<!tpu.dma_semaphore, #tpu.memory_space<semaphore_mem>>) src(%arg11 : memref<128x128xf32, #tpu.memory_space<vmem>>) dst(%dma_wait3A_167 : memref<128x128xf32, #tpu.memory_space<vmem_shared>>)
      %dma_start3A_168 = arith.constant 768 : i32
      %dma_start3A_169 = tpu.memref_slice %arg7[%dma_start3A_168] : memref<1152xi32, #tpu.memory_space<vmem>> -> memref<128xi32, #tpu.memory_space<vmem>>
      %dma_start3A_170 = arith.constant 0 : i32
      %dma_start3A_171 = arith.constant 0 : i32
      %dma_start3A_172 = tpu.memref_slice %arg3[%dma_start3A_170, %dma_start3A_171] : memref<100001x128xf32, #tpu.memory_space<hbm>> -> memref<100001x128xf32, #tpu.memory_space<hbm>>
      tpu.enqueue_indirect_dma source(%dma_start3A_172 : memref<100001x128xf32, #tpu.memory_space<hbm>>) target(%arg11 : memref<128x128xf32, #tpu.memory_space<vmem>>) offsets(%dma_start3A_169 : memref<128xi32, #tpu.memory_space<vmem>>) semaphore(%arg17 : memref<!tpu.dma_semaphore, #tpu.memory_space<semaphore_mem>>)
      %dma_wait3A_173 = arith.constant 512 : i32
      %dma_wait3A_174 = tpu.memref_slice %arg7[%dma_wait3A_173] : memref<1152xi32, #tpu.memory_space<vmem>> -> memref<128xi32, #tpu.memory_space<vmem>>
      %dma_wait3A_175 = arith.constant 0 : i32
      %dma_wait3A_176 = arith.constant 0 : i32
      %dma_wait3A_177 = tpu.memref_slice %arg3[%dma_wait3A_175, %dma_wait3A_176] : memref<100001x128xf32, #tpu.memory_space<hbm>> -> memref<100001x128xf32, #tpu.memory_space<hbm>>
      tpu.wait_indirect_dma semaphore(%arg15 : memref<!tpu.dma_semaphore, #tpu.memory_space<semaphore_mem>>) src(%dma_wait3A_177 : memref<100001x128xf32, #tpu.memory_space<hbm>>) dst(%arg9 : memref<128x128xf32, #tpu.memory_space<vmem>>)
      %dma_start3A_178 = arith.constant 4 : i32
      %dma_start3A_179 = arith.constant 0 : i32
      %dma_start3A_180 = tpu.memref_slice %arg8[%dma_start3A_178, %dma_start3A_179] : memref<9x128xi32, #tpu.memory_space<vmem>> -> memref<1x128xi32, #tpu.memory_space<vmem>>
      %dma_start3A_181 = tpu.memref_squeeze %dma_start3A_180 : memref<1x128xi32, #tpu.memory_space<vmem>> -> memref<128xi32, #tpu.memory_space<vmem>>
      %dma_start3A_182 = arith.constant 0 : i32
      %dma_start3A_183 = arith.constant 0 : i32
      %dma_start3A_184 = tpu.memref_slice %arg13[%arg1, %dma_start3A_182, %dma_start3A_183] : memref<16x128x128xf32, #tpu.memory_space<vmem_shared>> -> memref<1x128x128xf32, #tpu.memory_space<vmem_shared>>
      %dma_start3A_185 = tpu.memref_squeeze %dma_start3A_184 : memref<1x128x128xf32, #tpu.memory_space<vmem_shared>> -> memref<128x128xf32, #tpu.memory_space<vmem_shared>>
      %dma_start3A_186 = arith.constant 0 : i32
      %dma_start3A_187 = arith.constant 0 : i32
      %dma_start3A_188 = tpu.memref_slice %dma_start3A_185[%dma_start3A_186, %dma_start3A_187] : memref<128x128xf32, #tpu.memory_space<vmem_shared>> -> memref<128x128xf32, #tpu.memory_space<vmem_shared>>
      tpu.enqueue_indirect_dma source(%arg9 : memref<128x128xf32, #tpu.memory_space<vmem>>) target(%dma_start3A_188 : memref<128x128xf32, #tpu.memory_space<vmem_shared>>) offsets(%dma_start3A_181 : memref<128xi32, #tpu.memory_space<vmem>>) semaphore(%arg19 : memref<!tpu.dma_semaphore, #tpu.memory_space<semaphore_mem>>) {add = true}
      %dma_wait3A_189 = arith.constant 3 : i32
      %dma_wait3A_190 = arith.constant 0 : i32
      %dma_wait3A_191 = tpu.memref_slice %arg8[%dma_wait3A_189, %dma_wait3A_190] : memref<9x128xi32, #tpu.memory_space<vmem>> -> memref<1x128xi32, #tpu.memory_space<vmem>>
      %dma_wait3A_192 = tpu.memref_squeeze %dma_wait3A_191 : memref<1x128xi32, #tpu.memory_space<vmem>> -> memref<128xi32, #tpu.memory_space<vmem>>
      %dma_wait3A_193 = arith.constant 0 : i32
      %dma_wait3A_194 = arith.constant 0 : i32
      %dma_wait3A_195 = tpu.memref_slice %arg13[%arg1, %dma_wait3A_193, %dma_wait3A_194] : memref<16x128x128xf32, #tpu.memory_space<vmem_shared>> -> memref<1x128x128xf32, #tpu.memory_space<vmem_shared>>
      %dma_wait3A_196 = tpu.memref_squeeze %dma_wait3A_195 : memref<1x128x128xf32, #tpu.memory_space<vmem_shared>> -> memref<128x128xf32, #tpu.memory_space<vmem_shared>>
      %dma_wait3A_197 = arith.constant 0 : i32
      %dma_wait3A_198 = arith.constant 0 : i32
      %dma_wait3A_199 = tpu.memref_slice %dma_wait3A_196[%dma_wait3A_197, %dma_wait3A_198] : memref<128x128xf32, #tpu.memory_space<vmem_shared>> -> memref<128x128xf32, #tpu.memory_space<vmem_shared>>
      tpu.wait_indirect_dma semaphore(%arg22 : memref<!tpu.dma_semaphore, #tpu.memory_space<semaphore_mem>>) src(%arg12 : memref<128x128xf32, #tpu.memory_space<vmem>>) dst(%dma_wait3A_199 : memref<128x128xf32, #tpu.memory_space<vmem_shared>>)
      %dma_start3A_200 = arith.constant 896 : i32
      %dma_start3A_201 = tpu.memref_slice %arg7[%dma_start3A_200] : memref<1152xi32, #tpu.memory_space<vmem>> -> memref<128xi32, #tpu.memory_space<vmem>>
      %dma_start3A_202 = arith.constant 0 : i32
      %dma_start3A_203 = arith.constant 0 : i32
      %dma_start3A_204 = tpu.memref_slice %arg3[%dma_start3A_202, %dma_start3A_203] : memref<100001x128xf32, #tpu.memory_space<hbm>> -> memref<100001x128xf32, #tpu.memory_space<hbm>>
      tpu.enqueue_indirect_dma source(%dma_start3A_204 : memref<100001x128xf32, #tpu.memory_space<hbm>>) target(%arg12 : memref<128x128xf32, #tpu.memory_space<vmem>>) offsets(%dma_start3A_201 : memref<128xi32, #tpu.memory_space<vmem>>) semaphore(%arg18 : memref<!tpu.dma_semaphore, #tpu.memory_space<semaphore_mem>>)
      %dma_wait3A_205 = arith.constant 640 : i32
      %dma_wait3A_206 = tpu.memref_slice %arg7[%dma_wait3A_205] : memref<1152xi32, #tpu.memory_space<vmem>> -> memref<128xi32, #tpu.memory_space<vmem>>
      %dma_wait3A_207 = arith.constant 0 : i32
      %dma_wait3A_208 = arith.constant 0 : i32
      %dma_wait3A_209 = tpu.memref_slice %arg3[%dma_wait3A_207, %dma_wait3A_208] : memref<100001x128xf32, #tpu.memory_space<hbm>> -> memref<100001x128xf32, #tpu.memory_space<hbm>>
      tpu.wait_indirect_dma semaphore(%arg16 : memref<!tpu.dma_semaphore, #tpu.memory_space<semaphore_mem>>) src(%dma_wait3A_209 : memref<100001x128xf32, #tpu.memory_space<hbm>>) dst(%arg10 : memref<128x128xf32, #tpu.memory_space<vmem>>)
      %dma_start3A_210 = arith.constant 5 : i32
      %dma_start3A_211 = arith.constant 0 : i32
      %dma_start3A_212 = tpu.memref_slice %arg8[%dma_start3A_210, %dma_start3A_211] : memref<9x128xi32, #tpu.memory_space<vmem>> -> memref<1x128xi32, #tpu.memory_space<vmem>>
      %dma_start3A_213 = tpu.memref_squeeze %dma_start3A_212 : memref<1x128xi32, #tpu.memory_space<vmem>> -> memref<128xi32, #tpu.memory_space<vmem>>
      %dma_start3A_214 = arith.constant 0 : i32
      %dma_start3A_215 = arith.constant 0 : i32
      %dma_start3A_216 = tpu.memref_slice %arg13[%arg1, %dma_start3A_214, %dma_start3A_215] : memref<16x128x128xf32, #tpu.memory_space<vmem_shared>> -> memref<1x128x128xf32, #tpu.memory_space<vmem_shared>>
      %dma_start3A_217 = tpu.memref_squeeze %dma_start3A_216 : memref<1x128x128xf32, #tpu.memory_space<vmem_shared>> -> memref<128x128xf32, #tpu.memory_space<vmem_shared>>
      %dma_start3A_218 = arith.constant 0 : i32
      %dma_start3A_219 = arith.constant 0 : i32
      %dma_start3A_220 = tpu.memref_slice %dma_start3A_217[%dma_start3A_218, %dma_start3A_219] : memref<128x128xf32, #tpu.memory_space<vmem_shared>> -> memref<128x128xf32, #tpu.memory_space<vmem_shared>>
      tpu.enqueue_indirect_dma source(%arg10 : memref<128x128xf32, #tpu.memory_space<vmem>>) target(%dma_start3A_220 : memref<128x128xf32, #tpu.memory_space<vmem_shared>>) offsets(%dma_start3A_213 : memref<128xi32, #tpu.memory_space<vmem>>) semaphore(%arg20 : memref<!tpu.dma_semaphore, #tpu.memory_space<semaphore_mem>>) {add = true}
      %dma_wait3A_221 = arith.constant 4 : i32
      %dma_wait3A_222 = arith.constant 0 : i32
      %dma_wait3A_223 = tpu.memref_slice %arg8[%dma_wait3A_221, %dma_wait3A_222] : memref<9x128xi32, #tpu.memory_space<vmem>> -> memref<1x128xi32, #tpu.memory_space<vmem>>
      %dma_wait3A_224 = tpu.memref_squeeze %dma_wait3A_223 : memref<1x128xi32, #tpu.memory_space<vmem>> -> memref<128xi32, #tpu.memory_space<vmem>>
      %dma_wait3A_225 = arith.constant 0 : i32
      %dma_wait3A_226 = arith.constant 0 : i32
      %dma_wait3A_227 = tpu.memref_slice %arg13[%arg1, %dma_wait3A_225, %dma_wait3A_226] : memref<16x128x128xf32, #tpu.memory_space<vmem_shared>> -> memref<1x128x128xf32, #tpu.memory_space<vmem_shared>>
      %dma_wait3A_228 = tpu.memref_squeeze %dma_wait3A_227 : memref<1x128x128xf32, #tpu.memory_space<vmem_shared>> -> memref<128x128xf32, #tpu.memory_space<vmem_shared>>
      %dma_wait3A_229 = arith.constant 0 : i32
      %dma_wait3A_230 = arith.constant 0 : i32
      %dma_wait3A_231 = tpu.memref_slice %dma_wait3A_228[%dma_wait3A_229, %dma_wait3A_230] : memref<128x128xf32, #tpu.memory_space<vmem_shared>> -> memref<128x128xf32, #tpu.memory_space<vmem_shared>>
      tpu.wait_indirect_dma semaphore(%arg19 : memref<!tpu.dma_semaphore, #tpu.memory_space<semaphore_mem>>) src(%arg9 : memref<128x128xf32, #tpu.memory_space<vmem>>) dst(%dma_wait3A_231 : memref<128x128xf32, #tpu.memory_space<vmem_shared>>)
      %dma_start3A_232 = arith.constant 1024 : i32
      %dma_start3A_233 = tpu.memref_slice %arg7[%dma_start3A_232] : memref<1152xi32, #tpu.memory_space<vmem>> -> memref<128xi32, #tpu.memory_space<vmem>>
      %dma_start3A_234 = arith.constant 0 : i32
      %dma_start3A_235 = arith.constant 0 : i32
      %dma_start3A_236 = tpu.memref_slice %arg3[%dma_start3A_234, %dma_start3A_235] : memref<100001x128xf32, #tpu.memory_space<hbm>> -> memref<100001x128xf32, #tpu.memory_space<hbm>>
      tpu.enqueue_indirect_dma source(%dma_start3A_236 : memref<100001x128xf32, #tpu.memory_space<hbm>>) target(%arg9 : memref<128x128xf32, #tpu.memory_space<vmem>>) offsets(%dma_start3A_233 : memref<128xi32, #tpu.memory_space<vmem>>) semaphore(%arg15 : memref<!tpu.dma_semaphore, #tpu.memory_space<semaphore_mem>>)
      %dma_wait3A_237 = arith.constant 768 : i32
      %dma_wait3A_238 = tpu.memref_slice %arg7[%dma_wait3A_237] : memref<1152xi32, #tpu.memory_space<vmem>> -> memref<128xi32, #tpu.memory_space<vmem>>
      %dma_wait3A_239 = arith.constant 0 : i32
      %dma_wait3A_240 = arith.constant 0 : i32
      %dma_wait3A_241 = tpu.memref_slice %arg3[%dma_wait3A_239, %dma_wait3A_240] : memref<100001x128xf32, #tpu.memory_space<hbm>> -> memref<100001x128xf32, #tpu.memory_space<hbm>>
      tpu.wait_indirect_dma semaphore(%arg17 : memref<!tpu.dma_semaphore, #tpu.memory_space<semaphore_mem>>) src(%dma_wait3A_241 : memref<100001x128xf32, #tpu.memory_space<hbm>>) dst(%arg11 : memref<128x128xf32, #tpu.memory_space<vmem>>)
      %dma_start3A_242 = arith.constant 6 : i32
      %dma_start3A_243 = arith.constant 0 : i32
      %dma_start3A_244 = tpu.memref_slice %arg8[%dma_start3A_242, %dma_start3A_243] : memref<9x128xi32, #tpu.memory_space<vmem>> -> memref<1x128xi32, #tpu.memory_space<vmem>>
      %dma_start3A_245 = tpu.memref_squeeze %dma_start3A_244 : memref<1x128xi32, #tpu.memory_space<vmem>> -> memref<128xi32, #tpu.memory_space<vmem>>
      %dma_start3A_246 = arith.constant 0 : i32
      %dma_start3A_247 = arith.constant 0 : i32
      %dma_start3A_248 = tpu.memref_slice %arg13[%arg1, %dma_start3A_246, %dma_start3A_247] : memref<16x128x128xf32, #tpu.memory_space<vmem_shared>> -> memref<1x128x128xf32, #tpu.memory_space<vmem_shared>>
      %dma_start3A_249 = tpu.memref_squeeze %dma_start3A_248 : memref<1x128x128xf32, #tpu.memory_space<vmem_shared>> -> memref<128x128xf32, #tpu.memory_space<vmem_shared>>
      %dma_start3A_250 = arith.constant 0 : i32
      %dma_start3A_251 = arith.constant 0 : i32
      %dma_start3A_252 = tpu.memref_slice %dma_start3A_249[%dma_start3A_250, %dma_start3A_251] : memref<128x128xf32, #tpu.memory_space<vmem_shared>> -> memref<128x128xf32, #tpu.memory_space<vmem_shared>>
      tpu.enqueue_indirect_dma source(%arg11 : memref<128x128xf32, #tpu.memory_space<vmem>>) target(%dma_start3A_252 : memref<128x128xf32, #tpu.memory_space<vmem_shared>>) offsets(%dma_start3A_245 : memref<128xi32, #tpu.memory_space<vmem>>) semaphore(%arg21 : memref<!tpu.dma_semaphore, #tpu.memory_space<semaphore_mem>>) {add = true}
      %dma_wait3A_253 = arith.constant 896 : i32
      %dma_wait3A_254 = tpu.memref_slice %arg7[%dma_wait3A_253] : memref<1152xi32, #tpu.memory_space<vmem>> -> memref<128xi32, #tpu.memory_space<vmem>>
      %dma_wait3A_255 = arith.constant 0 : i32
      %dma_wait3A_256 = arith.constant 0 : i32
      %dma_wait3A_257 = tpu.memref_slice %arg3[%dma_wait3A_255, %dma_wait3A_256] : memref<100001x128xf32, #tpu.memory_space<hbm>> -> memref<100001x128xf32, #tpu.memory_space<hbm>>
      tpu.wait_indirect_dma semaphore(%arg18 : memref<!tpu.dma_semaphore, #tpu.memory_space<semaphore_mem>>) src(%dma_wait3A_257 : memref<100001x128xf32, #tpu.memory_space<hbm>>) dst(%arg12 : memref<128x128xf32, #tpu.memory_space<vmem>>)
      %dma_start3A_258 = arith.constant 7 : i32
      %dma_start3A_259 = arith.constant 0 : i32
      %dma_start3A_260 = tpu.memref_slice %arg8[%dma_start3A_258, %dma_start3A_259] : memref<9x128xi32, #tpu.memory_space<vmem>> -> memref<1x128xi32, #tpu.memory_space<vmem>>
      %dma_start3A_261 = tpu.memref_squeeze %dma_start3A_260 : memref<1x128xi32, #tpu.memory_space<vmem>> -> memref<128xi32, #tpu.memory_space<vmem>>
      %dma_start3A_262 = arith.constant 0 : i32
      %dma_start3A_263 = arith.constant 0 : i32
      %dma_start3A_264 = tpu.memref_slice %arg13[%arg1, %dma_start3A_262, %dma_start3A_263] : memref<16x128x128xf32, #tpu.memory_space<vmem_shared>> -> memref<1x128x128xf32, #tpu.memory_space<vmem_shared>>
      %dma_start3A_265 = tpu.memref_squeeze %dma_start3A_264 : memref<1x128x128xf32, #tpu.memory_space<vmem_shared>> -> memref<128x128xf32, #tpu.memory_space<vmem_shared>>
      %dma_start3A_266 = arith.constant 0 : i32
      %dma_start3A_267 = arith.constant 0 : i32
      %dma_start3A_268 = tpu.memref_slice %dma_start3A_265[%dma_start3A_266, %dma_start3A_267] : memref<128x128xf32, #tpu.memory_space<vmem_shared>> -> memref<128x128xf32, #tpu.memory_space<vmem_shared>>
      tpu.enqueue_indirect_dma source(%arg12 : memref<128x128xf32, #tpu.memory_space<vmem>>) target(%dma_start3A_268 : memref<128x128xf32, #tpu.memory_space<vmem_shared>>) offsets(%dma_start3A_261 : memref<128xi32, #tpu.memory_space<vmem>>) semaphore(%arg22 : memref<!tpu.dma_semaphore, #tpu.memory_space<semaphore_mem>>) {add = true}
      %dma_wait3A_269 = arith.constant 1024 : i32
      %dma_wait3A_270 = tpu.memref_slice %arg7[%dma_wait3A_269] : memref<1152xi32, #tpu.memory_space<vmem>> -> memref<128xi32, #tpu.memory_space<vmem>>
      %dma_wait3A_271 = arith.constant 0 : i32
      %dma_wait3A_272 = arith.constant 0 : i32
      %dma_wait3A_273 = tpu.memref_slice %arg3[%dma_wait3A_271, %dma_wait3A_272] : memref<100001x128xf32, #tpu.memory_space<hbm>> -> memref<100001x128xf32, #tpu.memory_space<hbm>>
      tpu.wait_indirect_dma semaphore(%arg15 : memref<!tpu.dma_semaphore, #tpu.memory_space<semaphore_mem>>) src(%dma_wait3A_273 : memref<100001x128xf32, #tpu.memory_space<hbm>>) dst(%arg9 : memref<128x128xf32, #tpu.memory_space<vmem>>)
      %dma_start3A_274 = arith.constant 8 : i32
      %dma_start3A_275 = arith.constant 0 : i32
      %dma_start3A_276 = tpu.memref_slice %arg8[%dma_start3A_274, %dma_start3A_275] : memref<9x128xi32, #tpu.memory_space<vmem>> -> memref<1x128xi32, #tpu.memory_space<vmem>>
      %dma_start3A_277 = tpu.memref_squeeze %dma_start3A_276 : memref<1x128xi32, #tpu.memory_space<vmem>> -> memref<128xi32, #tpu.memory_space<vmem>>
      %dma_start3A_278 = arith.constant 0 : i32
      %dma_start3A_279 = arith.constant 0 : i32
      %dma_start3A_280 = tpu.memref_slice %arg13[%arg1, %dma_start3A_278, %dma_start3A_279] : memref<16x128x128xf32, #tpu.memory_space<vmem_shared>> -> memref<1x128x128xf32, #tpu.memory_space<vmem_shared>>
      %dma_start3A_281 = tpu.memref_squeeze %dma_start3A_280 : memref<1x128x128xf32, #tpu.memory_space<vmem_shared>> -> memref<128x128xf32, #tpu.memory_space<vmem_shared>>
      %dma_start3A_282 = arith.constant 0 : i32
      %dma_start3A_283 = arith.constant 0 : i32
      %dma_start3A_284 = tpu.memref_slice %dma_start3A_281[%dma_start3A_282, %dma_start3A_283] : memref<128x128xf32, #tpu.memory_space<vmem_shared>> -> memref<128x128xf32, #tpu.memory_space<vmem_shared>>
      tpu.enqueue_indirect_dma source(%arg9 : memref<128x128xf32, #tpu.memory_space<vmem>>) target(%dma_start3A_284 : memref<128x128xf32, #tpu.memory_space<vmem_shared>>) offsets(%dma_start3A_277 : memref<128xi32, #tpu.memory_space<vmem>>) semaphore(%arg19 : memref<!tpu.dma_semaphore, #tpu.memory_space<semaphore_mem>>) {add = true}
      %dma_wait3A_285 = arith.constant 8 : i32
      %dma_wait3A_286 = arith.constant 0 : i32
      %dma_wait3A_287 = tpu.memref_slice %arg8[%dma_wait3A_285, %dma_wait3A_286] : memref<9x128xi32, #tpu.memory_space<vmem>> -> memref<1x128xi32, #tpu.memory_space<vmem>>
      %dma_wait3A_288 = tpu.memref_squeeze %dma_wait3A_287 : memref<1x128xi32, #tpu.memory_space<vmem>> -> memref<128xi32, #tpu.memory_space<vmem>>
      %dma_wait3A_289 = arith.constant 0 : i32
      %dma_wait3A_290 = arith.constant 0 : i32
      %dma_wait3A_291 = tpu.memref_slice %arg13[%arg1, %dma_wait3A_289, %dma_wait3A_290] : memref<16x128x128xf32, #tpu.memory_space<vmem_shared>> -> memref<1x128x128xf32, #tpu.memory_space<vmem_shared>>
      %dma_wait3A_292 = tpu.memref_squeeze %dma_wait3A_291 : memref<1x128x128xf32, #tpu.memory_space<vmem_shared>> -> memref<128x128xf32, #tpu.memory_space<vmem_shared>>
      %dma_wait3A_293 = arith.constant 0 : i32
      %dma_wait3A_294 = arith.constant 0 : i32
      %dma_wait3A_295 = tpu.memref_slice %dma_wait3A_292[%dma_wait3A_293, %dma_wait3A_294] : memref<128x128xf32, #tpu.memory_space<vmem_shared>> -> memref<128x128xf32, #tpu.memory_space<vmem_shared>>
      tpu.wait_indirect_dma semaphore(%arg19 : memref<!tpu.dma_semaphore, #tpu.memory_space<semaphore_mem>>) src(%arg9 : memref<128x128xf32, #tpu.memory_space<vmem>>) dst(%dma_wait3A_295 : memref<128x128xf32, #tpu.memory_space<vmem_shared>>)
      %dma_wait3A_296 = arith.constant 5 : i32
      %dma_wait3A_297 = arith.constant 0 : i32
      %dma_wait3A_298 = tpu.memref_slice %arg8[%dma_wait3A_296, %dma_wait3A_297] : memref<9x128xi32, #tpu.memory_space<vmem>> -> memref<1x128xi32, #tpu.memory_space<vmem>>
      %dma_wait3A_299 = tpu.memref_squeeze %dma_wait3A_298 : memref<1x128xi32, #tpu.memory_space<vmem>> -> memref<128xi32, #tpu.memory_space<vmem>>
      %dma_wait3A_300 = arith.constant 0 : i32
      %dma_wait3A_301 = arith.constant 0 : i32
      %dma_wait3A_302 = tpu.memref_slice %arg13[%arg1, %dma_wait3A_300, %dma_wait3A_301] : memref<16x128x128xf32, #tpu.memory_space<vmem_shared>> -> memref<1x128x128xf32, #tpu.memory_space<vmem_shared>>
      %dma_wait3A_303 = tpu.memref_squeeze %dma_wait3A_302 : memref<1x128x128xf32, #tpu.memory_space<vmem_shared>> -> memref<128x128xf32, #tpu.memory_space<vmem_shared>>
      %dma_wait3A_304 = arith.constant 0 : i32
      %dma_wait3A_305 = arith.constant 0 : i32
      %dma_wait3A_306 = tpu.memref_slice %dma_wait3A_303[%dma_wait3A_304, %dma_wait3A_305] : memref<128x128xf32, #tpu.memory_space<vmem_shared>> -> memref<128x128xf32, #tpu.memory_space<vmem_shared>>
      tpu.wait_indirect_dma semaphore(%arg20 : memref<!tpu.dma_semaphore, #tpu.memory_space<semaphore_mem>>) src(%arg10 : memref<128x128xf32, #tpu.memory_space<vmem>>) dst(%dma_wait3A_306 : memref<128x128xf32, #tpu.memory_space<vmem_shared>>)
      %dma_wait3A_307 = arith.constant 6 : i32
      %dma_wait3A_308 = arith.constant 0 : i32
      %dma_wait3A_309 = tpu.memref_slice %arg8[%dma_wait3A_307, %dma_wait3A_308] : memref<9x128xi32, #tpu.memory_space<vmem>> -> memref<1x128xi32, #tpu.memory_space<vmem>>
      %dma_wait3A_310 = tpu.memref_squeeze %dma_wait3A_309 : memref<1x128xi32, #tpu.memory_space<vmem>> -> memref<128xi32, #tpu.memory_space<vmem>>
      %dma_wait3A_311 = arith.constant 0 : i32
      %dma_wait3A_312 = arith.constant 0 : i32
      %dma_wait3A_313 = tpu.memref_slice %arg13[%arg1, %dma_wait3A_311, %dma_wait3A_312] : memref<16x128x128xf32, #tpu.memory_space<vmem_shared>> -> memref<1x128x128xf32, #tpu.memory_space<vmem_shared>>
      %dma_wait3A_314 = tpu.memref_squeeze %dma_wait3A_313 : memref<1x128x128xf32, #tpu.memory_space<vmem_shared>> -> memref<128x128xf32, #tpu.memory_space<vmem_shared>>
      %dma_wait3A_315 = arith.constant 0 : i32
      %dma_wait3A_316 = arith.constant 0 : i32
      %dma_wait3A_317 = tpu.memref_slice %dma_wait3A_314[%dma_wait3A_315, %dma_wait3A_316] : memref<128x128xf32, #tpu.memory_space<vmem_shared>> -> memref<128x128xf32, #tpu.memory_space<vmem_shared>>
      tpu.wait_indirect_dma semaphore(%arg21 : memref<!tpu.dma_semaphore, #tpu.memory_space<semaphore_mem>>) src(%arg11 : memref<128x128xf32, #tpu.memory_space<vmem>>) dst(%dma_wait3A_317 : memref<128x128xf32, #tpu.memory_space<vmem_shared>>)
      %dma_wait3A_318 = arith.constant 7 : i32
      %dma_wait3A_319 = arith.constant 0 : i32
      %dma_wait3A_320 = tpu.memref_slice %arg8[%dma_wait3A_318, %dma_wait3A_319] : memref<9x128xi32, #tpu.memory_space<vmem>> -> memref<1x128xi32, #tpu.memory_space<vmem>>
      %dma_wait3A_321 = tpu.memref_squeeze %dma_wait3A_320 : memref<1x128xi32, #tpu.memory_space<vmem>> -> memref<128xi32, #tpu.memory_space<vmem>>
      %dma_wait3A_322 = arith.constant 0 : i32
      %dma_wait3A_323 = arith.constant 0 : i32
      %dma_wait3A_324 = tpu.memref_slice %arg13[%arg1, %dma_wait3A_322, %dma_wait3A_323] : memref<16x128x128xf32, #tpu.memory_space<vmem_shared>> -> memref<1x128x128xf32, #tpu.memory_space<vmem_shared>>
      %dma_wait3A_325 = tpu.memref_squeeze %dma_wait3A_324 : memref<1x128x128xf32, #tpu.memory_space<vmem_shared>> -> memref<128x128xf32, #tpu.memory_space<vmem_shared>>
      %dma_wait3A_326 = arith.constant 0 : i32
      %dma_wait3A_327 = arith.constant 0 : i32
      %dma_wait3A_328 = tpu.memref_slice %dma_wait3A_325[%dma_wait3A_326, %dma_wait3A_327] : memref<128x128xf32, #tpu.memory_space<vmem_shared>> -> memref<128x128xf32, #tpu.memory_space<vmem_shared>>
      tpu.wait_indirect_dma semaphore(%arg22 : memref<!tpu.dma_semaphore, #tpu.memory_space<semaphore_mem>>) src(%arg12 : memref<128x128xf32, #tpu.memory_space<vmem>>) dst(%dma_wait3A_328 : memref<128x128xf32, #tpu.memory_space<vmem_shared>>)
      %dma_start3A_329 = arith.constant 0 : i32
      %dma_start3A_330 = tpu.memref_slice %arg6[%mul3A_23, %dma_start3A_329] : memref<16384x128xf32, #tpu.memory_space<hbm>> -> memref<128x128xf32, #tpu.memory_space<hbm>>
      %dma_start3A_331 = arith.constant 0 : i32
      %dma_start3A_332 = arith.constant 0 : i32
      %dma_start3A_333 = tpu.memref_slice %arg13[%arg1, %dma_start3A_331, %dma_start3A_332] : memref<16x128x128xf32, #tpu.memory_space<vmem_shared>> -> memref<1x128x128xf32, #tpu.memory_space<vmem_shared>>
      %dma_start3A_334 = tpu.memref_squeeze %dma_start3A_333 : memref<1x128x128xf32, #tpu.memory_space<vmem_shared>> -> memref<128x128xf32, #tpu.memory_space<vmem_shared>>
      tpu.enqueue_dma source(%dma_start3A_334 : memref<128x128xf32, #tpu.memory_space<vmem_shared>>) target(%dma_start3A_330 : memref<128x128xf32, #tpu.memory_space<hbm>>) target_semaphore(%arg24 : memref<!tpu.dma_semaphore, #tpu.memory_space<semaphore_mem>>)
    }
    %scan3A_4 = arith.constant 4 : i32
    %mul3A_5 = arith.constant 4 : i32
    %mul3A_6 = arith.muli %add3A, %mul3A_5 : i32
    %mul3A_7 = arith.constant 128 : i32
    %mul3A_8 = arith.muli %mul3A_6, %mul3A_7 : i32
    %dma_wait3A = arith.constant 0 : i32
    %dma_wait3A_9 = tpu.memref_slice %arg6[%mul3A_8, %dma_wait3A] : memref<16384x128xf32, #tpu.memory_space<hbm>> -> memref<128x128xf32, #tpu.memory_space<hbm>>
    %dma_wait3A_10 = arith.constant 0 : i32
    %dma_wait3A_11 = arith.constant 0 : i32
    %dma_wait3A_12 = tpu.memref_slice %arg13[%arg1, %dma_wait3A_10, %dma_wait3A_11] : memref<16x128x128xf32, #tpu.memory_space<vmem_shared>> -> memref<1x128x128xf32, #tpu.memory_space<vmem_shared>>
    %dma_wait3A_13 = tpu.memref_squeeze %dma_wait3A_12 : memref<1x128x128xf32, #tpu.memory_space<vmem_shared>> -> memref<128x128xf32, #tpu.memory_space<vmem_shared>>
    tpu.wait_dma2 semaphore(%arg24 : memref<!tpu.dma_semaphore, #tpu.memory_space<semaphore_mem>>) src(%dma_wait3A_13 : memref<128x128xf32, #tpu.memory_space<vmem_shared>>) dst(%dma_wait3A_9 : memref<128x128xf32, #tpu.memory_space<hbm>>)
    return
  }
}

#map = affine_map<(d0, d1) -> (0, 0)>
module attributes {stable_mosaic.version = 14 : i64} {
  func.func @kern(%arg0: i32, %arg1: i32, %arg2: memref<128x1152xi32, #tpu.memory_space<hbm>>, %arg3: memref<100001x128xf32, #tpu.memory_space<hbm>>, %arg4: memref<9x128xi32, #tpu.memory_space<hbm>>, %arg5: memref<128x128xf32, #tpu.memory_space<hbm>>, %arg6: memref<16384x128xf32, #tpu.memory_space<hbm>>, %arg7: memref<1152xi32, #tpu.memory_space<vmem>>, %arg8: memref<9x128xi32, #tpu.memory_space<vmem>>, %arg9: memref<128x128xf32, #tpu.memory_space<vmem>>, %arg10: memref<128x128xf32, #tpu.memory_space<vmem>>, %arg11: memref<128x128xf32, #tpu.memory_space<vmem>>, %arg12: memref<128x128xf32, #tpu.memory_space<vmem>>, %arg13: memref<16x128x128xf32, #tpu.memory_space<vmem_shared>>, %arg14: memref<128x128xf32, #tpu.memory_space<vmem>>, %arg15: memref<!tpu.dma_semaphore, #tpu.memory_space<semaphore_mem>>, %arg16: memref<!tpu.dma_semaphore, #tpu.memory_space<semaphore_mem>>, %arg17: memref<!tpu.dma_semaphore, #tpu.memory_space<semaphore_mem>>, %arg18: memref<!tpu.dma_semaphore, #tpu.memory_space<semaphore_mem>>, %arg19: memref<!tpu.dma_semaphore, #tpu.memory_space<semaphore_mem>>, %arg20: memref<!tpu.dma_semaphore, #tpu.memory_space<semaphore_mem>>, %arg21: memref<!tpu.dma_semaphore, #tpu.memory_space<semaphore_mem>>, %arg22: memref<!tpu.dma_semaphore, #tpu.memory_space<semaphore_mem>>, %arg23: memref<!tpu.dma_semaphore, #tpu.memory_space<semaphore_mem>>, %arg24: memref<!tpu.dma_semaphore, #tpu.memory_space<semaphore_mem>>) attributes {dimension_semantics = [#tpu.dimension_semantics<core_parallel>, #tpu.dimension_semantics<subcore_parallel>], iteration_bounds = array<i64: 2, 16>, scalar_prefetch = 0 : i64, scratch_operands = 18 : i64, tpu.core_type = #tpu.core_type<sc_vector_subcore>, window_params = [{transform_indices = #map}, {transform_indices = #map}, {transform_indices = #map}, {transform_indices = #map}, {transform_indices = #map}]} {
    %mul3A = arith.constant 2 : i32
    %mul3A_0 = arith.muli %arg1, %mul3A : i32
    %add3A = arith.addi %mul3A_0, %arg0 : i32
    "tpu.region"() ({
      %run_scoped3A = tpu.sem_alloc : memref<!tpu.dma_semaphore, #tpu.memory_space<semaphore_mem>>
      tpu.enqueue_dma source(%arg4 : memref<9x128xi32, #tpu.memory_space<hbm>>) target(%arg8 : memref<9x128xi32, #tpu.memory_space<vmem>>) target_semaphore(%run_scoped3A : memref<!tpu.dma_semaphore, #tpu.memory_space<semaphore_mem>>)
      tpu.wait_dma2 semaphore(%run_scoped3A : memref<!tpu.dma_semaphore, #tpu.memory_space<semaphore_mem>>) src(%arg4 : memref<9x128xi32, #tpu.memory_space<hbm>>) dst(%arg8 : memref<9x128xi32, #tpu.memory_space<vmem>>)
      tpu.yield
    }) : () -> ()
    "tpu.region"() ({
      %run_scoped3A = tpu.sem_alloc : memref<!tpu.dma_semaphore, #tpu.memory_space<semaphore_mem>>
      tpu.enqueue_dma source(%arg5 : memref<128x128xf32, #tpu.memory_space<hbm>>) target(%arg14 : memref<128x128xf32, #tpu.memory_space<vmem>>) target_semaphore(%run_scoped3A : memref<!tpu.dma_semaphore, #tpu.memory_space<semaphore_mem>>)
      tpu.wait_dma2 semaphore(%run_scoped3A : memref<!tpu.dma_semaphore, #tpu.memory_space<semaphore_mem>>) src(%arg5 : memref<128x128xf32, #tpu.memory_space<hbm>>) dst(%arg14 : memref<128x128xf32, #tpu.memory_space<vmem>>)
      tpu.yield
    }) : () -> ()
    %scan3A = arith.constant 0 : i32
    %scan3A_1 = arith.constant 4 : i32
    %scan3A_2 = arith.addi %scan3A, %scan3A_1 : i32
    %scan3A_3 = arith.constant 1 : i32
    scf.for %scan3A_14 = %scan3A to %scan3A_2 step %scan3A_3  : i32 {
      %mul3A_15 = arith.constant 1 : i32
      %mul3A_16 = arith.muli %scan3A_14, %mul3A_15 : i32
      %add3A_17 = arith.constant 0 : i32
      %add3A_18 = arith.addi %add3A_17, %mul3A_16 : i32
      %mul3A_19 = arith.constant 4 : i32
      %mul3A_20 = arith.muli %add3A, %mul3A_19 : i32
      %add3A_21 = arith.addi %mul3A_20, %add3A_18 : i32
      %mul3A_22 = arith.constant 128 : i32
      %mul3A_23 = arith.muli %add3A_21, %mul3A_22 : i32
      "tpu.region"() ({
        %run_scoped3A = tpu.sem_alloc : memref<!tpu.dma_semaphore, #tpu.memory_space<semaphore_mem>>
        %dma_start3A_335 = arith.constant 0 : i32
        %dma_start3A_336 = tpu.memref_slice %arg2[%add3A_21, %dma_start3A_335] : memref<128x1152xi32, #tpu.memory_space<hbm>> -> memref<1x1152xi32, #tpu.memory_space<hbm>>
        %dma_start3A_337 = tpu.memref_squeeze %dma_start3A_336 : memref<1x1152xi32, #tpu.memory_space<hbm>> -> memref<1152xi32, #tpu.memory_space<hbm>>
        %dma_start3A_338 = arith.constant 0 : i32
        %dma_start3A_339 = tpu.memref_slice %arg2[%add3A_21, %dma_start3A_338] : memref<128x1152xi32, #tpu.memory_space<hbm>> -> memref<1x1152xi32, #tpu.memory_space<hbm>>
        %dma_start3A_340 = tpu.memref_squeeze %dma_start3A_339 : memref<1x1152xi32, #tpu.memory_space<hbm>> -> memref<1152xi32, #tpu.memory_space<hbm>>
        tpu.enqueue_dma source(%dma_start3A_340 : memref<1152xi32, #tpu.memory_space<hbm>>) target(%arg7 : memref<1152xi32, #tpu.memory_space<vmem>>) target_semaphore(%run_scoped3A : memref<!tpu.dma_semaphore, #tpu.memory_space<semaphore_mem>>)
        %dma_wait3A_341 = arith.constant 0 : i32
        %dma_wait3A_342 = tpu.memref_slice %arg2[%add3A_21, %dma_wait3A_341] : memref<128x1152xi32, #tpu.memory_space<hbm>> -> memref<1x1152xi32, #tpu.memory_space<hbm>>
        %dma_wait3A_343 = tpu.memref_squeeze %dma_wait3A_342 : memref<1x1152xi32, #tpu.memory_space<hbm>> -> memref<1152xi32, #tpu.memory_space<hbm>>
        %dma_wait3A_344 = arith.constant 0 : i32
        %dma_wait3A_345 = tpu.memref_slice %arg2[%add3A_21, %dma_wait3A_344] : memref<128x1152xi32, #tpu.memory_space<hbm>> -> memref<1x1152xi32, #tpu.memory_space<hbm>>
        %dma_wait3A_346 = tpu.memref_squeeze %dma_wait3A_345 : memref<1x1152xi32, #tpu.memory_space<hbm>> -> memref<1152xi32, #tpu.memory_space<hbm>>
        tpu.wait_dma2 semaphore(%run_scoped3A : memref<!tpu.dma_semaphore, #tpu.memory_space<semaphore_mem>>) src(%dma_wait3A_346 : memref<1152xi32, #tpu.memory_space<hbm>>) dst(%arg7 : memref<1152xi32, #tpu.memory_space<vmem>>)
        tpu.yield
      }) : () -> ()
      %dma_start3A = arith.constant 0 : i32
      %dma_start3A_24 = tpu.memref_slice %arg7[%dma_start3A] : memref<1152xi32, #tpu.memory_space<vmem>> -> memref<128xi32, #tpu.memory_space<vmem>>
      %dma_start3A_25 = arith.constant 0 : i32
      %dma_start3A_26 = arith.constant 0 : i32
      %dma_start3A_27 = tpu.memref_slice %arg3[%dma_start3A_25, %dma_start3A_26] : memref<100001x128xf32, #tpu.memory_space<hbm>> -> memref<100001x128xf32, #tpu.memory_space<hbm>>
      tpu.enqueue_indirect_dma source(%dma_start3A_27 : memref<100001x128xf32, #tpu.memory_space<hbm>>) target(%arg9 : memref<128x128xf32, #tpu.memory_space<vmem>>) offsets(%dma_start3A_24 : memref<128xi32, #tpu.memory_space<vmem>>) semaphore(%arg15 : memref<!tpu.dma_semaphore, #tpu.memory_space<semaphore_mem>>)
      %dma_start3A_28 = arith.constant 128 : i32
      %dma_start3A_29 = tpu.memref_slice %arg7[%dma_start3A_28] : memref<1152xi32, #tpu.memory_space<vmem>> -> memref<128xi32, #tpu.memory_space<vmem>>
      %dma_start3A_30 = arith.constant 0 : i32
      %dma_start3A_31 = arith.constant 0 : i32
      %dma_start3A_32 = tpu.memref_slice %arg3[%dma_start3A_30, %dma_start3A_31] : memref<100001x128xf32, #tpu.memory_space<hbm>> -> memref<100001x128xf32, #tpu.memory_space<hbm>>
      tpu.enqueue_indirect_dma source(%dma_start3A_32 : memref<100001x128xf32, #tpu.memory_space<hbm>>) target(%arg10 : memref<128x128xf32, #tpu.memory_space<vmem>>) offsets(%dma_start3A_29 : memref<128xi32, #tpu.memory_space<vmem>>) semaphore(%arg16 : memref<!tpu.dma_semaphore, #tpu.memory_space<semaphore_mem>>)
      %gt3A = arith.constant 0 : i32
      %gt3A_33 = arith.cmpi sgt, %add3A_18, %gt3A : i32
      %convert_element_type3A = arith.extui %gt3A_33 : i1 to i32
      %cond3A = arith.constant 0 : i32
      %cond3A_34 = arith.cmpi ne, %convert_element_type3A, %cond3A : i32
      scf.if %cond3A_34 {
        %dma_wait3A_335 = arith.constant 0 : i32
        %dma_wait3A_336 = tpu.memref_slice %arg6[%mul3A_23, %dma_wait3A_335] : memref<16384x128xf32, #tpu.memory_space<hbm>> -> memref<128x128xf32, #tpu.memory_space<hbm>>
        %dma_wait3A_337 = arith.constant 0 : i32
        %dma_wait3A_338 = arith.constant 0 : i32
        %dma_wait3A_339 = tpu.memref_slice %arg13[%arg1, %dma_wait3A_337, %dma_wait3A_338] : memref<16x128x128xf32, #tpu.memory_space<vmem_shared>> -> memref<1x128x128xf32, #tpu.memory_space<vmem_shared>>
        %dma_wait3A_340 = tpu.memref_squeeze %dma_wait3A_339 : memref<1x128x128xf32, #tpu.memory_space<vmem_shared>> -> memref<128x128xf32, #tpu.memory_space<vmem_shared>>
        tpu.wait_dma2 semaphore(%arg24 : memref<!tpu.dma_semaphore, #tpu.memory_space<semaphore_mem>>) src(%dma_wait3A_340 : memref<128x128xf32, #tpu.memory_space<vmem_shared>>) dst(%dma_wait3A_336 : memref<128x128xf32, #tpu.memory_space<hbm>>)
      } else {
      }
      %dma_start3A_35 = arith.constant 0 : i32
      %dma_start3A_36 = arith.constant 0 : i32
      %dma_start3A_37 = tpu.memref_slice %arg13[%arg1, %dma_start3A_35, %dma_start3A_36] : memref<16x128x128xf32, #tpu.memory_space<vmem_shared>> -> memref<1x128x128xf32, #tpu.memory_space<vmem_shared>>
      %dma_start3A_38 = tpu.memref_squeeze %dma_start3A_37 : memref<1x128x128xf32, #tpu.memory_space<vmem_shared>> -> memref<128x128xf32, #tpu.memory_space<vmem_shared>>
      %dma_start3A_39 = arith.constant 0 : i32
      %dma_start3A_40 = arith.constant 0 : i32
      %dma_start3A_41 = tpu.memref_slice %arg13[%arg1, %dma_start3A_39, %dma_start3A_40] : memref<16x128x128xf32, #tpu.memory_space<vmem_shared>> -> memref<1x128x128xf32, #tpu.memory_space<vmem_shared>>
      %dma_start3A_42 = tpu.memref_squeeze %dma_start3A_41 : memref<1x128x128xf32, #tpu.memory_space<vmem_shared>> -> memref<128x128xf32, #tpu.memory_space<vmem_shared>>
      tpu.enqueue_dma source(%arg14 : memref<128x128xf32, #tpu.memory_space<vmem>>) target(%dma_start3A_42 : memref<128x128xf32, #tpu.memory_space<vmem_shared>>) target_semaphore(%arg23 : memref<!tpu.dma_semaphore, #tpu.memory_space<semaphore_mem>>)
      %dma_start3A_43 = arith.constant 256 : i32
      %dma_start3A_44 = tpu.memref_slice %arg7[%dma_start3A_43] : memref<1152xi32, #tpu.memory_space<vmem>> -> memref<128xi32, #tpu.memory_space<vmem>>
      %dma_start3A_45 = arith.constant 0 : i32
      %dma_start3A_46 = arith.constant 0 : i32
      %dma_start3A_47 = tpu.memref_slice %arg3[%dma_start3A_45, %dma_start3A_46] : memref<100001x128xf32, #tpu.memory_space<hbm>> -> memref<100001x128xf32, #tpu.memory_space<hbm>>
      tpu.enqueue_indirect_dma source(%dma_start3A_47 : memref<100001x128xf32, #tpu.memory_space<hbm>>) target(%arg11 : memref<128x128xf32, #tpu.memory_space<vmem>>) offsets(%dma_start3A_44 : memref<128xi32, #tpu.memory_space<vmem>>) semaphore(%arg17 : memref<!tpu.dma_semaphore, #tpu.memory_space<semaphore_mem>>)
      %dma_wait3A_48 = arith.constant 0 : i32
      %dma_wait3A_49 = tpu.memref_slice %arg7[%dma_wait3A_48] : memref<1152xi32, #tpu.memory_space<vmem>> -> memref<128xi32, #tpu.memory_space<vmem>>
      %dma_wait3A_50 = arith.constant 0 : i32
      %dma_wait3A_51 = arith.constant 0 : i32
      %dma_wait3A_52 = tpu.memref_slice %arg3[%dma_wait3A_50, %dma_wait3A_51] : memref<100001x128xf32, #tpu.memory_space<hbm>> -> memref<100001x128xf32, #tpu.memory_space<hbm>>
      tpu.wait_indirect_dma semaphore(%arg15 : memref<!tpu.dma_semaphore, #tpu.memory_space<semaphore_mem>>) src(%dma_wait3A_52 : memref<100001x128xf32, #tpu.memory_space<hbm>>) dst(%arg9 : memref<128x128xf32, #tpu.memory_space<vmem>>)
      %dma_wait3A_53 = arith.constant 0 : i32
      %dma_wait3A_54 = arith.constant 0 : i32
      %dma_wait3A_55 = tpu.memref_slice %arg13[%arg1, %dma_wait3A_53, %dma_wait3A_54] : memref<16x128x128xf32, #tpu.memory_space<vmem_shared>> -> memref<1x128x128xf32, #tpu.memory_space<vmem_shared>>
      %dma_wait3A_56 = tpu.memref_squeeze %dma_wait3A_55 : memref<1x128x128xf32, #tpu.memory_space<vmem_shared>> -> memref<128x128xf32, #tpu.memory_space<vmem_shared>>
      %dma_wait3A_57 = arith.constant 0 : i32
      %dma_wait3A_58 = arith.constant 0 : i32
      %dma_wait3A_59 = tpu.memref_slice %arg13[%arg1, %dma_wait3A_57, %dma_wait3A_58] : memref<16x128x128xf32, #tpu.memory_space<vmem_shared>> -> memref<1x128x128xf32, #tpu.memory_space<vmem_shared>>
      %dma_wait3A_60 = tpu.memref_squeeze %dma_wait3A_59 : memref<1x128x128xf32, #tpu.memory_space<vmem_shared>> -> memref<128x128xf32, #tpu.memory_space<vmem_shared>>
      tpu.wait_dma2 semaphore(%arg23 : memref<!tpu.dma_semaphore, #tpu.memory_space<semaphore_mem>>) src(%arg14 : memref<128x128xf32, #tpu.memory_space<vmem>>) dst(%dma_wait3A_60 : memref<128x128xf32, #tpu.memory_space<vmem_shared>>)
      %dma_start3A_61 = arith.constant 0 : i32
      %dma_start3A_62 = arith.constant 0 : i32
      %dma_start3A_63 = tpu.memref_slice %arg8[%dma_start3A_61, %dma_start3A_62] : memref<9x128xi32, #tpu.memory_space<vmem>> -> memref<1x128xi32, #tpu.memory_space<vmem>>
      %dma_start3A_64 = tpu.memref_squeeze %dma_start3A_63 : memref<1x128xi32, #tpu.memory_space<vmem>> -> memref<128xi32, #tpu.memory_space<vmem>>
      %dma_start3A_65 = arith.constant 0 : i32
      %dma_start3A_66 = arith.constant 0 : i32
      %dma_start3A_67 = tpu.memref_slice %arg13[%arg1, %dma_start3A_65, %dma_start3A_66] : memref<16x128x128xf32, #tpu.memory_space<vmem_shared>> -> memref<1x128x128xf32, #tpu.memory_space<vmem_shared>>
      %dma_start3A_68 = tpu.memref_squeeze %dma_start3A_67 : memref<1x128x128xf32, #tpu.memory_space<vmem_shared>> -> memref<128x128xf32, #tpu.memory_space<vmem_shared>>
      %dma_start3A_69 = arith.constant 0 : i32
      %dma_start3A_70 = arith.constant 0 : i32
      %dma_start3A_71 = tpu.memref_slice %dma_start3A_68[%dma_start3A_69, %dma_start3A_70] : memref<128x128xf32, #tpu.memory_space<vmem_shared>> -> memref<128x128xf32, #tpu.memory_space<vmem_shared>>
      tpu.enqueue_indirect_dma source(%arg9 : memref<128x128xf32, #tpu.memory_space<vmem>>) target(%dma_start3A_71 : memref<128x128xf32, #tpu.memory_space<vmem_shared>>) offsets(%dma_start3A_64 : memref<128xi32, #tpu.memory_space<vmem>>) semaphore(%arg19 : memref<!tpu.dma_semaphore, #tpu.memory_space<semaphore_mem>>) {add = true}
      %dma_start3A_72 = arith.constant 384 : i32
      %dma_start3A_73 = tpu.memref_slice %arg7[%dma_start3A_72] : memref<1152xi32, #tpu.memory_space<vmem>> -> memref<128xi32, #tpu.memory_space<vmem>>
      %dma_start3A_74 = arith.constant 0 : i32
      %dma_start3A_75 = arith.constant 0 : i32
      %dma_start3A_76 = tpu.memref_slice %arg3[%dma_start3A_74, %dma_start3A_75] : memref<100001x128xf32, #tpu.memory_space<hbm>> -> memref<100001x128xf32, #tpu.memory_space<hbm>>
      tpu.enqueue_indirect_dma source(%dma_start3A_76 : memref<100001x128xf32, #tpu.memory_space<hbm>>) target(%arg12 : memref<128x128xf32, #tpu.memory_space<vmem>>) offsets(%dma_start3A_73 : memref<128xi32, #tpu.memory_space<vmem>>) semaphore(%arg18 : memref<!tpu.dma_semaphore, #tpu.memory_space<semaphore_mem>>)
      %dma_wait3A_77 = arith.constant 128 : i32
      %dma_wait3A_78 = tpu.memref_slice %arg7[%dma_wait3A_77] : memref<1152xi32, #tpu.memory_space<vmem>> -> memref<128xi32, #tpu.memory_space<vmem>>
      %dma_wait3A_79 = arith.constant 0 : i32
      %dma_wait3A_80 = arith.constant 0 : i32
      %dma_wait3A_81 = tpu.memref_slice %arg3[%dma_wait3A_79, %dma_wait3A_80] : memref<100001x128xf32, #tpu.memory_space<hbm>> -> memref<100001x128xf32, #tpu.memory_space<hbm>>
      tpu.wait_indirect_dma semaphore(%arg16 : memref<!tpu.dma_semaphore, #tpu.memory_space<semaphore_mem>>) src(%dma_wait3A_81 : memref<100001x128xf32, #tpu.memory_space<hbm>>) dst(%arg10 : memref<128x128xf32, #tpu.memory_space<vmem>>)
      %dma_start3A_82 = arith.constant 1 : i32
      %dma_start3A_83 = arith.constant 0 : i32
      %dma_start3A_84 = tpu.memref_slice %arg8[%dma_start3A_82, %dma_start3A_83] : memref<9x128xi32, #tpu.memory_space<vmem>> -> memref<1x128xi32, #tpu.memory_space<vmem>>
      %dma_start3A_85 = tpu.memref_squeeze %dma_start3A_84 : memref<1x128xi32, #tpu.memory_space<vmem>> -> memref<128xi32, #tpu.memory_space<vmem>>
      %dma_start3A_86 = arith.constant 0 : i32
      %dma_start3A_87 = arith.constant 0 : i32
      %dma_start3A_88 = tpu.memref_slice %arg13[%arg1, %dma_start3A_86, %dma_start3A_87] : memref<16x128x128xf32, #tpu.memory_space<vmem_shared>> -> memref<1x128x128xf32, #tpu.memory_space<vmem_shared>>
      %dma_start3A_89 = tpu.memref_squeeze %dma_start3A_88 : memref<1x128x128xf32, #tpu.memory_space<vmem_shared>> -> memref<128x128xf32, #tpu.memory_space<vmem_shared>>
      %dma_start3A_90 = arith.constant 0 : i32
      %dma_start3A_91 = arith.constant 0 : i32
      %dma_start3A_92 = tpu.memref_slice %dma_start3A_89[%dma_start3A_90, %dma_start3A_91] : memref<128x128xf32, #tpu.memory_space<vmem_shared>> -> memref<128x128xf32, #tpu.memory_space<vmem_shared>>
      tpu.enqueue_indirect_dma source(%arg10 : memref<128x128xf32, #tpu.memory_space<vmem>>) target(%dma_start3A_92 : memref<128x128xf32, #tpu.memory_space<vmem_shared>>) offsets(%dma_start3A_85 : memref<128xi32, #tpu.memory_space<vmem>>) semaphore(%arg20 : memref<!tpu.dma_semaphore, #tpu.memory_space<semaphore_mem>>) {add = true}
      %dma_wait3A_93 = arith.constant 0 : i32
      %dma_wait3A_94 = arith.constant 0 : i32
      %dma_wait3A_95 = tpu.memref_slice %arg8[%dma_wait3A_93, %dma_wait3A_94] : memref<9x128xi32, #tpu.memory_space<vmem>> -> memref<1x128xi32, #tpu.memory_space<vmem>>
      %dma_wait3A_96 = tpu.memref_squeeze %dma_wait3A_95 : memref<1x128xi32, #tpu.memory_space<vmem>> -> memref<128xi32, #tpu.memory_space<vmem>>
      %dma_wait3A_97 = arith.constant 0 : i32
      %dma_wait3A_98 = arith.constant 0 : i32
      %dma_wait3A_99 = tpu.memref_slice %arg13[%arg1, %dma_wait3A_97, %dma_wait3A_98] : memref<16x128x128xf32, #tpu.memory_space<vmem_shared>> -> memref<1x128x128xf32, #tpu.memory_space<vmem_shared>>
      %dma_wait3A_100 = tpu.memref_squeeze %dma_wait3A_99 : memref<1x128x128xf32, #tpu.memory_space<vmem_shared>> -> memref<128x128xf32, #tpu.memory_space<vmem_shared>>
      %dma_wait3A_101 = arith.constant 0 : i32
      %dma_wait3A_102 = arith.constant 0 : i32
      %dma_wait3A_103 = tpu.memref_slice %dma_wait3A_100[%dma_wait3A_101, %dma_wait3A_102] : memref<128x128xf32, #tpu.memory_space<vmem_shared>> -> memref<128x128xf32, #tpu.memory_space<vmem_shared>>
      tpu.wait_indirect_dma semaphore(%arg19 : memref<!tpu.dma_semaphore, #tpu.memory_space<semaphore_mem>>) src(%arg9 : memref<128x128xf32, #tpu.memory_space<vmem>>) dst(%dma_wait3A_103 : memref<128x128xf32, #tpu.memory_space<vmem_shared>>)
      %dma_start3A_104 = arith.constant 512 : i32
      %dma_start3A_105 = tpu.memref_slice %arg7[%dma_start3A_104] : memref<1152xi32, #tpu.memory_space<vmem>> -> memref<128xi32, #tpu.memory_space<vmem>>
      %dma_start3A_106 = arith.constant 0 : i32
      %dma_start3A_107 = arith.constant 0 : i32
      %dma_start3A_108 = tpu.memref_slice %arg3[%dma_start3A_106, %dma_start3A_107] : memref<100001x128xf32, #tpu.memory_space<hbm>> -> memref<100001x128xf32, #tpu.memory_space<hbm>>
      tpu.enqueue_indirect_dma source(%dma_start3A_108 : memref<100001x128xf32, #tpu.memory_space<hbm>>) target(%arg9 : memref<128x128xf32, #tpu.memory_space<vmem>>) offsets(%dma_start3A_105 : memref<128xi32, #tpu.memory_space<vmem>>) semaphore(%arg15 : memref<!tpu.dma_semaphore, #tpu.memory_space<semaphore_mem>>)
      %dma_wait3A_109 = arith.constant 256 : i32
      %dma_wait3A_110 = tpu.memref_slice %arg7[%dma_wait3A_109] : memref<1152xi32, #tpu.memory_space<vmem>> -> memref<128xi32, #tpu.memory_space<vmem>>
      %dma_wait3A_111 = arith.constant 0 : i32
      %dma_wait3A_112 = arith.constant 0 : i32
      %dma_wait3A_113 = tpu.memref_slice %arg3[%dma_wait3A_111, %dma_wait3A_112] : memref<100001x128xf32, #tpu.memory_space<hbm>> -> memref<100001x128xf32, #tpu.memory_space<hbm>>
      tpu.wait_indirect_dma semaphore(%arg17 : memref<!tpu.dma_semaphore, #tpu.memory_space<semaphore_mem>>) src(%dma_wait3A_113 : memref<100001x128xf32, #tpu.memory_space<hbm>>) dst(%arg11 : memref<128x128xf32, #tpu.memory_space<vmem>>)
      %dma_start3A_114 = arith.constant 2 : i32
      %dma_start3A_115 = arith.constant 0 : i32
      %dma_start3A_116 = tpu.memref_slice %arg8[%dma_start3A_114, %dma_start3A_115] : memref<9x128xi32, #tpu.memory_space<vmem>> -> memref<1x128xi32, #tpu.memory_space<vmem>>
      %dma_start3A_117 = tpu.memref_squeeze %dma_start3A_116 : memref<1x128xi32, #tpu.memory_space<vmem>> -> memref<128xi32, #tpu.memory_space<vmem>>
      %dma_start3A_118 = arith.constant 0 : i32
      %dma_start3A_119 = arith.constant 0 : i32
      %dma_start3A_120 = tpu.memref_slice %arg13[%arg1, %dma_start3A_118, %dma_start3A_119] : memref<16x128x128xf32, #tpu.memory_space<vmem_shared>> -> memref<1x128x128xf32, #tpu.memory_space<vmem_shared>>
      %dma_start3A_121 = tpu.memref_squeeze %dma_start3A_120 : memref<1x128x128xf32, #tpu.memory_space<vmem_shared>> -> memref<128x128xf32, #tpu.memory_space<vmem_shared>>
      %dma_start3A_122 = arith.constant 0 : i32
      %dma_start3A_123 = arith.constant 0 : i32
      %dma_start3A_124 = tpu.memref_slice %dma_start3A_121[%dma_start3A_122, %dma_start3A_123] : memref<128x128xf32, #tpu.memory_space<vmem_shared>> -> memref<128x128xf32, #tpu.memory_space<vmem_shared>>
      tpu.enqueue_indirect_dma source(%arg11 : memref<128x128xf32, #tpu.memory_space<vmem>>) target(%dma_start3A_124 : memref<128x128xf32, #tpu.memory_space<vmem_shared>>) offsets(%dma_start3A_117 : memref<128xi32, #tpu.memory_space<vmem>>) semaphore(%arg21 : memref<!tpu.dma_semaphore, #tpu.memory_space<semaphore_mem>>) {add = true}
      %dma_wait3A_125 = arith.constant 1 : i32
      %dma_wait3A_126 = arith.constant 0 : i32
      %dma_wait3A_127 = tpu.memref_slice %arg8[%dma_wait3A_125, %dma_wait3A_126] : memref<9x128xi32, #tpu.memory_space<vmem>> -> memref<1x128xi32, #tpu.memory_space<vmem>>
      %dma_wait3A_128 = tpu.memref_squeeze %dma_wait3A_127 : memref<1x128xi32, #tpu.memory_space<vmem>> -> memref<128xi32, #tpu.memory_space<vmem>>
      %dma_wait3A_129 = arith.constant 0 : i32
      %dma_wait3A_130 = arith.constant 0 : i32
      %dma_wait3A_131 = tpu.memref_slice %arg13[%arg1, %dma_wait3A_129, %dma_wait3A_130] : memref<16x128x128xf32, #tpu.memory_space<vmem_shared>> -> memref<1x128x128xf32, #tpu.memory_space<vmem_shared>>
      %dma_wait3A_132 = tpu.memref_squeeze %dma_wait3A_131 : memref<1x128x128xf32, #tpu.memory_space<vmem_shared>> -> memref<128x128xf32, #tpu.memory_space<vmem_shared>>
      %dma_wait3A_133 = arith.constant 0 : i32
      %dma_wait3A_134 = arith.constant 0 : i32
      %dma_wait3A_135 = tpu.memref_slice %dma_wait3A_132[%dma_wait3A_133, %dma_wait3A_134] : memref<128x128xf32, #tpu.memory_space<vmem_shared>> -> memref<128x128xf32, #tpu.memory_space<vmem_shared>>
      tpu.wait_indirect_dma semaphore(%arg20 : memref<!tpu.dma_semaphore, #tpu.memory_space<semaphore_mem>>) src(%arg10 : memref<128x128xf32, #tpu.memory_space<vmem>>) dst(%dma_wait3A_135 : memref<128x128xf32, #tpu.memory_space<vmem_shared>>)
      %dma_start3A_136 = arith.constant 640 : i32
      %dma_start3A_137 = tpu.memref_slice %arg7[%dma_start3A_136] : memref<1152xi32, #tpu.memory_space<vmem>> -> memref<128xi32, #tpu.memory_space<vmem>>
      %dma_start3A_138 = arith.constant 0 : i32
      %dma_start3A_139 = arith.constant 0 : i32
      %dma_start3A_140 = tpu.memref_slice %arg3[%dma_start3A_138, %dma_start3A_139] : memref<100001x128xf32, #tpu.memory_space<hbm>> -> memref<100001x128xf32, #tpu.memory_space<hbm>>
      tpu.enqueue_indirect_dma source(%dma_start3A_140 : memref<100001x128xf32, #tpu.memory_space<hbm>>) target(%arg10 : memref<128x128xf32, #tpu.memory_space<vmem>>) offsets(%dma_start3A_137 : memref<128xi32, #tpu.memory_space<vmem>>) semaphore(%arg16 : memref<!tpu.dma_semaphore, #tpu.memory_space<semaphore_mem>>)
      %dma_wait3A_141 = arith.constant 384 : i32
      %dma_wait3A_142 = tpu.memref_slice %arg7[%dma_wait3A_141] : memref<1152xi32, #tpu.memory_space<vmem>> -> memref<128xi32, #tpu.memory_space<vmem>>
      %dma_wait3A_143 = arith.constant 0 : i32
      %dma_wait3A_144 = arith.constant 0 : i32
      %dma_wait3A_145 = tpu.memref_slice %arg3[%dma_wait3A_143, %dma_wait3A_144] : memref<100001x128xf32, #tpu.memory_space<hbm>> -> memref<100001x128xf32, #tpu.memory_space<hbm>>
      tpu.wait_indirect_dma semaphore(%arg18 : memref<!tpu.dma_semaphore, #tpu.memory_space<semaphore_mem>>) src(%dma_wait3A_145 : memref<100001x128xf32, #tpu.memory_space<hbm>>) dst(%arg12 : memref<128x128xf32, #tpu.memory_space<vmem>>)
      %dma_start3A_146 = arith.constant 3 : i32
      %dma_start3A_147 = arith.constant 0 : i32
      %dma_start3A_148 = tpu.memref_slice %arg8[%dma_start3A_146, %dma_start3A_147] : memref<9x128xi32, #tpu.memory_space<vmem>> -> memref<1x128xi32, #tpu.memory_space<vmem>>
      %dma_start3A_149 = tpu.memref_squeeze %dma_start3A_148 : memref<1x128xi32, #tpu.memory_space<vmem>> -> memref<128xi32, #tpu.memory_space<vmem>>
      %dma_start3A_150 = arith.constant 0 : i32
      %dma_start3A_151 = arith.constant 0 : i32
      %dma_start3A_152 = tpu.memref_slice %arg13[%arg1, %dma_start3A_150, %dma_start3A_151] : memref<16x128x128xf32, #tpu.memory_space<vmem_shared>> -> memref<1x128x128xf32, #tpu.memory_space<vmem_shared>>
      %dma_start3A_153 = tpu.memref_squeeze %dma_start3A_152 : memref<1x128x128xf32, #tpu.memory_space<vmem_shared>> -> memref<128x128xf32, #tpu.memory_space<vmem_shared>>
      %dma_start3A_154 = arith.constant 0 : i32
      %dma_start3A_155 = arith.constant 0 : i32
      %dma_start3A_156 = tpu.memref_slice %dma_start3A_153[%dma_start3A_154, %dma_start3A_155] : memref<128x128xf32, #tpu.memory_space<vmem_shared>> -> memref<128x128xf32, #tpu.memory_space<vmem_shared>>
      tpu.enqueue_indirect_dma source(%arg12 : memref<128x128xf32, #tpu.memory_space<vmem>>) target(%dma_start3A_156 : memref<128x128xf32, #tpu.memory_space<vmem_shared>>) offsets(%dma_start3A_149 : memref<128xi32, #tpu.memory_space<vmem>>) semaphore(%arg22 : memref<!tpu.dma_semaphore, #tpu.memory_space<semaphore_mem>>) {add = true}
      %dma_wait3A_157 = arith.constant 2 : i32
      %dma_wait3A_158 = arith.constant 0 : i32
      %dma_wait3A_159 = tpu.memref_slice %arg8[%dma_wait3A_157, %dma_wait3A_158] : memref<9x128xi32, #tpu.memory_space<vmem>> -> memref<1x128xi32, #tpu.memory_space<vmem>>
      %dma_wait3A_160 = tpu.memref_squeeze %dma_wait3A_159 : memref<1x128xi32, #tpu.memory_space<vmem>> -> memref<128xi32, #tpu.memory_space<vmem>>
      %dma_wait3A_161 = arith.constant 0 : i32
      %dma_wait3A_162 = arith.constant 0 : i32
      %dma_wait3A_163 = tpu.memref_slice %arg13[%arg1, %dma_wait3A_161, %dma_wait3A_162] : memref<16x128x128xf32, #tpu.memory_space<vmem_shared>> -> memref<1x128x128xf32, #tpu.memory_space<vmem_shared>>
      %dma_wait3A_164 = tpu.memref_squeeze %dma_wait3A_163 : memref<1x128x128xf32, #tpu.memory_space<vmem_shared>> -> memref<128x128xf32, #tpu.memory_space<vmem_shared>>
      %dma_wait3A_165 = arith.constant 0 : i32
      %dma_wait3A_166 = arith.constant 0 : i32
      %dma_wait3A_167 = tpu.memref_slice %dma_wait3A_164[%dma_wait3A_165, %dma_wait3A_166] : memref<128x128xf32, #tpu.memory_space<vmem_shared>> -> memref<128x128xf32, #tpu.memory_space<vmem_shared>>
      tpu.wait_indirect_dma semaphore(%arg21 : memref<!tpu.dma_semaphore, #tpu.memory_space<semaphore_mem>>) src(%arg11 : memref<128x128xf32, #tpu.memory_space<vmem>>) dst(%dma_wait3A_167 : memref<128x128xf32, #tpu.memory_space<vmem_shared>>)
      %dma_start3A_168 = arith.constant 768 : i32
      %dma_start3A_169 = tpu.memref_slice %arg7[%dma_start3A_168] : memref<1152xi32, #tpu.memory_space<vmem>> -> memref<128xi32, #tpu.memory_space<vmem>>
      %dma_start3A_170 = arith.constant 0 : i32
      %dma_start3A_171 = arith.constant 0 : i32
      %dma_start3A_172 = tpu.memref_slice %arg3[%dma_start3A_170, %dma_start3A_171] : memref<100001x128xf32, #tpu.memory_space<hbm>> -> memref<100001x128xf32, #tpu.memory_space<hbm>>
      tpu.enqueue_indirect_dma source(%dma_start3A_172 : memref<100001x128xf32, #tpu.memory_space<hbm>>) target(%arg11 : memref<128x128xf32, #tpu.memory_space<vmem>>) offsets(%dma_start3A_169 : memref<128xi32, #tpu.memory_space<vmem>>) semaphore(%arg17 : memref<!tpu.dma_semaphore, #tpu.memory_space<semaphore_mem>>)
      %dma_wait3A_173 = arith.constant 512 : i32
      %dma_wait3A_174 = tpu.memref_slice %arg7[%dma_wait3A_173] : memref<1152xi32, #tpu.memory_space<vmem>> -> memref<128xi32, #tpu.memory_space<vmem>>
      %dma_wait3A_175 = arith.constant 0 : i32
      %dma_wait3A_176 = arith.constant 0 : i32
      %dma_wait3A_177 = tpu.memref_slice %arg3[%dma_wait3A_175, %dma_wait3A_176] : memref<100001x128xf32, #tpu.memory_space<hbm>> -> memref<100001x128xf32, #tpu.memory_space<hbm>>
      tpu.wait_indirect_dma semaphore(%arg15 : memref<!tpu.dma_semaphore, #tpu.memory_space<semaphore_mem>>) src(%dma_wait3A_177 : memref<100001x128xf32, #tpu.memory_space<hbm>>) dst(%arg9 : memref<128x128xf32, #tpu.memory_space<vmem>>)
      %dma_start3A_178 = arith.constant 4 : i32
      %dma_start3A_179 = arith.constant 0 : i32
      %dma_start3A_180 = tpu.memref_slice %arg8[%dma_start3A_178, %dma_start3A_179] : memref<9x128xi32, #tpu.memory_space<vmem>> -> memref<1x128xi32, #tpu.memory_space<vmem>>
      %dma_start3A_181 = tpu.memref_squeeze %dma_start3A_180 : memref<1x128xi32, #tpu.memory_space<vmem>> -> memref<128xi32, #tpu.memory_space<vmem>>
      %dma_start3A_182 = arith.constant 0 : i32
      %dma_start3A_183 = arith.constant 0 : i32
      %dma_start3A_184 = tpu.memref_slice %arg13[%arg1, %dma_start3A_182, %dma_start3A_183] : memref<16x128x128xf32, #tpu.memory_space<vmem_shared>> -> memref<1x128x128xf32, #tpu.memory_space<vmem_shared>>
      %dma_start3A_185 = tpu.memref_squeeze %dma_start3A_184 : memref<1x128x128xf32, #tpu.memory_space<vmem_shared>> -> memref<128x128xf32, #tpu.memory_space<vmem_shared>>
      %dma_start3A_186 = arith.constant 0 : i32
      %dma_start3A_187 = arith.constant 0 : i32
      %dma_start3A_188 = tpu.memref_slice %dma_start3A_185[%dma_start3A_186, %dma_start3A_187] : memref<128x128xf32, #tpu.memory_space<vmem_shared>> -> memref<128x128xf32, #tpu.memory_space<vmem_shared>>
      tpu.enqueue_indirect_dma source(%arg9 : memref<128x128xf32, #tpu.memory_space<vmem>>) target(%dma_start3A_188 : memref<128x128xf32, #tpu.memory_space<vmem_shared>>) offsets(%dma_start3A_181 : memref<128xi32, #tpu.memory_space<vmem>>) semaphore(%arg19 : memref<!tpu.dma_semaphore, #tpu.memory_space<semaphore_mem>>) {add = true}
      %dma_wait3A_189 = arith.constant 3 : i32
      %dma_wait3A_190 = arith.constant 0 : i32
      %dma_wait3A_191 = tpu.memref_slice %arg8[%dma_wait3A_189, %dma_wait3A_190] : memref<9x128xi32, #tpu.memory_space<vmem>> -> memref<1x128xi32, #tpu.memory_space<vmem>>
      %dma_wait3A_192 = tpu.memref_squeeze %dma_wait3A_191 : memref<1x128xi32, #tpu.memory_space<vmem>> -> memref<128xi32, #tpu.memory_space<vmem>>
      %dma_wait3A_193 = arith.constant 0 : i32
      %dma_wait3A_194 = arith.constant 0 : i32
      %dma_wait3A_195 = tpu.memref_slice %arg13[%arg1, %dma_wait3A_193, %dma_wait3A_194] : memref<16x128x128xf32, #tpu.memory_space<vmem_shared>> -> memref<1x128x128xf32, #tpu.memory_space<vmem_shared>>
      %dma_wait3A_196 = tpu.memref_squeeze %dma_wait3A_195 : memref<1x128x128xf32, #tpu.memory_space<vmem_shared>> -> memref<128x128xf32, #tpu.memory_space<vmem_shared>>
      %dma_wait3A_197 = arith.constant 0 : i32
      %dma_wait3A_198 = arith.constant 0 : i32
      %dma_wait3A_199 = tpu.memref_slice %dma_wait3A_196[%dma_wait3A_197, %dma_wait3A_198] : memref<128x128xf32, #tpu.memory_space<vmem_shared>> -> memref<128x128xf32, #tpu.memory_space<vmem_shared>>
      tpu.wait_indirect_dma semaphore(%arg22 : memref<!tpu.dma_semaphore, #tpu.memory_space<semaphore_mem>>) src(%arg12 : memref<128x128xf32, #tpu.memory_space<vmem>>) dst(%dma_wait3A_199 : memref<128x128xf32, #tpu.memory_space<vmem_shared>>)
      %dma_start3A_200 = arith.constant 896 : i32
      %dma_start3A_201 = tpu.memref_slice %arg7[%dma_start3A_200] : memref<1152xi32, #tpu.memory_space<vmem>> -> memref<128xi32, #tpu.memory_space<vmem>>
      %dma_start3A_202 = arith.constant 0 : i32
      %dma_start3A_203 = arith.constant 0 : i32
      %dma_start3A_204 = tpu.memref_slice %arg3[%dma_start3A_202, %dma_start3A_203] : memref<100001x128xf32, #tpu.memory_space<hbm>> -> memref<100001x128xf32, #tpu.memory_space<hbm>>
      tpu.enqueue_indirect_dma source(%dma_start3A_204 : memref<100001x128xf32, #tpu.memory_space<hbm>>) target(%arg12 : memref<128x128xf32, #tpu.memory_space<vmem>>) offsets(%dma_start3A_201 : memref<128xi32, #tpu.memory_space<vmem>>) semaphore(%arg18 : memref<!tpu.dma_semaphore, #tpu.memory_space<semaphore_mem>>)
      %dma_wait3A_205 = arith.constant 640 : i32
      %dma_wait3A_206 = tpu.memref_slice %arg7[%dma_wait3A_205] : memref<1152xi32, #tpu.memory_space<vmem>> -> memref<128xi32, #tpu.memory_space<vmem>>
      %dma_wait3A_207 = arith.constant 0 : i32
      %dma_wait3A_208 = arith.constant 0 : i32
      %dma_wait3A_209 = tpu.memref_slice %arg3[%dma_wait3A_207, %dma_wait3A_208] : memref<100001x128xf32, #tpu.memory_space<hbm>> -> memref<100001x128xf32, #tpu.memory_space<hbm>>
      tpu.wait_indirect_dma semaphore(%arg16 : memref<!tpu.dma_semaphore, #tpu.memory_space<semaphore_mem>>) src(%dma_wait3A_209 : memref<100001x128xf32, #tpu.memory_space<hbm>>) dst(%arg10 : memref<128x128xf32, #tpu.memory_space<vmem>>)
      %dma_start3A_210 = arith.constant 5 : i32
      %dma_start3A_211 = arith.constant 0 : i32
      %dma_start3A_212 = tpu.memref_slice %arg8[%dma_start3A_210, %dma_start3A_211] : memref<9x128xi32, #tpu.memory_space<vmem>> -> memref<1x128xi32, #tpu.memory_space<vmem>>
      %dma_start3A_213 = tpu.memref_squeeze %dma_start3A_212 : memref<1x128xi32, #tpu.memory_space<vmem>> -> memref<128xi32, #tpu.memory_space<vmem>>
      %dma_start3A_214 = arith.constant 0 : i32
      %dma_start3A_215 = arith.constant 0 : i32
      %dma_start3A_216 = tpu.memref_slice %arg13[%arg1, %dma_start3A_214, %dma_start3A_215] : memref<16x128x128xf32, #tpu.memory_space<vmem_shared>> -> memref<1x128x128xf32, #tpu.memory_space<vmem_shared>>
      %dma_start3A_217 = tpu.memref_squeeze %dma_start3A_216 : memref<1x128x128xf32, #tpu.memory_space<vmem_shared>> -> memref<128x128xf32, #tpu.memory_space<vmem_shared>>
      %dma_start3A_218 = arith.constant 0 : i32
      %dma_start3A_219 = arith.constant 0 : i32
      %dma_start3A_220 = tpu.memref_slice %dma_start3A_217[%dma_start3A_218, %dma_start3A_219] : memref<128x128xf32, #tpu.memory_space<vmem_shared>> -> memref<128x128xf32, #tpu.memory_space<vmem_shared>>
      tpu.enqueue_indirect_dma source(%arg10 : memref<128x128xf32, #tpu.memory_space<vmem>>) target(%dma_start3A_220 : memref<128x128xf32, #tpu.memory_space<vmem_shared>>) offsets(%dma_start3A_213 : memref<128xi32, #tpu.memory_space<vmem>>) semaphore(%arg20 : memref<!tpu.dma_semaphore, #tpu.memory_space<semaphore_mem>>) {add = true}
      %dma_wait3A_221 = arith.constant 4 : i32
      %dma_wait3A_222 = arith.constant 0 : i32
      %dma_wait3A_223 = tpu.memref_slice %arg8[%dma_wait3A_221, %dma_wait3A_222] : memref<9x128xi32, #tpu.memory_space<vmem>> -> memref<1x128xi32, #tpu.memory_space<vmem>>
      %dma_wait3A_224 = tpu.memref_squeeze %dma_wait3A_223 : memref<1x128xi32, #tpu.memory_space<vmem>> -> memref<128xi32, #tpu.memory_space<vmem>>
      %dma_wait3A_225 = arith.constant 0 : i32
      %dma_wait3A_226 = arith.constant 0 : i32
      %dma_wait3A_227 = tpu.memref_slice %arg13[%arg1, %dma_wait3A_225, %dma_wait3A_226] : memref<16x128x128xf32, #tpu.memory_space<vmem_shared>> -> memref<1x128x128xf32, #tpu.memory_space<vmem_shared>>
      %dma_wait3A_228 = tpu.memref_squeeze %dma_wait3A_227 : memref<1x128x128xf32, #tpu.memory_space<vmem_shared>> -> memref<128x128xf32, #tpu.memory_space<vmem_shared>>
      %dma_wait3A_229 = arith.constant 0 : i32
      %dma_wait3A_230 = arith.constant 0 : i32
      %dma_wait3A_231 = tpu.memref_slice %dma_wait3A_228[%dma_wait3A_229, %dma_wait3A_230] : memref<128x128xf32, #tpu.memory_space<vmem_shared>> -> memref<128x128xf32, #tpu.memory_space<vmem_shared>>
      tpu.wait_indirect_dma semaphore(%arg19 : memref<!tpu.dma_semaphore, #tpu.memory_space<semaphore_mem>>) src(%arg9 : memref<128x128xf32, #tpu.memory_space<vmem>>) dst(%dma_wait3A_231 : memref<128x128xf32, #tpu.memory_space<vmem_shared>>)
      %dma_start3A_232 = arith.constant 1024 : i32
      %dma_start3A_233 = tpu.memref_slice %arg7[%dma_start3A_232] : memref<1152xi32, #tpu.memory_space<vmem>> -> memref<128xi32, #tpu.memory_space<vmem>>
      %dma_start3A_234 = arith.constant 0 : i32
      %dma_start3A_235 = arith.constant 0 : i32
      %dma_start3A_236 = tpu.memref_slice %arg3[%dma_start3A_234, %dma_start3A_235] : memref<100001x128xf32, #tpu.memory_space<hbm>> -> memref<100001x128xf32, #tpu.memory_space<hbm>>
      tpu.enqueue_indirect_dma source(%dma_start3A_236 : memref<100001x128xf32, #tpu.memory_space<hbm>>) target(%arg9 : memref<128x128xf32, #tpu.memory_space<vmem>>) offsets(%dma_start3A_233 : memref<128xi32, #tpu.memory_space<vmem>>) semaphore(%arg15 : memref<!tpu.dma_semaphore, #tpu.memory_space<semaphore_mem>>)
      %dma_wait3A_237 = arith.constant 768 : i32
      %dma_wait3A_238 = tpu.memref_slice %arg7[%dma_wait3A_237] : memref<1152xi32, #tpu.memory_space<vmem>> -> memref<128xi32, #tpu.memory_space<vmem>>
      %dma_wait3A_239 = arith.constant 0 : i32
      %dma_wait3A_240 = arith.constant 0 : i32
      %dma_wait3A_241 = tpu.memref_slice %arg3[%dma_wait3A_239, %dma_wait3A_240] : memref<100001x128xf32, #tpu.memory_space<hbm>> -> memref<100001x128xf32, #tpu.memory_space<hbm>>
      tpu.wait_indirect_dma semaphore(%arg17 : memref<!tpu.dma_semaphore, #tpu.memory_space<semaphore_mem>>) src(%dma_wait3A_241 : memref<100001x128xf32, #tpu.memory_space<hbm>>) dst(%arg11 : memref<128x128xf32, #tpu.memory_space<vmem>>)
      %dma_start3A_242 = arith.constant 6 : i32
      %dma_start3A_243 = arith.constant 0 : i32
      %dma_start3A_244 = tpu.memref_slice %arg8[%dma_start3A_242, %dma_start3A_243] : memref<9x128xi32, #tpu.memory_space<vmem>> -> memref<1x128xi32, #tpu.memory_space<vmem>>
      %dma_start3A_245 = tpu.memref_squeeze %dma_start3A_244 : memref<1x128xi32, #tpu.memory_space<vmem>> -> memref<128xi32, #tpu.memory_space<vmem>>
      %dma_start3A_246 = arith.constant 0 : i32
      %dma_start3A_247 = arith.constant 0 : i32
      %dma_start3A_248 = tpu.memref_slice %arg13[%arg1, %dma_start3A_246, %dma_start3A_247] : memref<16x128x128xf32, #tpu.memory_space<vmem_shared>> -> memref<1x128x128xf32, #tpu.memory_space<vmem_shared>>
      %dma_start3A_249 = tpu.memref_squeeze %dma_start3A_248 : memref<1x128x128xf32, #tpu.memory_space<vmem_shared>> -> memref<128x128xf32, #tpu.memory_space<vmem_shared>>
      %dma_start3A_250 = arith.constant 0 : i32
      %dma_start3A_251 = arith.constant 0 : i32
      %dma_start3A_252 = tpu.memref_slice %dma_start3A_249[%dma_start3A_250, %dma_start3A_251] : memref<128x128xf32, #tpu.memory_space<vmem_shared>> -> memref<128x128xf32, #tpu.memory_space<vmem_shared>>
      tpu.enqueue_indirect_dma source(%arg11 : memref<128x128xf32, #tpu.memory_space<vmem>>) target(%dma_start3A_252 : memref<128x128xf32, #tpu.memory_space<vmem_shared>>) offsets(%dma_start3A_245 : memref<128xi32, #tpu.memory_space<vmem>>) semaphore(%arg21 : memref<!tpu.dma_semaphore, #tpu.memory_space<semaphore_mem>>) {add = true}
      %dma_wait3A_253 = arith.constant 896 : i32
      %dma_wait3A_254 = tpu.memref_slice %arg7[%dma_wait3A_253] : memref<1152xi32, #tpu.memory_space<vmem>> -> memref<128xi32, #tpu.memory_space<vmem>>
      %dma_wait3A_255 = arith.constant 0 : i32
      %dma_wait3A_256 = arith.constant 0 : i32
      %dma_wait3A_257 = tpu.memref_slice %arg3[%dma_wait3A_255, %dma_wait3A_256] : memref<100001x128xf32, #tpu.memory_space<hbm>> -> memref<100001x128xf32, #tpu.memory_space<hbm>>
      tpu.wait_indirect_dma semaphore(%arg18 : memref<!tpu.dma_semaphore, #tpu.memory_space<semaphore_mem>>) src(%dma_wait3A_257 : memref<100001x128xf32, #tpu.memory_space<hbm>>) dst(%arg12 : memref<128x128xf32, #tpu.memory_space<vmem>>)
      %dma_start3A_258 = arith.constant 7 : i32
      %dma_start3A_259 = arith.constant 0 : i32
      %dma_start3A_260 = tpu.memref_slice %arg8[%dma_start3A_258, %dma_start3A_259] : memref<9x128xi32, #tpu.memory_space<vmem>> -> memref<1x128xi32, #tpu.memory_space<vmem>>
      %dma_start3A_261 = tpu.memref_squeeze %dma_start3A_260 : memref<1x128xi32, #tpu.memory_space<vmem>> -> memref<128xi32, #tpu.memory_space<vmem>>
      %dma_start3A_262 = arith.constant 0 : i32
      %dma_start3A_263 = arith.constant 0 : i32
      %dma_start3A_264 = tpu.memref_slice %arg13[%arg1, %dma_start3A_262, %dma_start3A_263] : memref<16x128x128xf32, #tpu.memory_space<vmem_shared>> -> memref<1x128x128xf32, #tpu.memory_space<vmem_shared>>
      %dma_start3A_265 = tpu.memref_squeeze %dma_start3A_264 : memref<1x128x128xf32, #tpu.memory_space<vmem_shared>> -> memref<128x128xf32, #tpu.memory_space<vmem_shared>>
      %dma_start3A_266 = arith.constant 0 : i32
      %dma_start3A_267 = arith.constant 0 : i32
      %dma_start3A_268 = tpu.memref_slice %dma_start3A_265[%dma_start3A_266, %dma_start3A_267] : memref<128x128xf32, #tpu.memory_space<vmem_shared>> -> memref<128x128xf32, #tpu.memory_space<vmem_shared>>
      tpu.enqueue_indirect_dma source(%arg12 : memref<128x128xf32, #tpu.memory_space<vmem>>) target(%dma_start3A_268 : memref<128x128xf32, #tpu.memory_space<vmem_shared>>) offsets(%dma_start3A_261 : memref<128xi32, #tpu.memory_space<vmem>>) semaphore(%arg22 : memref<!tpu.dma_semaphore, #tpu.memory_space<semaphore_mem>>) {add = true}
      %dma_wait3A_269 = arith.constant 1024 : i32
      %dma_wait3A_270 = tpu.memref_slice %arg7[%dma_wait3A_269] : memref<1152xi32, #tpu.memory_space<vmem>> -> memref<128xi32, #tpu.memory_space<vmem>>
      %dma_wait3A_271 = arith.constant 0 : i32
      %dma_wait3A_272 = arith.constant 0 : i32
      %dma_wait3A_273 = tpu.memref_slice %arg3[%dma_wait3A_271, %dma_wait3A_272] : memref<100001x128xf32, #tpu.memory_space<hbm>> -> memref<100001x128xf32, #tpu.memory_space<hbm>>
      tpu.wait_indirect_dma semaphore(%arg15 : memref<!tpu.dma_semaphore, #tpu.memory_space<semaphore_mem>>) src(%dma_wait3A_273 : memref<100001x128xf32, #tpu.memory_space<hbm>>) dst(%arg9 : memref<128x128xf32, #tpu.memory_space<vmem>>)
      %dma_start3A_274 = arith.constant 8 : i32
      %dma_start3A_275 = arith.constant 0 : i32
      %dma_start3A_276 = tpu.memref_slice %arg8[%dma_start3A_274, %dma_start3A_275] : memref<9x128xi32, #tpu.memory_space<vmem>> -> memref<1x128xi32, #tpu.memory_space<vmem>>
      %dma_start3A_277 = tpu.memref_squeeze %dma_start3A_276 : memref<1x128xi32, #tpu.memory_space<vmem>> -> memref<128xi32, #tpu.memory_space<vmem>>
      %dma_start3A_278 = arith.constant 0 : i32
      %dma_start3A_279 = arith.constant 0 : i32
      %dma_start3A_280 = tpu.memref_slice %arg13[%arg1, %dma_start3A_278, %dma_start3A_279] : memref<16x128x128xf32, #tpu.memory_space<vmem_shared>> -> memref<1x128x128xf32, #tpu.memory_space<vmem_shared>>
      %dma_start3A_281 = tpu.memref_squeeze %dma_start3A_280 : memref<1x128x128xf32, #tpu.memory_space<vmem_shared>> -> memref<128x128xf32, #tpu.memory_space<vmem_shared>>
      %dma_start3A_282 = arith.constant 0 : i32
      %dma_start3A_283 = arith.constant 0 : i32
      %dma_start3A_284 = tpu.memref_slice %dma_start3A_281[%dma_start3A_282, %dma_start3A_283] : memref<128x128xf32, #tpu.memory_space<vmem_shared>> -> memref<128x128xf32, #tpu.memory_space<vmem_shared>>
      tpu.enqueue_indirect_dma source(%arg9 : memref<128x128xf32, #tpu.memory_space<vmem>>) target(%dma_start3A_284 : memref<128x128xf32, #tpu.memory_space<vmem_shared>>) offsets(%dma_start3A_277 : memref<128xi32, #tpu.memory_space<vmem>>) semaphore(%arg19 : memref<!tpu.dma_semaphore, #tpu.memory_space<semaphore_mem>>) {add = true}
      %dma_wait3A_285 = arith.constant 8 : i32
      %dma_wait3A_286 = arith.constant 0 : i32
      %dma_wait3A_287 = tpu.memref_slice %arg8[%dma_wait3A_285, %dma_wait3A_286] : memref<9x128xi32, #tpu.memory_space<vmem>> -> memref<1x128xi32, #tpu.memory_space<vmem>>
      %dma_wait3A_288 = tpu.memref_squeeze %dma_wait3A_287 : memref<1x128xi32, #tpu.memory_space<vmem>> -> memref<128xi32, #tpu.memory_space<vmem>>
      %dma_wait3A_289 = arith.constant 0 : i32
      %dma_wait3A_290 = arith.constant 0 : i32
      %dma_wait3A_291 = tpu.memref_slice %arg13[%arg1, %dma_wait3A_289, %dma_wait3A_290] : memref<16x128x128xf32, #tpu.memory_space<vmem_shared>> -> memref<1x128x128xf32, #tpu.memory_space<vmem_shared>>
      %dma_wait3A_292 = tpu.memref_squeeze %dma_wait3A_291 : memref<1x128x128xf32, #tpu.memory_space<vmem_shared>> -> memref<128x128xf32, #tpu.memory_space<vmem_shared>>
      %dma_wait3A_293 = arith.constant 0 : i32
      %dma_wait3A_294 = arith.constant 0 : i32
      %dma_wait3A_295 = tpu.memref_slice %dma_wait3A_292[%dma_wait3A_293, %dma_wait3A_294] : memref<128x128xf32, #tpu.memory_space<vmem_shared>> -> memref<128x128xf32, #tpu.memory_space<vmem_shared>>
      tpu.wait_indirect_dma semaphore(%arg19 : memref<!tpu.dma_semaphore, #tpu.memory_space<semaphore_mem>>) src(%arg9 : memref<128x128xf32, #tpu.memory_space<vmem>>) dst(%dma_wait3A_295 : memref<128x128xf32, #tpu.memory_space<vmem_shared>>)
      %dma_wait3A_296 = arith.constant 5 : i32
      %dma_wait3A_297 = arith.constant 0 : i32
      %dma_wait3A_298 = tpu.memref_slice %arg8[%dma_wait3A_296, %dma_wait3A_297] : memref<9x128xi32, #tpu.memory_space<vmem>> -> memref<1x128xi32, #tpu.memory_space<vmem>>
      %dma_wait3A_299 = tpu.memref_squeeze %dma_wait3A_298 : memref<1x128xi32, #tpu.memory_space<vmem>> -> memref<128xi32, #tpu.memory_space<vmem>>
      %dma_wait3A_300 = arith.constant 0 : i32
      %dma_wait3A_301 = arith.constant 0 : i32
      %dma_wait3A_302 = tpu.memref_slice %arg13[%arg1, %dma_wait3A_300, %dma_wait3A_301] : memref<16x128x128xf32, #tpu.memory_space<vmem_shared>> -> memref<1x128x128xf32, #tpu.memory_space<vmem_shared>>
      %dma_wait3A_303 = tpu.memref_squeeze %dma_wait3A_302 : memref<1x128x128xf32, #tpu.memory_space<vmem_shared>> -> memref<128x128xf32, #tpu.memory_space<vmem_shared>>
      %dma_wait3A_304 = arith.constant 0 : i32
      %dma_wait3A_305 = arith.constant 0 : i32
      %dma_wait3A_306 = tpu.memref_slice %dma_wait3A_303[%dma_wait3A_304, %dma_wait3A_305] : memref<128x128xf32, #tpu.memory_space<vmem_shared>> -> memref<128x128xf32, #tpu.memory_space<vmem_shared>>
      tpu.wait_indirect_dma semaphore(%arg20 : memref<!tpu.dma_semaphore, #tpu.memory_space<semaphore_mem>>) src(%arg10 : memref<128x128xf32, #tpu.memory_space<vmem>>) dst(%dma_wait3A_306 : memref<128x128xf32, #tpu.memory_space<vmem_shared>>)
      %dma_wait3A_307 = arith.constant 6 : i32
      %dma_wait3A_308 = arith.constant 0 : i32
      %dma_wait3A_309 = tpu.memref_slice %arg8[%dma_wait3A_307, %dma_wait3A_308] : memref<9x128xi32, #tpu.memory_space<vmem>> -> memref<1x128xi32, #tpu.memory_space<vmem>>
      %dma_wait3A_310 = tpu.memref_squeeze %dma_wait3A_309 : memref<1x128xi32, #tpu.memory_space<vmem>> -> memref<128xi32, #tpu.memory_space<vmem>>
      %dma_wait3A_311 = arith.constant 0 : i32
      %dma_wait3A_312 = arith.constant 0 : i32
      %dma_wait3A_313 = tpu.memref_slice %arg13[%arg1, %dma_wait3A_311, %dma_wait3A_312] : memref<16x128x128xf32, #tpu.memory_space<vmem_shared>> -> memref<1x128x128xf32, #tpu.memory_space<vmem_shared>>
      %dma_wait3A_314 = tpu.memref_squeeze %dma_wait3A_313 : memref<1x128x128xf32, #tpu.memory_space<vmem_shared>> -> memref<128x128xf32, #tpu.memory_space<vmem_shared>>
      %dma_wait3A_315 = arith.constant 0 : i32
      %dma_wait3A_316 = arith.constant 0 : i32
      %dma_wait3A_317 = tpu.memref_slice %dma_wait3A_314[%dma_wait3A_315, %dma_wait3A_316] : memref<128x128xf32, #tpu.memory_space<vmem_shared>> -> memref<128x128xf32, #tpu.memory_space<vmem_shared>>
      tpu.wait_indirect_dma semaphore(%arg21 : memref<!tpu.dma_semaphore, #tpu.memory_space<semaphore_mem>>) src(%arg11 : memref<128x128xf32, #tpu.memory_space<vmem>>) dst(%dma_wait3A_317 : memref<128x128xf32, #tpu.memory_space<vmem_shared>>)
      %dma_wait3A_318 = arith.constant 7 : i32
      %dma_wait3A_319 = arith.constant 0 : i32
      %dma_wait3A_320 = tpu.memref_slice %arg8[%dma_wait3A_318, %dma_wait3A_319] : memref<9x128xi32, #tpu.memory_space<vmem>> -> memref<1x128xi32, #tpu.memory_space<vmem>>
      %dma_wait3A_321 = tpu.memref_squeeze %dma_wait3A_320 : memref<1x128xi32, #tpu.memory_space<vmem>> -> memref<128xi32, #tpu.memory_space<vmem>>
      %dma_wait3A_322 = arith.constant 0 : i32
      %dma_wait3A_323 = arith.constant 0 : i32
      %dma_wait3A_324 = tpu.memref_slice %arg13[%arg1, %dma_wait3A_322, %dma_wait3A_323] : memref<16x128x128xf32, #tpu.memory_space<vmem_shared>> -> memref<1x128x128xf32, #tpu.memory_space<vmem_shared>>
      %dma_wait3A_325 = tpu.memref_squeeze %dma_wait3A_324 : memref<1x128x128xf32, #tpu.memory_space<vmem_shared>> -> memref<128x128xf32, #tpu.memory_space<vmem_shared>>
      %dma_wait3A_326 = arith.constant 0 : i32
      %dma_wait3A_327 = arith.constant 0 : i32
      %dma_wait3A_328 = tpu.memref_slice %dma_wait3A_325[%dma_wait3A_326, %dma_wait3A_327] : memref<128x128xf32, #tpu.memory_space<vmem_shared>> -> memref<128x128xf32, #tpu.memory_space<vmem_shared>>
      tpu.wait_indirect_dma semaphore(%arg22 : memref<!tpu.dma_semaphore, #tpu.memory_space<semaphore_mem>>) src(%arg12 : memref<128x128xf32, #tpu.memory_space<vmem>>) dst(%dma_wait3A_328 : memref<128x128xf32, #tpu.memory_space<vmem_shared>>)
      %dma_start3A_329 = arith.constant 0 : i32
      %dma_start3A_330 = tpu.memref_slice %arg6[%mul3A_23, %dma_start3A_329] : memref<16384x128xf32, #tpu.memory_space<hbm>> -> memref<128x128xf32, #tpu.memory_space<hbm>>
      %dma_start3A_331 = arith.constant 0 : i32
      %dma_start3A_332 = arith.constant 0 : i32
      %dma_start3A_333 = tpu.memref_slice %arg13[%arg1, %dma_start3A_331, %dma_start3A_332] : memref<16x128x128xf32, #tpu.memory_space<vmem_shared>> -> memref<1x128x128xf32, #tpu.memory_space<vmem_shared>>
      %dma_start3A_334 = tpu.memref_squeeze %dma_start3A_333 : memref<1x128x128xf32, #tpu.memory_space<vmem_shared>> -> memref<128x128xf32, #tpu.memory_space<vmem_shared>>
      tpu.enqueue_dma source(%dma_start3A_334 : memref<128x128xf32, #tpu.memory_space<vmem_shared>>) target(%dma_start3A_330 : memref<128x128xf32, #tpu.memory_space<hbm>>) target_semaphore(%arg24 : memref<!tpu.dma_semaphore, #tpu.memory_space<semaphore_mem>>)
    }
    %scan3A_4 = arith.constant 4 : i32
    %mul3A_5 = arith.constant 4 : i32
    %mul3A_6 = arith.muli %add3A, %mul3A_5 : i32
    %mul3A_7 = arith.constant 128 : i32
    %mul3A_8 = arith.muli %mul3A_6, %mul3A_7 : i32
    %dma_wait3A = arith.constant 0 : i32
    %dma_wait3A_9 = tpu.memref_slice %arg6[%mul3A_8, %dma_wait3A] : memref<16384x128xf32, #tpu.memory_space<hbm>> -> memref<128x128xf32, #tpu.memory_space<hbm>>
    %dma_wait3A_10 = arith.constant 0 : i32
    %dma_wait3A_11 = arith.constant 0 : i32
    %dma_wait3A_12 = tpu.memref_slice %arg13[%arg1, %dma_wait3A_10, %dma_wait3A_11] : memref<16x128x128xf32, #tpu.memory_space<vmem_shared>> -> memref<1x128x128xf32, #tpu.memory_space<vmem_shared>>
    %dma_wait3A_13 = tpu.memref_squeeze %dma_wait3A_12 : memref<1x128x128xf32, #tpu.memory_space<vmem_shared>> -> memref<128x128xf32, #tpu.memory_space<vmem_shared>>
    tpu.wait_dma2 semaphore(%arg24 : memref<!tpu.dma_semaphore, #tpu.memory_space<semaphore_mem>>) src(%dma_wait3A_13 : memref<128x128xf32, #tpu.memory_space<vmem_shared>>) dst(%dma_wait3A_9 : memref<128x128xf32, #tpu.memory_space<hbm>>)
    return
  }
}

module attributes {stable_mosaic.version = 14 : i64} {
  func.func @_fold_body(%arg0: memref<512x128xf32, #tpu.memory_space<vmem>>, %arg1: memref<512x128xf32, #tpu.memory_space<vmem>>, %arg2: memref<128x128xf32, #tpu.memory_space<vmem>>, %arg3: memref<128x128xf32, #tpu.memory_space<vmem>>, %arg4: memref<1024x128xbf16, #tpu.memory_space<vmem>>) attributes {dimension_semantics = [], scalar_prefetch = 0 : i64, scratch_operands = 0 : i64, tpu.core_type = #tpu.core_type<tc>} {
    %get3A = arith.constant 0 : index
    %get3A_0 = arith.constant 0 : index
    %get3A_1 = vector.load %arg0[%get3A, %get3A_0] : memref<512x128xf32, #tpu.memory_space<vmem>>, vector<512x128xf32>
    %get3A_2 = arith.constant 0 : index
    %get3A_3 = arith.constant 0 : index
    %get3A_4 = vector.load %arg2[%get3A_2, %get3A_3] : memref<128x128xf32, #tpu.memory_space<vmem>>, vector<128x128xf32>
    %dot_general3A = arith.constant dense<0.000000e+00> : vector<512x128xf32>
    %dot_general3A_5 = tpu.matmul %get3A_1, %get3A_4, %dot_general3A {dimension_numbers = #tpu.dot_dimension_numbers<[1], [0], [0], [1], [0, 0, 1, 1], [], []>, transpose_lhs_hint = false} : vector<512x128xf32>, vector<128x128xf32>, vector<512x128xf32> -> vector<512x128xf32>
    %convert_element_type3A = arith.truncf %dot_general3A_5 : vector<512x128xf32> to vector<512x128xbf16>
    %swap3A = arith.constant 0 : index
    %swap3A_6 = arith.constant 0 : index
    %swap3A_7 = vector.load %arg4[%swap3A, %swap3A_6] : memref<1024x128xbf16, #tpu.memory_space<vmem>>, vector<512x128xbf16>
    tpu.vector_store %arg4[%swap3A, %swap3A_6], %convert_element_type3A {strides = array<i32>} : memref<1024x128xbf16, #tpu.memory_space<vmem>>, vector<512x128xbf16>,
    %get3A_8 = arith.constant 0 : index
    %get3A_9 = arith.constant 0 : index
    %get3A_10 = vector.load %arg1[%get3A_8, %get3A_9] : memref<512x128xf32, #tpu.memory_space<vmem>>, vector<512x128xf32>
    %get3A_11 = arith.constant 0 : index
    %get3A_12 = arith.constant 0 : index
    %get3A_13 = vector.load %arg3[%get3A_11, %get3A_12] : memref<128x128xf32, #tpu.memory_space<vmem>>, vector<128x128xf32>
    %dot_general3A_14 = arith.constant dense<0.000000e+00> : vector<512x128xf32>
    %dot_general3A_15 = tpu.matmul %get3A_10, %get3A_13, %dot_general3A_14 {dimension_numbers = #tpu.dot_dimension_numbers<[1], [0], [0], [1], [0, 0, 1, 1], [], []>, transpose_lhs_hint = false} : vector<512x128xf32>, vector<128x128xf32>, vector<512x128xf32> -> vector<512x128xf32>
    %convert_element_type3A_16 = arith.truncf %dot_general3A_15 : vector<512x128xf32> to vector<512x128xbf16>
    %swap3A_17 = arith.constant 512 : index
    %swap3A_18 = arith.constant 0 : index
    %swap3A_19 = vector.load %arg4[%swap3A_17, %swap3A_18] : memref<1024x128xbf16, #tpu.memory_space<vmem>>, vector<512x128xbf16>
    tpu.vector_store %arg4[%swap3A_17, %swap3A_18], %convert_element_type3A_16 {strides = array<i32>} : memref<1024x128xbf16, #tpu.memory_space<vmem>>, vector<512x128xbf16>,
    return
  }
}

module attributes {stable_mosaic.version = 14 : i64} {
  func.func @_lambda_(%arg0: i32, %arg1: memref<16x128x128xf32, #tpu.memory_space<vmem>>, %arg2: memref<16x128xi32, #tpu.memory_space<vmem>>, %arg3: memref<16x128xi32, #tpu.memory_space<vmem>>, %arg4: memref<128x128xf32, #tpu.memory_space<vmem>>, %arg5: memref<1024x128xbf16, #tpu.memory_space<vmem>>, %arg6: memref<1x128xf32, #tpu.memory_space<vmem>>, %arg7: memref<128x128xf32, #tpu.memory_space<vmem>>, %arg8: memref<1x128xf32, #tpu.memory_space<vmem>>, %arg9: memref<1x128xf32, #tpu.memory_space<vmem>>, %arg10: memref<256x129x128xf32, #tpu.memory_space<any>>, %arg11: memref<16x129x128xf32, #tpu.memory_space<vmem>>) attributes {dimension_semantics = [#tpu.dimension_semantics<arbitrary>], iteration_bounds = array<i64: 8>, scalar_prefetch = 0 : i64, scratch_operands = 0 : i64, tpu.core_type = #tpu.core_type<tc>, window_params = [{transform_indices = @transform_0, window_bounds = array<i64: 16, 128, 128>}, {transform_indices = @transform_1, window_bounds = array<i64: 16, 128>}, {transform_indices = @transform_2, window_bounds = array<i64: 16, 128>}, {pipeline_mode = #tpu.pipeline_mode<synchronous>, transform_indices = @transform_3, window_bounds = array<i64: 128, 128>}, {pipeline_mode = #tpu.pipeline_mode<synchronous>, transform_indices = @transform_4, window_bounds = array<i64: 1024, 128>}, {pipeline_mode = #tpu.pipeline_mode<synchronous>, transform_indices = @transform_5, window_bounds = array<i64: 1, 128>}, {pipeline_mode = #tpu.pipeline_mode<synchronous>, transform_indices = @transform_6, window_bounds = array<i64: 128, 128>}, {pipeline_mode = #tpu.pipeline_mode<synchronous>, transform_indices = @transform_7, window_bounds = array<i64: 1, 128>}, {pipeline_mode = #tpu.pipeline_mode<synchronous>, transform_indices = @transform_8, window_bounds = array<i64: 1, 128>}, {}, {transform_indices = @transform_10, window_bounds = array<i64: 16, 129, 128>}]} {
    %get3A = arith.constant 0 : index
    %get3A_0 = arith.constant 0 : index
    %get3A_1 = arith.constant 0 : index
    %get3A_2 = vector.load %arg1[%get3A, %get3A_0, %get3A_1] : memref<16x128x128xf32, #tpu.memory_space<vmem>>, vector<16x128x128xf32>
    %reshape3A = vector.shape_cast %get3A_2 : vector<16x128x128xf32> to vector<2048x128xf32>
    %convert_element_type3A = arith.truncf %reshape3A : vector<2048x128xf32> to vector<2048x128xbf16>
    %get3A_3 = arith.constant 0 : index
    %get3A_4 = arith.constant 0 : index
    %get3A_5 = vector.load %arg4[%get3A_3, %get3A_4] : memref<128x128xf32, #tpu.memory_space<vmem>>, vector<128x128xf32>
    %convert_element_type3A_6 = arith.truncf %get3A_5 : vector<128x128xf32> to vector<128x128xbf16>
    %dot_general3A = arith.constant dense<0.000000e+00> : vector<2048x128xf32>
    %dot_general3A_7 = tpu.matmul %convert_element_type3A, %convert_element_type3A_6, %dot_general3A {dimension_numbers = #tpu.dot_dimension_numbers<[1], [0], [0], [1], [0, 0, 1, 1], [], []>, transpose_lhs_hint = false} : vector<2048x128xbf16>, vector<128x128xbf16>, vector<2048x128xf32> -> vector<2048x128xf32>
    %iota3A = tpu.iota {dimensions = array<i32: 0>} : vector<512x128xi32>
    %get3A_8 = arith.constant 0 : index
    %get3A_9 = arith.constant 0 : index
    %get3A_10 = vector.load %arg5[%get3A_8, %get3A_9] : memref<1024x128xbf16, #tpu.memory_space<vmem>>, vector<512x128xbf16>
    %get3A_11 = arith.constant 512 : index
    %get3A_12 = arith.constant 0 : index
    %get3A_13 = vector.load %arg5[%get3A_11, %get3A_12] : memref<1024x128xbf16, #tpu.memory_space<vmem>>, vector<512x128xbf16>
    %get3A_14 = arith.constant 0 : index
    %get3A_15 = arith.constant 0 : index
    %get3A_16 = vector.load %arg2[%get3A_14, %get3A_15] : memref<16x128xi32, #tpu.memory_space<vmem>>, vector<1x128xi32>
    %get3A_17 = vector.shape_cast %get3A_16 : vector<1x128xi32> to vector<128xi32>
    %broadcast_in_dim3A = vector.shape_cast %get3A_17 : vector<128xi32> to vector<1x128xi32>
    %eq3A = vector.broadcast %broadcast_in_dim3A : vector<1x128xi32> to vector<512x128xi32>
    %eq3A_18 = arith.cmpi eq, %iota3A, %eq3A : vector<512x128xi32>
    %convert_element_type3A_19 = arith.extui %eq3A_18 : vector<512x128xi1> to vector<512x128xi32>
    %convert_element_type3A_20 = arith.sitofp %convert_element_type3A_19 : vector<512x128xi32> to vector<512x128xf32>
    %convert_element_type3A_21 = arith.truncf %convert_element_type3A_20 : vector<512x128xf32> to vector<512x128xbf16>
    %dot_general3A_22 = arith.constant dense<0.000000e+00> : vector<128x128xf32>
    %dot_general3A_23 = tpu.matmul %convert_element_type3A_21, %get3A_10, %dot_general3A_22 {dimension_numbers = #tpu.dot_dimension_numbers<[0], [0], [1], [1], [0, 1, 1, 1], [], []>, transpose_lhs_hint = false} : vector<512x128xbf16>, vector<512x128xbf16>, vector<128x128xf32> -> vector<128x128xf32>
    %get3A_24 = arith.constant 0 : index
    %get3A_25 = arith.constant 0 : index
    %get3A_26 = vector.load %arg3[%get3A_24, %get3A_25] : memref<16x128xi32, #tpu.memory_space<vmem>>, vector<1x128xi32>
    %get3A_27 = vector.shape_cast %get3A_26 : vector<1x128xi32> to vector<128xi32>
    %broadcast_in_dim3A_28 = vector.shape_cast %get3A_27 : vector<128xi32> to vector<1x128xi32>
    %eq3A_29 = vector.broadcast %broadcast_in_dim3A_28 : vector<1x128xi32> to vector<512x128xi32>
    %eq3A_30 = arith.cmpi eq, %iota3A, %eq3A_29 : vector<512x128xi32>
    %convert_element_type3A_31 = arith.extui %eq3A_30 : vector<512x128xi1> to vector<512x128xi32>
    %convert_element_type3A_32 = arith.sitofp %convert_element_type3A_31 : vector<512x128xi32> to vector<512x128xf32>
    %convert_element_type3A_33 = arith.truncf %convert_element_type3A_32 : vector<512x128xf32> to vector<512x128xbf16>
    %dot_general3A_34 = arith.constant dense<0.000000e+00> : vector<128x128xf32>
    %dot_general3A_35 = tpu.matmul %convert_element_type3A_33, %get3A_13, %dot_general3A_34 {dimension_numbers = #tpu.dot_dimension_numbers<[0], [0], [1], [1], [0, 1, 1, 1], [], []>, transpose_lhs_hint = false} : vector<512x128xbf16>, vector<512x128xbf16>, vector<128x128xf32> -> vector<128x128xf32>
    %add3A = arith.addf %dot_general3A_23, %dot_general3A_35 : vector<128x128xf32>
    %get3A_36 = arith.constant 1 : index
    %get3A_37 = arith.constant 0 : index
    %get3A_38 = vector.load %arg2[%get3A_36, %get3A_37] : memref<16x128xi32, #tpu.memory_space<vmem>>, vector<1x128xi32>
    %get3A_39 = vector.shape_cast %get3A_38 : vector<1x128xi32> to vector<128xi32>
    %broadcast_in_dim3A_40 = vector.shape_cast %get3A_39 : vector<128xi32> to vector<1x128xi32>
    %eq3A_41 = vector.broadcast %broadcast_in_dim3A_40 : vector<1x128xi32> to vector<512x128xi32>
    %eq3A_42 = arith.cmpi eq, %iota3A, %eq3A_41 : vector<512x128xi32>
    %convert_element_type3A_43 = arith.extui %eq3A_42 : vector<512x128xi1> to vector<512x128xi32>
    %convert_element_type3A_44 = arith.sitofp %convert_element_type3A_43 : vector<512x128xi32> to vector<512x128xf32>
    %convert_element_type3A_45 = arith.truncf %convert_element_type3A_44 : vector<512x128xf32> to vector<512x128xbf16>
    %dot_general3A_46 = arith.constant dense<0.000000e+00> : vector<128x128xf32>
    %dot_general3A_47 = tpu.matmul %convert_element_type3A_45, %get3A_10, %dot_general3A_46 {dimension_numbers = #tpu.dot_dimension_numbers<[0], [0], [1], [1], [0, 1, 1, 1], [], []>, transpose_lhs_hint = false} : vector<512x128xbf16>, vector<512x128xbf16>, vector<128x128xf32> -> vector<128x128xf32>
    %get3A_48 = arith.constant 1 : index
    %get3A_49 = arith.constant 0 : index
    %get3A_50 = vector.load %arg3[%get3A_48, %get3A_49] : memref<16x128xi32, #tpu.memory_space<vmem>>, vector<1x128xi32>
    %get3A_51 = vector.shape_cast %get3A_50 : vector<1x128xi32> to vector<128xi32>
    %broadcast_in_dim3A_52 = vector.shape_cast %get3A_51 : vector<128xi32> to vector<1x128xi32>
    %eq3A_53 = vector.broadcast %broadcast_in_dim3A_52 : vector<1x128xi32> to vector<512x128xi32>
    %eq3A_54 = arith.cmpi eq, %iota3A, %eq3A_53 : vector<512x128xi32>
    %convert_element_type3A_55 = arith.extui %eq3A_54 : vector<512x128xi1> to vector<512x128xi32>
    %convert_element_type3A_56 = arith.sitofp %convert_element_type3A_55 : vector<512x128xi32> to vector<512x128xf32>
    %convert_element_type3A_57 = arith.truncf %convert_element_type3A_56 : vector<512x128xf32> to vector<512x128xbf16>
    %dot_general3A_58 = arith.constant dense<0.000000e+00> : vector<128x128xf32>
    %dot_general3A_59 = tpu.matmul %convert_element_type3A_57, %get3A_13, %dot_general3A_58 {dimension_numbers = #tpu.dot_dimension_numbers<[0], [0], [1], [1], [0, 1, 1, 1], [], []>, transpose_lhs_hint = false} : vector<512x128xbf16>, vector<512x128xbf16>, vector<128x128xf32> -> vector<128x128xf32>
    %add3A_60 = arith.addf %dot_general3A_47, %dot_general3A_59 : vector<128x128xf32>
    %get3A_61 = arith.constant 2 : index
    %get3A_62 = arith.constant 0 : index
    %get3A_63 = vector.load %arg2[%get3A_61, %get3A_62] : memref<16x128xi32, #tpu.memory_space<vmem>>, vector<1x128xi32>
    %get3A_64 = vector.shape_cast %get3A_63 : vector<1x128xi32> to vector<128xi32>
    %broadcast_in_dim3A_65 = vector.shape_cast %get3A_64 : vector<128xi32> to vector<1x128xi32>
    %eq3A_66 = vector.broadcast %broadcast_in_dim3A_65 : vector<1x128xi32> to vector<512x128xi32>
    %eq3A_67 = arith.cmpi eq, %iota3A, %eq3A_66 : vector<512x128xi32>
    %convert_element_type3A_68 = arith.extui %eq3A_67 : vector<512x128xi1> to vector<512x128xi32>
    %convert_element_type3A_69 = arith.sitofp %convert_element_type3A_68 : vector<512x128xi32> to vector<512x128xf32>
    %convert_element_type3A_70 = arith.truncf %convert_element_type3A_69 : vector<512x128xf32> to vector<512x128xbf16>
    %dot_general3A_71 = arith.constant dense<0.000000e+00> : vector<128x128xf32>
    %dot_general3A_72 = tpu.matmul %convert_element_type3A_70, %get3A_10, %dot_general3A_71 {dimension_numbers = #tpu.dot_dimension_numbers<[0], [0], [1], [1], [0, 1, 1, 1], [], []>, transpose_lhs_hint = false} : vector<512x128xbf16>, vector<512x128xbf16>, vector<128x128xf32> -> vector<128x128xf32>
    %get3A_73 = arith.constant 2 : index
    %get3A_74 = arith.constant 0 : index
    %get3A_75 = vector.load %arg3[%get3A_73, %get3A_74] : memref<16x128xi32, #tpu.memory_space<vmem>>, vector<1x128xi32>
    %get3A_76 = vector.shape_cast %get3A_75 : vector<1x128xi32> to vector<128xi32>
    %broadcast_in_dim3A_77 = vector.shape_cast %get3A_76 : vector<128xi32> to vector<1x128xi32>
    %eq3A_78 = vector.broadcast %broadcast_in_dim3A_77 : vector<1x128xi32> to vector<512x128xi32>
    %eq3A_79 = arith.cmpi eq, %iota3A, %eq3A_78 : vector<512x128xi32>
    %convert_element_type3A_80 = arith.extui %eq3A_79 : vector<512x128xi1> to vector<512x128xi32>
    %convert_element_type3A_81 = arith.sitofp %convert_element_type3A_80 : vector<512x128xi32> to vector<512x128xf32>
    %convert_element_type3A_82 = arith.truncf %convert_element_type3A_81 : vector<512x128xf32> to vector<512x128xbf16>
    %dot_general3A_83 = arith.constant dense<0.000000e+00> : vector<128x128xf32>
    %dot_general3A_84 = tpu.matmul %convert_element_type3A_82, %get3A_13, %dot_general3A_83 {dimension_numbers = #tpu.dot_dimension_numbers<[0], [0], [1], [1], [0, 1, 1, 1], [], []>, transpose_lhs_hint = false} : vector<512x128xbf16>, vector<512x128xbf16>, vector<128x128xf32> -> vector<128x128xf32>
    %add3A_85 = arith.addf %dot_general3A_72, %dot_general3A_84 : vector<128x128xf32>
    %get3A_86 = arith.constant 3 : index
    %get3A_87 = arith.constant 0 : index
    %get3A_88 = vector.load %arg2[%get3A_86, %get3A_87] : memref<16x128xi32, #tpu.memory_space<vmem>>, vector<1x128xi32>
    %get3A_89 = vector.shape_cast %get3A_88 : vector<1x128xi32> to vector<128xi32>
    %broadcast_in_dim3A_90 = vector.shape_cast %get3A_89 : vector<128xi32> to vector<1x128xi32>
    %eq3A_91 = vector.broadcast %broadcast_in_dim3A_90 : vector<1x128xi32> to vector<512x128xi32>
    %eq3A_92 = arith.cmpi eq, %iota3A, %eq3A_91 : vector<512x128xi32>
    %convert_element_type3A_93 = arith.extui %eq3A_92 : vector<512x128xi1> to vector<512x128xi32>
    %convert_element_type3A_94 = arith.sitofp %convert_element_type3A_93 : vector<512x128xi32> to vector<512x128xf32>
    %convert_element_type3A_95 = arith.truncf %convert_element_type3A_94 : vector<512x128xf32> to vector<512x128xbf16>
    %dot_general3A_96 = arith.constant dense<0.000000e+00> : vector<128x128xf32>
    %dot_general3A_97 = tpu.matmul %convert_element_type3A_95, %get3A_10, %dot_general3A_96 {dimension_numbers = #tpu.dot_dimension_numbers<[0], [0], [1], [1], [0, 1, 1, 1], [], []>, transpose_lhs_hint = false} : vector<512x128xbf16>, vector<512x128xbf16>, vector<128x128xf32> -> vector<128x128xf32>
    %get3A_98 = arith.constant 3 : index
    %get3A_99 = arith.constant 0 : index
    %get3A_100 = vector.load %arg3[%get3A_98, %get3A_99] : memref<16x128xi32, #tpu.memory_space<vmem>>, vector<1x128xi32>
    %get3A_101 = vector.shape_cast %get3A_100 : vector<1x128xi32> to vector<128xi32>
    %broadcast_in_dim3A_102 = vector.shape_cast %get3A_101 : vector<128xi32> to vector<1x128xi32>
    %eq3A_103 = vector.broadcast %broadcast_in_dim3A_102 : vector<1x128xi32> to vector<512x128xi32>
    %eq3A_104 = arith.cmpi eq, %iota3A, %eq3A_103 : vector<512x128xi32>
    %convert_element_type3A_105 = arith.extui %eq3A_104 : vector<512x128xi1> to vector<512x128xi32>
    %convert_element_type3A_106 = arith.sitofp %convert_element_type3A_105 : vector<512x128xi32> to vector<512x128xf32>
    %convert_element_type3A_107 = arith.truncf %convert_element_type3A_106 : vector<512x128xf32> to vector<512x128xbf16>
    %dot_general3A_108 = arith.constant dense<0.000000e+00> : vector<128x128xf32>
    %dot_general3A_109 = tpu.matmul %convert_element_type3A_107, %get3A_13, %dot_general3A_108 {dimension_numbers = #tpu.dot_dimension_numbers<[0], [0], [1], [1], [0, 1, 1, 1], [], []>, transpose_lhs_hint = false} : vector<512x128xbf16>, vector<512x128xbf16>, vector<128x128xf32> -> vector<128x128xf32>
    %add3A_110 = arith.addf %dot_general3A_97, %dot_general3A_109 : vector<128x128xf32>
    %get3A_111 = arith.constant 4 : index
    %get3A_112 = arith.constant 0 : index
    %get3A_113 = vector.load %arg2[%get3A_111, %get3A_112] : memref<16x128xi32, #tpu.memory_space<vmem>>, vector<1x128xi32>
    %get3A_114 = vector.shape_cast %get3A_113 : vector<1x128xi32> to vector<128xi32>
    %broadcast_in_dim3A_115 = vector.shape_cast %get3A_114 : vector<128xi32> to vector<1x128xi32>
    %eq3A_116 = vector.broadcast %broadcast_in_dim3A_115 : vector<1x128xi32> to vector<512x128xi32>
    %eq3A_117 = arith.cmpi eq, %iota3A, %eq3A_116 : vector<512x128xi32>
    %convert_element_type3A_118 = arith.extui %eq3A_117 : vector<512x128xi1> to vector<512x128xi32>
    %convert_element_type3A_119 = arith.sitofp %convert_element_type3A_118 : vector<512x128xi32> to vector<512x128xf32>
    %convert_element_type3A_120 = arith.truncf %convert_element_type3A_119 : vector<512x128xf32> to vector<512x128xbf16>
    %dot_general3A_121 = arith.constant dense<0.000000e+00> : vector<128x128xf32>
    %dot_general3A_122 = tpu.matmul %convert_element_type3A_120, %get3A_10, %dot_general3A_121 {dimension_numbers = #tpu.dot_dimension_numbers<[0], [0], [1], [1], [0, 1, 1, 1], [], []>, transpose_lhs_hint = false} : vector<512x128xbf16>, vector<512x128xbf16>, vector<128x128xf32> -> vector<128x128xf32>
    %get3A_123 = arith.constant 4 : index
    %get3A_124 = arith.constant 0 : index
    %get3A_125 = vector.load %arg3[%get3A_123, %get3A_124] : memref<16x128xi32, #tpu.memory_space<vmem>>, vector<1x128xi32>
    %get3A_126 = vector.shape_cast %get3A_125 : vector<1x128xi32> to vector<128xi32>
    %broadcast_in_dim3A_127 = vector.shape_cast %get3A_126 : vector<128xi32> to vector<1x128xi32>
    %eq3A_128 = vector.broadcast %broadcast_in_dim3A_127 : vector<1x128xi32> to vector<512x128xi32>
    %eq3A_129 = arith.cmpi eq, %iota3A, %eq3A_128 : vector<512x128xi32>
    %convert_element_type3A_130 = arith.extui %eq3A_129 : vector<512x128xi1> to vector<512x128xi32>
    %convert_element_type3A_131 = arith.sitofp %convert_element_type3A_130 : vector<512x128xi32> to vector<512x128xf32>
    %convert_element_type3A_132 = arith.truncf %convert_element_type3A_131 : vector<512x128xf32> to vector<512x128xbf16>
    %dot_general3A_133 = arith.constant dense<0.000000e+00> : vector<128x128xf32>
    %dot_general3A_134 = tpu.matmul %convert_element_type3A_132, %get3A_13, %dot_general3A_133 {dimension_numbers = #tpu.dot_dimension_numbers<[0], [0], [1], [1], [0, 1, 1, 1], [], []>, transpose_lhs_hint = false} : vector<512x128xbf16>, vector<512x128xbf16>, vector<128x128xf32> -> vector<128x128xf32>
    %add3A_135 = arith.addf %dot_general3A_122, %dot_general3A_134 : vector<128x128xf32>
    %get3A_136 = arith.constant 5 : index
    %get3A_137 = arith.constant 0 : index
    %get3A_138 = vector.load %arg2[%get3A_136, %get3A_137] : memref<16x128xi32, #tpu.memory_space<vmem>>, vector<1x128xi32>
    %get3A_139 = vector.shape_cast %get3A_138 : vector<1x128xi32> to vector<128xi32>
    %broadcast_in_dim3A_140 = vector.shape_cast %get3A_139 : vector<128xi32> to vector<1x128xi32>
    %eq3A_141 = vector.broadcast %broadcast_in_dim3A_140 : vector<1x128xi32> to vector<512x128xi32>
    %eq3A_142 = arith.cmpi eq, %iota3A, %eq3A_141 : vector<512x128xi32>
    %convert_element_type3A_143 = arith.extui %eq3A_142 : vector<512x128xi1> to vector<512x128xi32>
    %convert_element_type3A_144 = arith.sitofp %convert_element_type3A_143 : vector<512x128xi32> to vector<512x128xf32>
    %convert_element_type3A_145 = arith.truncf %convert_element_type3A_144 : vector<512x128xf32> to vector<512x128xbf16>
    %dot_general3A_146 = arith.constant dense<0.000000e+00> : vector<128x128xf32>
    %dot_general3A_147 = tpu.matmul %convert_element_type3A_145, %get3A_10, %dot_general3A_146 {dimension_numbers = #tpu.dot_dimension_numbers<[0], [0], [1], [1], [0, 1, 1, 1], [], []>, transpose_lhs_hint = false} : vector<512x128xbf16>, vector<512x128xbf16>, vector<128x128xf32> -> vector<128x128xf32>
    %get3A_148 = arith.constant 5 : index
    %get3A_149 = arith.constant 0 : index
    %get3A_150 = vector.load %arg3[%get3A_148, %get3A_149] : memref<16x128xi32, #tpu.memory_space<vmem>>, vector<1x128xi32>
    %get3A_151 = vector.shape_cast %get3A_150 : vector<1x128xi32> to vector<128xi32>
    %broadcast_in_dim3A_152 = vector.shape_cast %get3A_151 : vector<128xi32> to vector<1x128xi32>
    %eq3A_153 = vector.broadcast %broadcast_in_dim3A_152 : vector<1x128xi32> to vector<512x128xi32>
    %eq3A_154 = arith.cmpi eq, %iota3A, %eq3A_153 : vector<512x128xi32>
    %convert_element_type3A_155 = arith.extui %eq3A_154 : vector<512x128xi1> to vector<512x128xi32>
    %convert_element_type3A_156 = arith.sitofp %convert_element_type3A_155 : vector<512x128xi32> to vector<512x128xf32>
    %convert_element_type3A_157 = arith.truncf %convert_element_type3A_156 : vector<512x128xf32> to vector<512x128xbf16>
    %dot_general3A_158 = arith.constant dense<0.000000e+00> : vector<128x128xf32>
    %dot_general3A_159 = tpu.matmul %convert_element_type3A_157, %get3A_13, %dot_general3A_158 {dimension_numbers = #tpu.dot_dimension_numbers<[0], [0], [1], [1], [0, 1, 1, 1], [], []>, transpose_lhs_hint = false} : vector<512x128xbf16>, vector<512x128xbf16>, vector<128x128xf32> -> vector<128x128xf32>
    %add3A_160 = arith.addf %dot_general3A_147, %dot_general3A_159 : vector<128x128xf32>
    %get3A_161 = arith.constant 6 : index
    %get3A_162 = arith.constant 0 : index
    %get3A_163 = vector.load %arg2[%get3A_161, %get3A_162] : memref<16x128xi32, #tpu.memory_space<vmem>>, vector<1x128xi32>
    %get3A_164 = vector.shape_cast %get3A_163 : vector<1x128xi32> to vector<128xi32>
    %broadcast_in_dim3A_165 = vector.shape_cast %get3A_164 : vector<128xi32> to vector<1x128xi32>
    %eq3A_166 = vector.broadcast %broadcast_in_dim3A_165 : vector<1x128xi32> to vector<512x128xi32>
    %eq3A_167 = arith.cmpi eq, %iota3A, %eq3A_166 : vector<512x128xi32>
    %convert_element_type3A_168 = arith.extui %eq3A_167 : vector<512x128xi1> to vector<512x128xi32>
    %convert_element_type3A_169 = arith.sitofp %convert_element_type3A_168 : vector<512x128xi32> to vector<512x128xf32>
    %convert_element_type3A_170 = arith.truncf %convert_element_type3A_169 : vector<512x128xf32> to vector<512x128xbf16>
    %dot_general3A_171 = arith.constant dense<0.000000e+00> : vector<128x128xf32>
    %dot_general3A_172 = tpu.matmul %convert_element_type3A_170, %get3A_10, %dot_general3A_171 {dimension_numbers = #tpu.dot_dimension_numbers<[0], [0], [1], [1], [0, 1, 1, 1], [], []>, transpose_lhs_hint = false} : vector<512x128xbf16>, vector<512x128xbf16>, vector<128x128xf32> -> vector<128x128xf32>
    %get3A_173 = arith.constant 6 : index
    %get3A_174 = arith.constant 0 : index
    %get3A_175 = vector.load %arg3[%get3A_173, %get3A_174] : memref<16x128xi32, #tpu.memory_space<vmem>>, vector<1x128xi32>
    %get3A_176 = vector.shape_cast %get3A_175 : vector<1x128xi32> to vector<128xi32>
    %broadcast_in_dim3A_177 = vector.shape_cast %get3A_176 : vector<128xi32> to vector<1x128xi32>
    %eq3A_178 = vector.broadcast %broadcast_in_dim3A_177 : vector<1x128xi32> to vector<512x128xi32>
    %eq3A_179 = arith.cmpi eq, %iota3A, %eq3A_178 : vector<512x128xi32>
    %convert_element_type3A_180 = arith.extui %eq3A_179 : vector<512x128xi1> to vector<512x128xi32>
    %convert_element_type3A_181 = arith.sitofp %convert_element_type3A_180 : vector<512x128xi32> to vector<512x128xf32>
    %convert_element_type3A_182 = arith.truncf %convert_element_type3A_181 : vector<512x128xf32> to vector<512x128xbf16>
    %dot_general3A_183 = arith.constant dense<0.000000e+00> : vector<128x128xf32>
    %dot_general3A_184 = tpu.matmul %convert_element_type3A_182, %get3A_13, %dot_general3A_183 {dimension_numbers = #tpu.dot_dimension_numbers<[0], [0], [1], [1], [0, 1, 1, 1], [], []>, transpose_lhs_hint = false} : vector<512x128xbf16>, vector<512x128xbf16>, vector<128x128xf32> -> vector<128x128xf32>
    %add3A_185 = arith.addf %dot_general3A_172, %dot_general3A_184 : vector<128x128xf32>
    %get3A_186 = arith.constant 7 : index
    %get3A_187 = arith.constant 0 : index
    %get3A_188 = vector.load %arg2[%get3A_186, %get3A_187] : memref<16x128xi32, #tpu.memory_space<vmem>>, vector<1x128xi32>
    %get3A_189 = vector.shape_cast %get3A_188 : vector<1x128xi32> to vector<128xi32>
    %broadcast_in_dim3A_190 = vector.shape_cast %get3A_189 : vector<128xi32> to vector<1x128xi32>
    %eq3A_191 = vector.broadcast %broadcast_in_dim3A_190 : vector<1x128xi32> to vector<512x128xi32>
    %eq3A_192 = arith.cmpi eq, %iota3A, %eq3A_191 : vector<512x128xi32>
    %convert_element_type3A_193 = arith.extui %eq3A_192 : vector<512x128xi1> to vector<512x128xi32>
    %convert_element_type3A_194 = arith.sitofp %convert_element_type3A_193 : vector<512x128xi32> to vector<512x128xf32>
    %convert_element_type3A_195 = arith.truncf %convert_element_type3A_194 : vector<512x128xf32> to vector<512x128xbf16>
    %dot_general3A_196 = arith.constant dense<0.000000e+00> : vector<128x128xf32>
    %dot_general3A_197 = tpu.matmul %convert_element_type3A_195, %get3A_10, %dot_general3A_196 {dimension_numbers = #tpu.dot_dimension_numbers<[0], [0], [1], [1], [0, 1, 1, 1], [], []>, transpose_lhs_hint = false} : vector<512x128xbf16>, vector<512x128xbf16>, vector<128x128xf32> -> vector<128x128xf32>
    %get3A_198 = arith.constant 7 : index
    %get3A_199 = arith.constant 0 : index
    %get3A_200 = vector.load %arg3[%get3A_198, %get3A_199] : memref<16x128xi32, #tpu.memory_space<vmem>>, vector<1x128xi32>
    %get3A_201 = vector.shape_cast %get3A_200 : vector<1x128xi32> to vector<128xi32>
    %broadcast_in_dim3A_202 = vector.shape_cast %get3A_201 : vector<128xi32> to vector<1x128xi32>
    %eq3A_203 = vector.broadcast %broadcast_in_dim3A_202 : vector<1x128xi32> to vector<512x128xi32>
    %eq3A_204 = arith.cmpi eq, %iota3A, %eq3A_203 : vector<512x128xi32>
    %convert_element_type3A_205 = arith.extui %eq3A_204 : vector<512x128xi1> to vector<512x128xi32>
    %convert_element_type3A_206 = arith.sitofp %convert_element_type3A_205 : vector<512x128xi32> to vector<512x128xf32>
    %convert_element_type3A_207 = arith.truncf %convert_element_type3A_206 : vector<512x128xf32> to vector<512x128xbf16>
    %dot_general3A_208 = arith.constant dense<0.000000e+00> : vector<128x128xf32>
    %dot_general3A_209 = tpu.matmul %convert_element_type3A_207, %get3A_13, %dot_general3A_208 {dimension_numbers = #tpu.dot_dimension_numbers<[0], [0], [1], [1], [0, 1, 1, 1], [], []>, transpose_lhs_hint = false} : vector<512x128xbf16>, vector<512x128xbf16>, vector<128x128xf32> -> vector<128x128xf32>
    %add3A_210 = arith.addf %dot_general3A_197, %dot_general3A_209 : vector<128x128xf32>
    %get3A_211 = arith.constant 8 : index
    %get3A_212 = arith.constant 0 : index
    %get3A_213 = vector.load %arg2[%get3A_211, %get3A_212] : memref<16x128xi32, #tpu.memory_space<vmem>>, vector<1x128xi32>
    %get3A_214 = vector.shape_cast %get3A_213 : vector<1x128xi32> to vector<128xi32>
    %broadcast_in_dim3A_215 = vector.shape_cast %get3A_214 : vector<128xi32> to vector<1x128xi32>
    %eq3A_216 = vector.broadcast %broadcast_in_dim3A_215 : vector<1x128xi32> to vector<512x128xi32>
    %eq3A_217 = arith.cmpi eq, %iota3A, %eq3A_216 : vector<512x128xi32>
    %convert_element_type3A_218 = arith.extui %eq3A_217 : vector<512x128xi1> to vector<512x128xi32>
    %convert_element_type3A_219 = arith.sitofp %convert_element_type3A_218 : vector<512x128xi32> to vector<512x128xf32>
    %convert_element_type3A_220 = arith.truncf %convert_element_type3A_219 : vector<512x128xf32> to vector<512x128xbf16>
    %dot_general3A_221 = arith.constant dense<0.000000e+00> : vector<128x128xf32>
    %dot_general3A_222 = tpu.matmul %convert_element_type3A_220, %get3A_10, %dot_general3A_221 {dimension_numbers = #tpu.dot_dimension_numbers<[0], [0], [1], [1], [0, 1, 1, 1], [], []>, transpose_lhs_hint = false} : vector<512x128xbf16>, vector<512x128xbf16>, vector<128x128xf32> -> vector<128x128xf32>
    %get3A_223 = arith.constant 8 : index
    %get3A_224 = arith.constant 0 : index
    %get3A_225 = vector.load %arg3[%get3A_223, %get3A_224] : memref<16x128xi32, #tpu.memory_space<vmem>>, vector<1x128xi32>
    %get3A_226 = vector.shape_cast %get3A_225 : vector<1x128xi32> to vector<128xi32>
    %broadcast_in_dim3A_227 = vector.shape_cast %get3A_226 : vector<128xi32> to vector<1x128xi32>
    %eq3A_228 = vector.broadcast %broadcast_in_dim3A_227 : vector<1x128xi32> to vector<512x128xi32>
    %eq3A_229 = arith.cmpi eq, %iota3A, %eq3A_228 : vector<512x128xi32>
    %convert_element_type3A_230 = arith.extui %eq3A_229 : vector<512x128xi1> to vector<512x128xi32>
    %convert_element_type3A_231 = arith.sitofp %convert_element_type3A_230 : vector<512x128xi32> to vector<512x128xf32>
    %convert_element_type3A_232 = arith.truncf %convert_element_type3A_231 : vector<512x128xf32> to vector<512x128xbf16>
    %dot_general3A_233 = arith.constant dense<0.000000e+00> : vector<128x128xf32>
    %dot_general3A_234 = tpu.matmul %convert_element_type3A_232, %get3A_13, %dot_general3A_233 {dimension_numbers = #tpu.dot_dimension_numbers<[0], [0], [1], [1], [0, 1, 1, 1], [], []>, transpose_lhs_hint = false} : vector<512x128xbf16>, vector<512x128xbf16>, vector<128x128xf32> -> vector<128x128xf32>
    %add3A_235 = arith.addf %dot_general3A_222, %dot_general3A_234 : vector<128x128xf32>
    %get3A_236 = arith.constant 9 : index
    %get3A_237 = arith.constant 0 : index
    %get3A_238 = vector.load %arg2[%get3A_236, %get3A_237] : memref<16x128xi32, #tpu.memory_space<vmem>>, vector<1x128xi32>
    %get3A_239 = vector.shape_cast %get3A_238 : vector<1x128xi32> to vector<128xi32>
    %broadcast_in_dim3A_240 = vector.shape_cast %get3A_239 : vector<128xi32> to vector<1x128xi32>
    %eq3A_241 = vector.broadcast %broadcast_in_dim3A_240 : vector<1x128xi32> to vector<512x128xi32>
    %eq3A_242 = arith.cmpi eq, %iota3A, %eq3A_241 : vector<512x128xi32>
    %convert_element_type3A_243 = arith.extui %eq3A_242 : vector<512x128xi1> to vector<512x128xi32>
    %convert_element_type3A_244 = arith.sitofp %convert_element_type3A_243 : vector<512x128xi32> to vector<512x128xf32>
    %convert_element_type3A_245 = arith.truncf %convert_element_type3A_244 : vector<512x128xf32> to vector<512x128xbf16>
    %dot_general3A_246 = arith.constant dense<0.000000e+00> : vector<128x128xf32>
    %dot_general3A_247 = tpu.matmul %convert_element_type3A_245, %get3A_10, %dot_general3A_246 {dimension_numbers = #tpu.dot_dimension_numbers<[0], [0], [1], [1], [0, 1, 1, 1], [], []>, transpose_lhs_hint = false} : vector<512x128xbf16>, vector<512x128xbf16>, vector<128x128xf32> -> vector<128x128xf32>
    %get3A_248 = arith.constant 9 : index
    %get3A_249 = arith.constant 0 : index
    %get3A_250 = vector.load %arg3[%get3A_248, %get3A_249] : memref<16x128xi32, #tpu.memory_space<vmem>>, vector<1x128xi32>
    %get3A_251 = vector.shape_cast %get3A_250 : vector<1x128xi32> to vector<128xi32>
    %broadcast_in_dim3A_252 = vector.shape_cast %get3A_251 : vector<128xi32> to vector<1x128xi32>
    %eq3A_253 = vector.broadcast %broadcast_in_dim3A_252 : vector<1x128xi32> to vector<512x128xi32>
    %eq3A_254 = arith.cmpi eq, %iota3A, %eq3A_253 : vector<512x128xi32>
    %convert_element_type3A_255 = arith.extui %eq3A_254 : vector<512x128xi1> to vector<512x128xi32>
    %convert_element_type3A_256 = arith.sitofp %convert_element_type3A_255 : vector<512x128xi32> to vector<512x128xf32>
    %convert_element_type3A_257 = arith.truncf %convert_element_type3A_256 : vector<512x128xf32> to vector<512x128xbf16>
    %dot_general3A_258 = arith.constant dense<0.000000e+00> : vector<128x128xf32>
    %dot_general3A_259 = tpu.matmul %convert_element_type3A_257, %get3A_13, %dot_general3A_258 {dimension_numbers = #tpu.dot_dimension_numbers<[0], [0], [1], [1], [0, 1, 1, 1], [], []>, transpose_lhs_hint = false} : vector<512x128xbf16>, vector<512x128xbf16>, vector<128x128xf32> -> vector<128x128xf32>
    %add3A_260 = arith.addf %dot_general3A_247, %dot_general3A_259 : vector<128x128xf32>
    %get3A_261 = arith.constant 10 : index
    %get3A_262 = arith.constant 0 : index
    %get3A_263 = vector.load %arg2[%get3A_261, %get3A_262] : memref<16x128xi32, #tpu.memory_space<vmem>>, vector<1x128xi32>
    %get3A_264 = vector.shape_cast %get3A_263 : vector<1x128xi32> to vector<128xi32>
    %broadcast_in_dim3A_265 = vector.shape_cast %get3A_264 : vector<128xi32> to vector<1x128xi32>
    %eq3A_266 = vector.broadcast %broadcast_in_dim3A_265 : vector<1x128xi32> to vector<512x128xi32>
    %eq3A_267 = arith.cmpi eq, %iota3A, %eq3A_266 : vector<512x128xi32>
    %convert_element_type3A_268 = arith.extui %eq3A_267 : vector<512x128xi1> to vector<512x128xi32>
    %convert_element_type3A_269 = arith.sitofp %convert_element_type3A_268 : vector<512x128xi32> to vector<512x128xf32>
    %convert_element_type3A_270 = arith.truncf %convert_element_type3A_269 : vector<512x128xf32> to vector<512x128xbf16>
    %dot_general3A_271 = arith.constant dense<0.000000e+00> : vector<128x128xf32>
    %dot_general3A_272 = tpu.matmul %convert_element_type3A_270, %get3A_10, %dot_general3A_271 {dimension_numbers = #tpu.dot_dimension_numbers<[0], [0], [1], [1], [0, 1, 1, 1], [], []>, transpose_lhs_hint = false} : vector<512x128xbf16>, vector<512x128xbf16>, vector<128x128xf32> -> vector<128x128xf32>
    %get3A_273 = arith.constant 10 : index
    %get3A_274 = arith.constant 0 : index
    %get3A_275 = vector.load %arg3[%get3A_273, %get3A_274] : memref<16x128xi32, #tpu.memory_space<vmem>>, vector<1x128xi32>
    %get3A_276 = vector.shape_cast %get3A_275 : vector<1x128xi32> to vector<128xi32>
    %broadcast_in_dim3A_277 = vector.shape_cast %get3A_276 : vector<128xi32> to vector<1x128xi32>
    %eq3A_278 = vector.broadcast %broadcast_in_dim3A_277 : vector<1x128xi32> to vector<512x128xi32>
    %eq3A_279 = arith.cmpi eq, %iota3A, %eq3A_278 : vector<512x128xi32>
    %convert_element_type3A_280 = arith.extui %eq3A_279 : vector<512x128xi1> to vector<512x128xi32>
    %convert_element_type3A_281 = arith.sitofp %convert_element_type3A_280 : vector<512x128xi32> to vector<512x128xf32>
    %convert_element_type3A_282 = arith.truncf %convert_element_type3A_281 : vector<512x128xf32> to vector<512x128xbf16>
    %dot_general3A_283 = arith.constant dense<0.000000e+00> : vector<128x128xf32>
    %dot_general3A_284 = tpu.matmul %convert_element_type3A_282, %get3A_13, %dot_general3A_283 {dimension_numbers = #tpu.dot_dimension_numbers<[0], [0], [1], [1], [0, 1, 1, 1], [], []>, transpose_lhs_hint = false} : vector<512x128xbf16>, vector<512x128xbf16>, vector<128x128xf32> -> vector<128x128xf32>
    %add3A_285 = arith.addf %dot_general3A_272, %dot_general3A_284 : vector<128x128xf32>
    %get3A_286 = arith.constant 11 : index
    %get3A_287 = arith.constant 0 : index
    %get3A_288 = vector.load %arg2[%get3A_286, %get3A_287] : memref<16x128xi32, #tpu.memory_space<vmem>>, vector<1x128xi32>
    %get3A_289 = vector.shape_cast %get3A_288 : vector<1x128xi32> to vector<128xi32>
    %broadcast_in_dim3A_290 = vector.shape_cast %get3A_289 : vector<128xi32> to vector<1x128xi32>
    %eq3A_291 = vector.broadcast %broadcast_in_dim3A_290 : vector<1x128xi32> to vector<512x128xi32>
    %eq3A_292 = arith.cmpi eq, %iota3A, %eq3A_291 : vector<512x128xi32>
    %convert_element_type3A_293 = arith.extui %eq3A_292 : vector<512x128xi1> to vector<512x128xi32>
    %convert_element_type3A_294 = arith.sitofp %convert_element_type3A_293 : vector<512x128xi32> to vector<512x128xf32>
    %convert_element_type3A_295 = arith.truncf %convert_element_type3A_294 : vector<512x128xf32> to vector<512x128xbf16>
    %dot_general3A_296 = arith.constant dense<0.000000e+00> : vector<128x128xf32>
    %dot_general3A_297 = tpu.matmul %convert_element_type3A_295, %get3A_10, %dot_general3A_296 {dimension_numbers = #tpu.dot_dimension_numbers<[0], [0], [1], [1], [0, 1, 1, 1], [], []>, transpose_lhs_hint = false} : vector<512x128xbf16>, vector<512x128xbf16>, vector<128x128xf32> -> vector<128x128xf32>
    %get3A_298 = arith.constant 11 : index
    %get3A_299 = arith.constant 0 : index
    %get3A_300 = vector.load %arg3[%get3A_298, %get3A_299] : memref<16x128xi32, #tpu.memory_space<vmem>>, vector<1x128xi32>
    %get3A_301 = vector.shape_cast %get3A_300 : vector<1x128xi32> to vector<128xi32>
    %broadcast_in_dim3A_302 = vector.shape_cast %get3A_301 : vector<128xi32> to vector<1x128xi32>
    %eq3A_303 = vector.broadcast %broadcast_in_dim3A_302 : vector<1x128xi32> to vector<512x128xi32>
    %eq3A_304 = arith.cmpi eq, %iota3A, %eq3A_303 : vector<512x128xi32>
    %convert_element_type3A_305 = arith.extui %eq3A_304 : vector<512x128xi1> to vector<512x128xi32>
    %convert_element_type3A_306 = arith.sitofp %convert_element_type3A_305 : vector<512x128xi32> to vector<512x128xf32>
    %convert_element_type3A_307 = arith.truncf %convert_element_type3A_306 : vector<512x128xf32> to vector<512x128xbf16>
    %dot_general3A_308 = arith.constant dense<0.000000e+00> : vector<128x128xf32>
    %dot_general3A_309 = tpu.matmul %convert_element_type3A_307, %get3A_13, %dot_general3A_308 {dimension_numbers = #tpu.dot_dimension_numbers<[0], [0], [1], [1], [0, 1, 1, 1], [], []>, transpose_lhs_hint = false} : vector<512x128xbf16>, vector<512x128xbf16>, vector<128x128xf32> -> vector<128x128xf32>
    %add3A_310 = arith.addf %dot_general3A_297, %dot_general3A_309 : vector<128x128xf32>
    %get3A_311 = arith.constant 12 : index
    %get3A_312 = arith.constant 0 : index
    %get3A_313 = vector.load %arg2[%get3A_311, %get3A_312] : memref<16x128xi32, #tpu.memory_space<vmem>>, vector<1x128xi32>
    %get3A_314 = vector.shape_cast %get3A_313 : vector<1x128xi32> to vector<128xi32>
    %broadcast_in_dim3A_315 = vector.shape_cast %get3A_314 : vector<128xi32> to vector<1x128xi32>
    %eq3A_316 = vector.broadcast %broadcast_in_dim3A_315 : vector<1x128xi32> to vector<512x128xi32>
    %eq3A_317 = arith.cmpi eq, %iota3A, %eq3A_316 : vector<512x128xi32>
    %convert_element_type3A_318 = arith.extui %eq3A_317 : vector<512x128xi1> to vector<512x128xi32>
    %convert_element_type3A_319 = arith.sitofp %convert_element_type3A_318 : vector<512x128xi32> to vector<512x128xf32>
    %convert_element_type3A_320 = arith.truncf %convert_element_type3A_319 : vector<512x128xf32> to vector<512x128xbf16>
    %dot_general3A_321 = arith.constant dense<0.000000e+00> : vector<128x128xf32>
    %dot_general3A_322 = tpu.matmul %convert_element_type3A_320, %get3A_10, %dot_general3A_321 {dimension_numbers = #tpu.dot_dimension_numbers<[0], [0], [1], [1], [0, 1, 1, 1], [], []>, transpose_lhs_hint = false} : vector<512x128xbf16>, vector<512x128xbf16>, vector<128x128xf32> -> vector<128x128xf32>
    %get3A_323 = arith.constant 12 : index
    %get3A_324 = arith.constant 0 : index
    %get3A_325 = vector.load %arg3[%get3A_323, %get3A_324] : memref<16x128xi32, #tpu.memory_space<vmem>>, vector<1x128xi32>
    %get3A_326 = vector.shape_cast %get3A_325 : vector<1x128xi32> to vector<128xi32>
    %broadcast_in_dim3A_327 = vector.shape_cast %get3A_326 : vector<128xi32> to vector<1x128xi32>
    %eq3A_328 = vector.broadcast %broadcast_in_dim3A_327 : vector<1x128xi32> to vector<512x128xi32>
    %eq3A_329 = arith.cmpi eq, %iota3A, %eq3A_328 : vector<512x128xi32>
    %convert_element_type3A_330 = arith.extui %eq3A_329 : vector<512x128xi1> to vector<512x128xi32>
    %convert_element_type3A_331 = arith.sitofp %convert_element_type3A_330 : vector<512x128xi32> to vector<512x128xf32>
    %convert_element_type3A_332 = arith.truncf %convert_element_type3A_331 : vector<512x128xf32> to vector<512x128xbf16>
    %dot_general3A_333 = arith.constant dense<0.000000e+00> : vector<128x128xf32>
    %dot_general3A_334 = tpu.matmul %convert_element_type3A_332, %get3A_13, %dot_general3A_333 {dimension_numbers = #tpu.dot_dimension_numbers<[0], [0], [1], [1], [0, 1, 1, 1], [], []>, transpose_lhs_hint = false} : vector<512x128xbf16>, vector<512x128xbf16>, vector<128x128xf32> -> vector<128x128xf32>
    %add3A_335 = arith.addf %dot_general3A_322, %dot_general3A_334 : vector<128x128xf32>
    %get3A_336 = arith.constant 13 : index
    %get3A_337 = arith.constant 0 : index
    %get3A_338 = vector.load %arg2[%get3A_336, %get3A_337] : memref<16x128xi32, #tpu.memory_space<vmem>>, vector<1x128xi32>
    %get3A_339 = vector.shape_cast %get3A_338 : vector<1x128xi32> to vector<128xi32>
    %broadcast_in_dim3A_340 = vector.shape_cast %get3A_339 : vector<128xi32> to vector<1x128xi32>
    %eq3A_341 = vector.broadcast %broadcast_in_dim3A_340 : vector<1x128xi32> to vector<512x128xi32>
    %eq3A_342 = arith.cmpi eq, %iota3A, %eq3A_341 : vector<512x128xi32>
    %convert_element_type3A_343 = arith.extui %eq3A_342 : vector<512x128xi1> to vector<512x128xi32>
    %convert_element_type3A_344 = arith.sitofp %convert_element_type3A_343 : vector<512x128xi32> to vector<512x128xf32>
    %convert_element_type3A_345 = arith.truncf %convert_element_type3A_344 : vector<512x128xf32> to vector<512x128xbf16>
    %dot_general3A_346 = arith.constant dense<0.000000e+00> : vector<128x128xf32>
    %dot_general3A_347 = tpu.matmul %convert_element_type3A_345, %get3A_10, %dot_general3A_346 {dimension_numbers = #tpu.dot_dimension_numbers<[0], [0], [1], [1], [0, 1, 1, 1], [], []>, transpose_lhs_hint = false} : vector<512x128xbf16>, vector<512x128xbf16>, vector<128x128xf32> -> vector<128x128xf32>
    %get3A_348 = arith.constant 13 : index
    %get3A_349 = arith.constant 0 : index
    %get3A_350 = vector.load %arg3[%get3A_348, %get3A_349] : memref<16x128xi32, #tpu.memory_space<vmem>>, vector<1x128xi32>
    %get3A_351 = vector.shape_cast %get3A_350 : vector<1x128xi32> to vector<128xi32>
    %broadcast_in_dim3A_352 = vector.shape_cast %get3A_351 : vector<128xi32> to vector<1x128xi32>
    %eq3A_353 = vector.broadcast %broadcast_in_dim3A_352 : vector<1x128xi32> to vector<512x128xi32>
    %eq3A_354 = arith.cmpi eq, %iota3A, %eq3A_353 : vector<512x128xi32>
    %convert_element_type3A_355 = arith.extui %eq3A_354 : vector<512x128xi1> to vector<512x128xi32>
    %convert_element_type3A_356 = arith.sitofp %convert_element_type3A_355 : vector<512x128xi32> to vector<512x128xf32>
    %convert_element_type3A_357 = arith.truncf %convert_element_type3A_356 : vector<512x128xf32> to vector<512x128xbf16>
    %dot_general3A_358 = arith.constant dense<0.000000e+00> : vector<128x128xf32>
    %dot_general3A_359 = tpu.matmul %convert_element_type3A_357, %get3A_13, %dot_general3A_358 {dimension_numbers = #tpu.dot_dimension_numbers<[0], [0], [1], [1], [0, 1, 1, 1], [], []>, transpose_lhs_hint = false} : vector<512x128xbf16>, vector<512x128xbf16>, vector<128x128xf32> -> vector<128x128xf32>
    %add3A_360 = arith.addf %dot_general3A_347, %dot_general3A_359 : vector<128x128xf32>
    %get3A_361 = arith.constant 14 : index
    %get3A_362 = arith.constant 0 : index
    %get3A_363 = vector.load %arg2[%get3A_361, %get3A_362] : memref<16x128xi32, #tpu.memory_space<vmem>>, vector<1x128xi32>
    %get3A_364 = vector.shape_cast %get3A_363 : vector<1x128xi32> to vector<128xi32>
    %broadcast_in_dim3A_365 = vector.shape_cast %get3A_364 : vector<128xi32> to vector<1x128xi32>
    %eq3A_366 = vector.broadcast %broadcast_in_dim3A_365 : vector<1x128xi32> to vector<512x128xi32>
    %eq3A_367 = arith.cmpi eq, %iota3A, %eq3A_366 : vector<512x128xi32>
    %convert_element_type3A_368 = arith.extui %eq3A_367 : vector<512x128xi1> to vector<512x128xi32>
    %convert_element_type3A_369 = arith.sitofp %convert_element_type3A_368 : vector<512x128xi32> to vector<512x128xf32>
    %convert_element_type3A_370 = arith.truncf %convert_element_type3A_369 : vector<512x128xf32> to vector<512x128xbf16>
    %dot_general3A_371 = arith.constant dense<0.000000e+00> : vector<128x128xf32>
    %dot_general3A_372 = tpu.matmul %convert_element_type3A_370, %get3A_10, %dot_general3A_371 {dimension_numbers = #tpu.dot_dimension_numbers<[0], [0], [1], [1], [0, 1, 1, 1], [], []>, transpose_lhs_hint = false} : vector<512x128xbf16>, vector<512x128xbf16>, vector<128x128xf32> -> vector<128x128xf32>
    %get3A_373 = arith.constant 14 : index
    %get3A_374 = arith.constant 0 : index
    %get3A_375 = vector.load %arg3[%get3A_373, %get3A_374] : memref<16x128xi32, #tpu.memory_space<vmem>>, vector<1x128xi32>
    %get3A_376 = vector.shape_cast %get3A_375 : vector<1x128xi32> to vector<128xi32>
    %broadcast_in_dim3A_377 = vector.shape_cast %get3A_376 : vector<128xi32> to vector<1x128xi32>
    %eq3A_378 = vector.broadcast %broadcast_in_dim3A_377 : vector<1x128xi32> to vector<512x128xi32>
    %eq3A_379 = arith.cmpi eq, %iota3A, %eq3A_378 : vector<512x128xi32>
    %convert_element_type3A_380 = arith.extui %eq3A_379 : vector<512x128xi1> to vector<512x128xi32>
    %convert_element_type3A_381 = arith.sitofp %convert_element_type3A_380 : vector<512x128xi32> to vector<512x128xf32>
    %convert_element_type3A_382 = arith.truncf %convert_element_type3A_381 : vector<512x128xf32> to vector<512x128xbf16>
    %dot_general3A_383 = arith.constant dense<0.000000e+00> : vector<128x128xf32>
    %dot_general3A_384 = tpu.matmul %convert_element_type3A_382, %get3A_13, %dot_general3A_383 {dimension_numbers = #tpu.dot_dimension_numbers<[0], [0], [1], [1], [0, 1, 1, 1], [], []>, transpose_lhs_hint = false} : vector<512x128xbf16>, vector<512x128xbf16>, vector<128x128xf32> -> vector<128x128xf32>
    %add3A_385 = arith.addf %dot_general3A_372, %dot_general3A_384 : vector<128x128xf32>
    %get3A_386 = arith.constant 15 : index
    %get3A_387 = arith.constant 0 : index
    %get3A_388 = vector.load %arg2[%get3A_386, %get3A_387] : memref<16x128xi32, #tpu.memory_space<vmem>>, vector<1x128xi32>
    %get3A_389 = vector.shape_cast %get3A_388 : vector<1x128xi32> to vector<128xi32>
    %broadcast_in_dim3A_390 = vector.shape_cast %get3A_389 : vector<128xi32> to vector<1x128xi32>
    %eq3A_391 = vector.broadcast %broadcast_in_dim3A_390 : vector<1x128xi32> to vector<512x128xi32>
    %eq3A_392 = arith.cmpi eq, %iota3A, %eq3A_391 : vector<512x128xi32>
    %convert_element_type3A_393 = arith.extui %eq3A_392 : vector<512x128xi1> to vector<512x128xi32>
    %convert_element_type3A_394 = arith.sitofp %convert_element_type3A_393 : vector<512x128xi32> to vector<512x128xf32>
    %convert_element_type3A_395 = arith.truncf %convert_element_type3A_394 : vector<512x128xf32> to vector<512x128xbf16>
    %dot_general3A_396 = arith.constant dense<0.000000e+00> : vector<128x128xf32>
    %dot_general3A_397 = tpu.matmul %convert_element_type3A_395, %get3A_10, %dot_general3A_396 {dimension_numbers = #tpu.dot_dimension_numbers<[0], [0], [1], [1], [0, 1, 1, 1], [], []>, transpose_lhs_hint = false} : vector<512x128xbf16>, vector<512x128xbf16>, vector<128x128xf32> -> vector<128x128xf32>
    %get3A_398 = arith.constant 15 : index
    %get3A_399 = arith.constant 0 : index
    %get3A_400 = vector.load %arg3[%get3A_398, %get3A_399] : memref<16x128xi32, #tpu.memory_space<vmem>>, vector<1x128xi32>
    %get3A_401 = vector.shape_cast %get3A_400 : vector<1x128xi32> to vector<128xi32>
    %broadcast_in_dim3A_402 = vector.shape_cast %get3A_401 : vector<128xi32> to vector<1x128xi32>
    %eq3A_403 = vector.broadcast %broadcast_in_dim3A_402 : vector<1x128xi32> to vector<512x128xi32>
    %eq3A_404 = arith.cmpi eq, %iota3A, %eq3A_403 : vector<512x128xi32>
    %convert_element_type3A_405 = arith.extui %eq3A_404 : vector<512x128xi1> to vector<512x128xi32>
    %convert_element_type3A_406 = arith.sitofp %convert_element_type3A_405 : vector<512x128xi32> to vector<512x128xf32>
    %convert_element_type3A_407 = arith.truncf %convert_element_type3A_406 : vector<512x128xf32> to vector<512x128xbf16>
    %dot_general3A_408 = arith.constant dense<0.000000e+00> : vector<128x128xf32>
    %dot_general3A_409 = tpu.matmul %convert_element_type3A_407, %get3A_13, %dot_general3A_408 {dimension_numbers = #tpu.dot_dimension_numbers<[0], [0], [1], [1], [0, 1, 1, 1], [], []>, transpose_lhs_hint = false} : vector<512x128xbf16>, vector<512x128xbf16>, vector<128x128xf32> -> vector<128x128xf32>
    %add3A_410 = arith.addf %dot_general3A_397, %dot_general3A_409 : vector<128x128xf32>
    %concatenate3A = tpu.concatenate %add3A, %add3A_60, %add3A_85, %add3A_110, %add3A_135, %add3A_160, %add3A_185, %add3A_210, %add3A_235, %add3A_260, %add3A_285, %add3A_310, %add3A_335, %add3A_360, %add3A_385, %add3A_410 in 0 : vector<128x128xf32>, vector<128x128xf32>, vector<128x128xf32>, vector<128x128xf32>, vector<128x128xf32>, vector<128x128xf32>, vector<128x128xf32>, vector<128x128xf32>, vector<128x128xf32>, vector<128x128xf32>, vector<128x128xf32>, vector<128x128xf32>, vector<128x128xf32>, vector<128x128xf32>, vector<128x128xf32>, vector<128x128xf32> -> vector<2048x128xf32>
    %add3A_411 = arith.addf %dot_general3A_7, %concatenate3A : vector<2048x128xf32>
    %get3A_412 = arith.constant 0 : index
    %get3A_413 = arith.constant 0 : index
    %get3A_414 = vector.load %arg6[%get3A_412, %get3A_413] : memref<1x128xf32, #tpu.memory_space<vmem>>, vector<1x128xf32>
    %add3A_415 = vector.broadcast %get3A_414 : vector<1x128xf32> to vector<2048x128xf32>
    %add3A_416 = arith.addf %add3A_411, %add3A_415 : vector<2048x128xf32>
    %max3A = arith.constant 0.000000e+00 : f32
    %max3A_417 = vector.broadcast %max3A : f32 to vector<2048x128xf32>
    %max3A_418 = arith.maximumf %add3A_416, %max3A_417 : vector<2048x128xf32>
    %convert_element_type3A_419 = arith.truncf %max3A_418 : vector<2048x128xf32> to vector<2048x128xbf16>
    %get3A_420 = arith.constant 0 : index
    %get3A_421 = arith.constant 0 : index
    %get3A_422 = vector.load %arg7[%get3A_420, %get3A_421] : memref<128x128xf32, #tpu.memory_space<vmem>>, vector<128x128xf32>
    %convert_element_type3A_423 = arith.truncf %get3A_422 : vector<128x128xf32> to vector<128x128xbf16>
    %dot_general3A_424 = arith.constant dense<0.000000e+00> : vector<2048x128xf32>
    %dot_general3A_425 = tpu.matmul %convert_element_type3A_419, %convert_element_type3A_423, %dot_general3A_424 {dimension_numbers = #tpu.dot_dimension_numbers<[1], [0], [0], [1], [0, 0, 1, 1], [], []>, transpose_lhs_hint = false} : vector<2048x128xbf16>, vector<128x128xbf16>, vector<2048x128xf32> -> vector<2048x128xf32>
    %get3A_426 = arith.constant 0 : index
    %get3A_427 = arith.constant 0 : index
    %get3A_428 = vector.load %arg8[%get3A_426, %get3A_427] : memref<1x128xf32, #tpu.memory_space<vmem>>, vector<1x128xf32>
    %add3A_429 = vector.broadcast %get3A_428 : vector<1x128xf32> to vector<2048x128xf32>
    %add3A_430 = arith.addf %dot_general3A_425, %add3A_429 : vector<2048x128xf32>
    %reshape3A_431 = vector.shape_cast %add3A_430 : vector<2048x128xf32> to vector<16x128x128xf32>
    %swap3A = arith.constant 0 : index
    %swap3A_432 = arith.constant 1 : index
    %swap3A_433 = arith.constant 0 : index
    %swap3A_434 = vector.load %arg11[%swap3A, %swap3A_432, %swap3A_433] : memref<16x129x128xf32, #tpu.memory_space<vmem>>, vector<16x128x128xf32>
    tpu.vector_store %arg11[%swap3A, %swap3A_432, %swap3A_433], %reshape3A_431 {strides = array<i32>} : memref<16x129x128xf32, #tpu.memory_space<vmem>>, vector<16x128x128xf32>,
    %get3A_435 = arith.constant 0 : index
    %get3A_436 = arith.constant 0 : index
    %get3A_437 = vector.load %arg9[%get3A_435, %get3A_436] : memref<1x128xf32, #tpu.memory_space<vmem>>, vector<1x128xf32>
    %broadcast_in_dim3A_438 = vector.shape_cast %get3A_437 : vector<1x128xf32> to vector<1x1x128xf32>
    %broadcast_in_dim3A_439 = vector.shape_cast %broadcast_in_dim3A_438 : vector<1x1x128xf32> to vector<1x1x128xf32>
    %broadcast_in_dim3A_440 = vector.broadcast %broadcast_in_dim3A_439 : vector<1x1x128xf32> to vector<16x1x128xf32>
    %swap3A_441 = arith.constant 0 : index
    %swap3A_442 = arith.constant 0 : index
    %swap3A_443 = arith.constant 0 : index
    %swap3A_444 = vector.load %arg11[%swap3A_441, %swap3A_442, %swap3A_443] : memref<16x129x128xf32, #tpu.memory_space<vmem>>, vector<16x1x128xf32>
    tpu.vector_store %arg11[%swap3A_441, %swap3A_442, %swap3A_443], %broadcast_in_dim3A_440 {strides = array<i32>} : memref<16x129x128xf32, #tpu.memory_space<vmem>>, vector<16x1x128xf32>,
    return
  }
  func.func @transform_0(%arg0: i32) -> (i32, i32, i32) {
    %c0_i32 = arith.constant 0 : i32
    %c0_i32_0 = arith.constant 0 : i32
    %c0_i32_1 = arith.constant 0 : i32
    return %arg0, %c0_i32, %c0_i32_0 : i32, i32, i32
  }
  func.func @transform_1(%arg0: i32) -> (i32, i32) {
    %c0_i32 = arith.constant 0 : i32
    %c0_i32_0 = arith.constant 0 : i32
    return %arg0, %c0_i32 : i32, i32
  }
  func.func @transform_2(%arg0: i32) -> (i32, i32) {
    %c0_i32 = arith.constant 0 : i32
    %c0_i32_0 = arith.constant 0 : i32
    return %arg0, %c0_i32 : i32, i32
  }
  func.func @transform_3(%arg0: i32) -> (i32, i32) {
    %c0_i32 = arith.constant 0 : i32
    %c0_i32_0 = arith.constant 0 : i32
    %c0_i32_1 = arith.constant 0 : i32
    return %c0_i32, %c0_i32_0 : i32, i32
  }
  func.func @transform_4(%arg0: i32) -> (i32, i32) {
    %c0_i32 = arith.constant 0 : i32
    %c0_i32_0 = arith.constant 0 : i32
    %c0_i32_1 = arith.constant 0 : i32
    return %c0_i32, %c0_i32_0 : i32, i32
  }
  func.func @transform_5(%arg0: i32) -> (i32, i32) {
    %c0_i32 = arith.constant 0 : i32
    %c0_i32_0 = arith.constant 0 : i32
    %c0_i32_1 = arith.constant 0 : i32
    return %c0_i32, %c0_i32_0 : i32, i32
  }
  func.func @transform_6(%arg0: i32) -> (i32, i32) {
    %c0_i32 = arith.constant 0 : i32
    %c0_i32_0 = arith.constant 0 : i32
    %c0_i32_1 = arith.constant 0 : i32
    return %c0_i32, %c0_i32_0 : i32, i32
  }
  func.func @transform_7(%arg0: i32) -> (i32, i32) {
    %c0_i32 = arith.constant 0 : i32
    %c0_i32_0 = arith.constant 0 : i32
    %c0_i32_1 = arith.constant 0 : i32
    return %c0_i32, %c0_i32_0 : i32, i32
  }
  func.func @transform_8(%arg0: i32) -> (i32, i32) {
    %c0_i32 = arith.constant 0 : i32
    %c0_i32_0 = arith.constant 0 : i32
    %c0_i32_1 = arith.constant 0 : i32
    return %c0_i32, %c0_i32_0 : i32, i32
  }
  func.func @transform_10(%arg0: i32) -> (i32, i32, i32) {
    %add3A = arith.constant 8 : i32
    %add3A_0 = arith.addi %arg0, %add3A : i32
    %c0_i32 = arith.constant 0 : i32
    %c0_i32_1 = arith.constant 0 : i32
    %c0_i32_2 = arith.constant 0 : i32
    return %add3A_0, %c0_i32, %c0_i32_1 : i32, i32, i32
  }
}

module attributes {stable_mosaic.version = 14 : i64} {
  func.func @_mlp_body(%arg0: i32, %arg1: memref<16x128x128xf32, #tpu.memory_space<vmem>>, %arg2: memref<16x128xi32, #tpu.memory_space<vmem>>, %arg3: memref<16x128xi32, #tpu.memory_space<vmem>>, %arg4: memref<128x128xf32, #tpu.memory_space<vmem>>, %arg5: memref<1024x128xbf16, #tpu.memory_space<vmem>>, %arg6: memref<1x128xf32, #tpu.memory_space<vmem>>, %arg7: memref<128x128xf32, #tpu.memory_space<vmem>>, %arg8: memref<1x128xf32, #tpu.memory_space<vmem>>, %arg9: memref<1x128xf32, #tpu.memory_space<vmem>>, %arg10: memref<16x129x128xf32, #tpu.memory_space<vmem>>) attributes {dimension_semantics = [#tpu.dimension_semantics<arbitrary>], iteration_bounds = array<i64: 8>, scalar_prefetch = 0 : i64, scratch_operands = 0 : i64, tpu.core_type = #tpu.core_type<tc>, window_params = [{transform_indices = @transform_0, window_bounds = array<i64: 16, 128, 128>}, {transform_indices = @transform_1, window_bounds = array<i64: 16, 128>}, {transform_indices = @transform_2, window_bounds = array<i64: 16, 128>}, {pipeline_mode = #tpu.pipeline_mode<synchronous>, transform_indices = @transform_3, window_bounds = array<i64: 128, 128>}, {pipeline_mode = #tpu.pipeline_mode<synchronous>, transform_indices = @transform_4, window_bounds = array<i64: 1024, 128>}, {pipeline_mode = #tpu.pipeline_mode<synchronous>, transform_indices = @transform_5, window_bounds = array<i64: 1, 128>}, {pipeline_mode = #tpu.pipeline_mode<synchronous>, transform_indices = @transform_6, window_bounds = array<i64: 128, 128>}, {pipeline_mode = #tpu.pipeline_mode<synchronous>, transform_indices = @transform_7, window_bounds = array<i64: 1, 128>}, {pipeline_mode = #tpu.pipeline_mode<synchronous>, transform_indices = @transform_8, window_bounds = array<i64: 1, 128>}, {transform_indices = @transform_9, window_bounds = array<i64: 16, 129, 128>}]} {
    %get3A = arith.constant 0 : index
    %get3A_0 = arith.constant 0 : index
    %get3A_1 = arith.constant 0 : index
    %get3A_2 = vector.load %arg1[%get3A, %get3A_0, %get3A_1] : memref<16x128x128xf32, #tpu.memory_space<vmem>>, vector<16x128x128xf32>
    %reshape3A = vector.shape_cast %get3A_2 : vector<16x128x128xf32> to vector<2048x128xf32>
    %convert_element_type3A = arith.truncf %reshape3A : vector<2048x128xf32> to vector<2048x128xbf16>
    %get3A_3 = arith.constant 0 : index
    %get3A_4 = arith.constant 0 : index
    %get3A_5 = vector.load %arg4[%get3A_3, %get3A_4] : memref<128x128xf32, #tpu.memory_space<vmem>>, vector<128x128xf32>
    %convert_element_type3A_6 = arith.truncf %get3A_5 : vector<128x128xf32> to vector<128x128xbf16>
    %dot_general3A = arith.constant dense<0.000000e+00> : vector<2048x128xf32>
    %dot_general3A_7 = tpu.matmul %convert_element_type3A, %convert_element_type3A_6, %dot_general3A {dimension_numbers = #tpu.dot_dimension_numbers<[1], [0], [0], [1], [0, 0, 1, 1], [], []>, transpose_lhs_hint = false} : vector<2048x128xbf16>, vector<128x128xbf16>, vector<2048x128xf32> -> vector<2048x128xf32>
    %iota3A = tpu.iota {dimensions = array<i32: 0>} : vector<512x128xi32>
    %get3A_8 = arith.constant 0 : index
    %get3A_9 = arith.constant 0 : index
    %get3A_10 = vector.load %arg5[%get3A_8, %get3A_9] : memref<1024x128xbf16, #tpu.memory_space<vmem>>, vector<512x128xbf16>
    %get3A_11 = arith.constant 512 : index
    %get3A_12 = arith.constant 0 : index
    %get3A_13 = vector.load %arg5[%get3A_11, %get3A_12] : memref<1024x128xbf16, #tpu.memory_space<vmem>>, vector<512x128xbf16>
    %get3A_14 = arith.constant 0 : index
    %get3A_15 = arith.constant 0 : index
    %get3A_16 = vector.load %arg2[%get3A_14, %get3A_15] : memref<16x128xi32, #tpu.memory_space<vmem>>, vector<1x128xi32>
    %get3A_17 = vector.shape_cast %get3A_16 : vector<1x128xi32> to vector<128xi32>
    %broadcast_in_dim3A = vector.shape_cast %get3A_17 : vector<128xi32> to vector<1x128xi32>
    %eq3A = vector.broadcast %broadcast_in_dim3A : vector<1x128xi32> to vector<512x128xi32>
    %eq3A_18 = arith.cmpi eq, %iota3A, %eq3A : vector<512x128xi32>
    %convert_element_type3A_19 = arith.extui %eq3A_18 : vector<512x128xi1> to vector<512x128xi32>
    %convert_element_type3A_20 = arith.sitofp %convert_element_type3A_19 : vector<512x128xi32> to vector<512x128xf32>
    %convert_element_type3A_21 = arith.truncf %convert_element_type3A_20 : vector<512x128xf32> to vector<512x128xbf16>
    %dot_general3A_22 = arith.constant dense<0.000000e+00> : vector<128x128xf32>
    %dot_general3A_23 = tpu.matmul %convert_element_type3A_21, %get3A_10, %dot_general3A_22 {dimension_numbers = #tpu.dot_dimension_numbers<[0], [0], [1], [1], [0, 1, 1, 1], [], []>, transpose_lhs_hint = false} : vector<512x128xbf16>, vector<512x128xbf16>, vector<128x128xf32> -> vector<128x128xf32>
    %get3A_24 = arith.constant 0 : index
    %get3A_25 = arith.constant 0 : index
    %get3A_26 = vector.load %arg3[%get3A_24, %get3A_25] : memref<16x128xi32, #tpu.memory_space<vmem>>, vector<1x128xi32>
    %get3A_27 = vector.shape_cast %get3A_26 : vector<1x128xi32> to vector<128xi32>
    %broadcast_in_dim3A_28 = vector.shape_cast %get3A_27 : vector<128xi32> to vector<1x128xi32>
    %eq3A_29 = vector.broadcast %broadcast_in_dim3A_28 : vector<1x128xi32> to vector<512x128xi32>
    %eq3A_30 = arith.cmpi eq, %iota3A, %eq3A_29 : vector<512x128xi32>
    %convert_element_type3A_31 = arith.extui %eq3A_30 : vector<512x128xi1> to vector<512x128xi32>
    %convert_element_type3A_32 = arith.sitofp %convert_element_type3A_31 : vector<512x128xi32> to vector<512x128xf32>
    %convert_element_type3A_33 = arith.truncf %convert_element_type3A_32 : vector<512x128xf32> to vector<512x128xbf16>
    %dot_general3A_34 = arith.constant dense<0.000000e+00> : vector<128x128xf32>
    %dot_general3A_35 = tpu.matmul %convert_element_type3A_33, %get3A_13, %dot_general3A_34 {dimension_numbers = #tpu.dot_dimension_numbers<[0], [0], [1], [1], [0, 1, 1, 1], [], []>, transpose_lhs_hint = false} : vector<512x128xbf16>, vector<512x128xbf16>, vector<128x128xf32> -> vector<128x128xf32>
    %add3A = arith.addf %dot_general3A_23, %dot_general3A_35 : vector<128x128xf32>
    %get3A_36 = arith.constant 1 : index
    %get3A_37 = arith.constant 0 : index
    %get3A_38 = vector.load %arg2[%get3A_36, %get3A_37] : memref<16x128xi32, #tpu.memory_space<vmem>>, vector<1x128xi32>
    %get3A_39 = vector.shape_cast %get3A_38 : vector<1x128xi32> to vector<128xi32>
    %broadcast_in_dim3A_40 = vector.shape_cast %get3A_39 : vector<128xi32> to vector<1x128xi32>
    %eq3A_41 = vector.broadcast %broadcast_in_dim3A_40 : vector<1x128xi32> to vector<512x128xi32>
    %eq3A_42 = arith.cmpi eq, %iota3A, %eq3A_41 : vector<512x128xi32>
    %convert_element_type3A_43 = arith.extui %eq3A_42 : vector<512x128xi1> to vector<512x128xi32>
    %convert_element_type3A_44 = arith.sitofp %convert_element_type3A_43 : vector<512x128xi32> to vector<512x128xf32>
    %convert_element_type3A_45 = arith.truncf %convert_element_type3A_44 : vector<512x128xf32> to vector<512x128xbf16>
    %dot_general3A_46 = arith.constant dense<0.000000e+00> : vector<128x128xf32>
    %dot_general3A_47 = tpu.matmul %convert_element_type3A_45, %get3A_10, %dot_general3A_46 {dimension_numbers = #tpu.dot_dimension_numbers<[0], [0], [1], [1], [0, 1, 1, 1], [], []>, transpose_lhs_hint = false} : vector<512x128xbf16>, vector<512x128xbf16>, vector<128x128xf32> -> vector<128x128xf32>
    %get3A_48 = arith.constant 1 : index
    %get3A_49 = arith.constant 0 : index
    %get3A_50 = vector.load %arg3[%get3A_48, %get3A_49] : memref<16x128xi32, #tpu.memory_space<vmem>>, vector<1x128xi32>
    %get3A_51 = vector.shape_cast %get3A_50 : vector<1x128xi32> to vector<128xi32>
    %broadcast_in_dim3A_52 = vector.shape_cast %get3A_51 : vector<128xi32> to vector<1x128xi32>
    %eq3A_53 = vector.broadcast %broadcast_in_dim3A_52 : vector<1x128xi32> to vector<512x128xi32>
    %eq3A_54 = arith.cmpi eq, %iota3A, %eq3A_53 : vector<512x128xi32>
    %convert_element_type3A_55 = arith.extui %eq3A_54 : vector<512x128xi1> to vector<512x128xi32>
    %convert_element_type3A_56 = arith.sitofp %convert_element_type3A_55 : vector<512x128xi32> to vector<512x128xf32>
    %convert_element_type3A_57 = arith.truncf %convert_element_type3A_56 : vector<512x128xf32> to vector<512x128xbf16>
    %dot_general3A_58 = arith.constant dense<0.000000e+00> : vector<128x128xf32>
    %dot_general3A_59 = tpu.matmul %convert_element_type3A_57, %get3A_13, %dot_general3A_58 {dimension_numbers = #tpu.dot_dimension_numbers<[0], [0], [1], [1], [0, 1, 1, 1], [], []>, transpose_lhs_hint = false} : vector<512x128xbf16>, vector<512x128xbf16>, vector<128x128xf32> -> vector<128x128xf32>
    %add3A_60 = arith.addf %dot_general3A_47, %dot_general3A_59 : vector<128x128xf32>
    %get3A_61 = arith.constant 2 : index
    %get3A_62 = arith.constant 0 : index
    %get3A_63 = vector.load %arg2[%get3A_61, %get3A_62] : memref<16x128xi32, #tpu.memory_space<vmem>>, vector<1x128xi32>
    %get3A_64 = vector.shape_cast %get3A_63 : vector<1x128xi32> to vector<128xi32>
    %broadcast_in_dim3A_65 = vector.shape_cast %get3A_64 : vector<128xi32> to vector<1x128xi32>
    %eq3A_66 = vector.broadcast %broadcast_in_dim3A_65 : vector<1x128xi32> to vector<512x128xi32>
    %eq3A_67 = arith.cmpi eq, %iota3A, %eq3A_66 : vector<512x128xi32>
    %convert_element_type3A_68 = arith.extui %eq3A_67 : vector<512x128xi1> to vector<512x128xi32>
    %convert_element_type3A_69 = arith.sitofp %convert_element_type3A_68 : vector<512x128xi32> to vector<512x128xf32>
    %convert_element_type3A_70 = arith.truncf %convert_element_type3A_69 : vector<512x128xf32> to vector<512x128xbf16>
    %dot_general3A_71 = arith.constant dense<0.000000e+00> : vector<128x128xf32>
    %dot_general3A_72 = tpu.matmul %convert_element_type3A_70, %get3A_10, %dot_general3A_71 {dimension_numbers = #tpu.dot_dimension_numbers<[0], [0], [1], [1], [0, 1, 1, 1], [], []>, transpose_lhs_hint = false} : vector<512x128xbf16>, vector<512x128xbf16>, vector<128x128xf32> -> vector<128x128xf32>
    %get3A_73 = arith.constant 2 : index
    %get3A_74 = arith.constant 0 : index
    %get3A_75 = vector.load %arg3[%get3A_73, %get3A_74] : memref<16x128xi32, #tpu.memory_space<vmem>>, vector<1x128xi32>
    %get3A_76 = vector.shape_cast %get3A_75 : vector<1x128xi32> to vector<128xi32>
    %broadcast_in_dim3A_77 = vector.shape_cast %get3A_76 : vector<128xi32> to vector<1x128xi32>
    %eq3A_78 = vector.broadcast %broadcast_in_dim3A_77 : vector<1x128xi32> to vector<512x128xi32>
    %eq3A_79 = arith.cmpi eq, %iota3A, %eq3A_78 : vector<512x128xi32>
    %convert_element_type3A_80 = arith.extui %eq3A_79 : vector<512x128xi1> to vector<512x128xi32>
    %convert_element_type3A_81 = arith.sitofp %convert_element_type3A_80 : vector<512x128xi32> to vector<512x128xf32>
    %convert_element_type3A_82 = arith.truncf %convert_element_type3A_81 : vector<512x128xf32> to vector<512x128xbf16>
    %dot_general3A_83 = arith.constant dense<0.000000e+00> : vector<128x128xf32>
    %dot_general3A_84 = tpu.matmul %convert_element_type3A_82, %get3A_13, %dot_general3A_83 {dimension_numbers = #tpu.dot_dimension_numbers<[0], [0], [1], [1], [0, 1, 1, 1], [], []>, transpose_lhs_hint = false} : vector<512x128xbf16>, vector<512x128xbf16>, vector<128x128xf32> -> vector<128x128xf32>
    %add3A_85 = arith.addf %dot_general3A_72, %dot_general3A_84 : vector<128x128xf32>
    %get3A_86 = arith.constant 3 : index
    %get3A_87 = arith.constant 0 : index
    %get3A_88 = vector.load %arg2[%get3A_86, %get3A_87] : memref<16x128xi32, #tpu.memory_space<vmem>>, vector<1x128xi32>
    %get3A_89 = vector.shape_cast %get3A_88 : vector<1x128xi32> to vector<128xi32>
    %broadcast_in_dim3A_90 = vector.shape_cast %get3A_89 : vector<128xi32> to vector<1x128xi32>
    %eq3A_91 = vector.broadcast %broadcast_in_dim3A_90 : vector<1x128xi32> to vector<512x128xi32>
    %eq3A_92 = arith.cmpi eq, %iota3A, %eq3A_91 : vector<512x128xi32>
    %convert_element_type3A_93 = arith.extui %eq3A_92 : vector<512x128xi1> to vector<512x128xi32>
    %convert_element_type3A_94 = arith.sitofp %convert_element_type3A_93 : vector<512x128xi32> to vector<512x128xf32>
    %convert_element_type3A_95 = arith.truncf %convert_element_type3A_94 : vector<512x128xf32> to vector<512x128xbf16>
    %dot_general3A_96 = arith.constant dense<0.000000e+00> : vector<128x128xf32>
    %dot_general3A_97 = tpu.matmul %convert_element_type3A_95, %get3A_10, %dot_general3A_96 {dimension_numbers = #tpu.dot_dimension_numbers<[0], [0], [1], [1], [0, 1, 1, 1], [], []>, transpose_lhs_hint = false} : vector<512x128xbf16>, vector<512x128xbf16>, vector<128x128xf32> -> vector<128x128xf32>
    %get3A_98 = arith.constant 3 : index
    %get3A_99 = arith.constant 0 : index
    %get3A_100 = vector.load %arg3[%get3A_98, %get3A_99] : memref<16x128xi32, #tpu.memory_space<vmem>>, vector<1x128xi32>
    %get3A_101 = vector.shape_cast %get3A_100 : vector<1x128xi32> to vector<128xi32>
    %broadcast_in_dim3A_102 = vector.shape_cast %get3A_101 : vector<128xi32> to vector<1x128xi32>
    %eq3A_103 = vector.broadcast %broadcast_in_dim3A_102 : vector<1x128xi32> to vector<512x128xi32>
    %eq3A_104 = arith.cmpi eq, %iota3A, %eq3A_103 : vector<512x128xi32>
    %convert_element_type3A_105 = arith.extui %eq3A_104 : vector<512x128xi1> to vector<512x128xi32>
    %convert_element_type3A_106 = arith.sitofp %convert_element_type3A_105 : vector<512x128xi32> to vector<512x128xf32>
    %convert_element_type3A_107 = arith.truncf %convert_element_type3A_106 : vector<512x128xf32> to vector<512x128xbf16>
    %dot_general3A_108 = arith.constant dense<0.000000e+00> : vector<128x128xf32>
    %dot_general3A_109 = tpu.matmul %convert_element_type3A_107, %get3A_13, %dot_general3A_108 {dimension_numbers = #tpu.dot_dimension_numbers<[0], [0], [1], [1], [0, 1, 1, 1], [], []>, transpose_lhs_hint = false} : vector<512x128xbf16>, vector<512x128xbf16>, vector<128x128xf32> -> vector<128x128xf32>
    %add3A_110 = arith.addf %dot_general3A_97, %dot_general3A_109 : vector<128x128xf32>
    %get3A_111 = arith.constant 4 : index
    %get3A_112 = arith.constant 0 : index
    %get3A_113 = vector.load %arg2[%get3A_111, %get3A_112] : memref<16x128xi32, #tpu.memory_space<vmem>>, vector<1x128xi32>
    %get3A_114 = vector.shape_cast %get3A_113 : vector<1x128xi32> to vector<128xi32>
    %broadcast_in_dim3A_115 = vector.shape_cast %get3A_114 : vector<128xi32> to vector<1x128xi32>
    %eq3A_116 = vector.broadcast %broadcast_in_dim3A_115 : vector<1x128xi32> to vector<512x128xi32>
    %eq3A_117 = arith.cmpi eq, %iota3A, %eq3A_116 : vector<512x128xi32>
    %convert_element_type3A_118 = arith.extui %eq3A_117 : vector<512x128xi1> to vector<512x128xi32>
    %convert_element_type3A_119 = arith.sitofp %convert_element_type3A_118 : vector<512x128xi32> to vector<512x128xf32>
    %convert_element_type3A_120 = arith.truncf %convert_element_type3A_119 : vector<512x128xf32> to vector<512x128xbf16>
    %dot_general3A_121 = arith.constant dense<0.000000e+00> : vector<128x128xf32>
    %dot_general3A_122 = tpu.matmul %convert_element_type3A_120, %get3A_10, %dot_general3A_121 {dimension_numbers = #tpu.dot_dimension_numbers<[0], [0], [1], [1], [0, 1, 1, 1], [], []>, transpose_lhs_hint = false} : vector<512x128xbf16>, vector<512x128xbf16>, vector<128x128xf32> -> vector<128x128xf32>
    %get3A_123 = arith.constant 4 : index
    %get3A_124 = arith.constant 0 : index
    %get3A_125 = vector.load %arg3[%get3A_123, %get3A_124] : memref<16x128xi32, #tpu.memory_space<vmem>>, vector<1x128xi32>
    %get3A_126 = vector.shape_cast %get3A_125 : vector<1x128xi32> to vector<128xi32>
    %broadcast_in_dim3A_127 = vector.shape_cast %get3A_126 : vector<128xi32> to vector<1x128xi32>
    %eq3A_128 = vector.broadcast %broadcast_in_dim3A_127 : vector<1x128xi32> to vector<512x128xi32>
    %eq3A_129 = arith.cmpi eq, %iota3A, %eq3A_128 : vector<512x128xi32>
    %convert_element_type3A_130 = arith.extui %eq3A_129 : vector<512x128xi1> to vector<512x128xi32>
    %convert_element_type3A_131 = arith.sitofp %convert_element_type3A_130 : vector<512x128xi32> to vector<512x128xf32>
    %convert_element_type3A_132 = arith.truncf %convert_element_type3A_131 : vector<512x128xf32> to vector<512x128xbf16>
    %dot_general3A_133 = arith.constant dense<0.000000e+00> : vector<128x128xf32>
    %dot_general3A_134 = tpu.matmul %convert_element_type3A_132, %get3A_13, %dot_general3A_133 {dimension_numbers = #tpu.dot_dimension_numbers<[0], [0], [1], [1], [0, 1, 1, 1], [], []>, transpose_lhs_hint = false} : vector<512x128xbf16>, vector<512x128xbf16>, vector<128x128xf32> -> vector<128x128xf32>
    %add3A_135 = arith.addf %dot_general3A_122, %dot_general3A_134 : vector<128x128xf32>
    %get3A_136 = arith.constant 5 : index
    %get3A_137 = arith.constant 0 : index
    %get3A_138 = vector.load %arg2[%get3A_136, %get3A_137] : memref<16x128xi32, #tpu.memory_space<vmem>>, vector<1x128xi32>
    %get3A_139 = vector.shape_cast %get3A_138 : vector<1x128xi32> to vector<128xi32>
    %broadcast_in_dim3A_140 = vector.shape_cast %get3A_139 : vector<128xi32> to vector<1x128xi32>
    %eq3A_141 = vector.broadcast %broadcast_in_dim3A_140 : vector<1x128xi32> to vector<512x128xi32>
    %eq3A_142 = arith.cmpi eq, %iota3A, %eq3A_141 : vector<512x128xi32>
    %convert_element_type3A_143 = arith.extui %eq3A_142 : vector<512x128xi1> to vector<512x128xi32>
    %convert_element_type3A_144 = arith.sitofp %convert_element_type3A_143 : vector<512x128xi32> to vector<512x128xf32>
    %convert_element_type3A_145 = arith.truncf %convert_element_type3A_144 : vector<512x128xf32> to vector<512x128xbf16>
    %dot_general3A_146 = arith.constant dense<0.000000e+00> : vector<128x128xf32>
    %dot_general3A_147 = tpu.matmul %convert_element_type3A_145, %get3A_10, %dot_general3A_146 {dimension_numbers = #tpu.dot_dimension_numbers<[0], [0], [1], [1], [0, 1, 1, 1], [], []>, transpose_lhs_hint = false} : vector<512x128xbf16>, vector<512x128xbf16>, vector<128x128xf32> -> vector<128x128xf32>
    %get3A_148 = arith.constant 5 : index
    %get3A_149 = arith.constant 0 : index
    %get3A_150 = vector.load %arg3[%get3A_148, %get3A_149] : memref<16x128xi32, #tpu.memory_space<vmem>>, vector<1x128xi32>
    %get3A_151 = vector.shape_cast %get3A_150 : vector<1x128xi32> to vector<128xi32>
    %broadcast_in_dim3A_152 = vector.shape_cast %get3A_151 : vector<128xi32> to vector<1x128xi32>
    %eq3A_153 = vector.broadcast %broadcast_in_dim3A_152 : vector<1x128xi32> to vector<512x128xi32>
    %eq3A_154 = arith.cmpi eq, %iota3A, %eq3A_153 : vector<512x128xi32>
    %convert_element_type3A_155 = arith.extui %eq3A_154 : vector<512x128xi1> to vector<512x128xi32>
    %convert_element_type3A_156 = arith.sitofp %convert_element_type3A_155 : vector<512x128xi32> to vector<512x128xf32>
    %convert_element_type3A_157 = arith.truncf %convert_element_type3A_156 : vector<512x128xf32> to vector<512x128xbf16>
    %dot_general3A_158 = arith.constant dense<0.000000e+00> : vector<128x128xf32>
    %dot_general3A_159 = tpu.matmul %convert_element_type3A_157, %get3A_13, %dot_general3A_158 {dimension_numbers = #tpu.dot_dimension_numbers<[0], [0], [1], [1], [0, 1, 1, 1], [], []>, transpose_lhs_hint = false} : vector<512x128xbf16>, vector<512x128xbf16>, vector<128x128xf32> -> vector<128x128xf32>
    %add3A_160 = arith.addf %dot_general3A_147, %dot_general3A_159 : vector<128x128xf32>
    %get3A_161 = arith.constant 6 : index
    %get3A_162 = arith.constant 0 : index
    %get3A_163 = vector.load %arg2[%get3A_161, %get3A_162] : memref<16x128xi32, #tpu.memory_space<vmem>>, vector<1x128xi32>
    %get3A_164 = vector.shape_cast %get3A_163 : vector<1x128xi32> to vector<128xi32>
    %broadcast_in_dim3A_165 = vector.shape_cast %get3A_164 : vector<128xi32> to vector<1x128xi32>
    %eq3A_166 = vector.broadcast %broadcast_in_dim3A_165 : vector<1x128xi32> to vector<512x128xi32>
    %eq3A_167 = arith.cmpi eq, %iota3A, %eq3A_166 : vector<512x128xi32>
    %convert_element_type3A_168 = arith.extui %eq3A_167 : vector<512x128xi1> to vector<512x128xi32>
    %convert_element_type3A_169 = arith.sitofp %convert_element_type3A_168 : vector<512x128xi32> to vector<512x128xf32>
    %convert_element_type3A_170 = arith.truncf %convert_element_type3A_169 : vector<512x128xf32> to vector<512x128xbf16>
    %dot_general3A_171 = arith.constant dense<0.000000e+00> : vector<128x128xf32>
    %dot_general3A_172 = tpu.matmul %convert_element_type3A_170, %get3A_10, %dot_general3A_171 {dimension_numbers = #tpu.dot_dimension_numbers<[0], [0], [1], [1], [0, 1, 1, 1], [], []>, transpose_lhs_hint = false} : vector<512x128xbf16>, vector<512x128xbf16>, vector<128x128xf32> -> vector<128x128xf32>
    %get3A_173 = arith.constant 6 : index
    %get3A_174 = arith.constant 0 : index
    %get3A_175 = vector.load %arg3[%get3A_173, %get3A_174] : memref<16x128xi32, #tpu.memory_space<vmem>>, vector<1x128xi32>
    %get3A_176 = vector.shape_cast %get3A_175 : vector<1x128xi32> to vector<128xi32>
    %broadcast_in_dim3A_177 = vector.shape_cast %get3A_176 : vector<128xi32> to vector<1x128xi32>
    %eq3A_178 = vector.broadcast %broadcast_in_dim3A_177 : vector<1x128xi32> to vector<512x128xi32>
    %eq3A_179 = arith.cmpi eq, %iota3A, %eq3A_178 : vector<512x128xi32>
    %convert_element_type3A_180 = arith.extui %eq3A_179 : vector<512x128xi1> to vector<512x128xi32>
    %convert_element_type3A_181 = arith.sitofp %convert_element_type3A_180 : vector<512x128xi32> to vector<512x128xf32>
    %convert_element_type3A_182 = arith.truncf %convert_element_type3A_181 : vector<512x128xf32> to vector<512x128xbf16>
    %dot_general3A_183 = arith.constant dense<0.000000e+00> : vector<128x128xf32>
    %dot_general3A_184 = tpu.matmul %convert_element_type3A_182, %get3A_13, %dot_general3A_183 {dimension_numbers = #tpu.dot_dimension_numbers<[0], [0], [1], [1], [0, 1, 1, 1], [], []>, transpose_lhs_hint = false} : vector<512x128xbf16>, vector<512x128xbf16>, vector<128x128xf32> -> vector<128x128xf32>
    %add3A_185 = arith.addf %dot_general3A_172, %dot_general3A_184 : vector<128x128xf32>
    %get3A_186 = arith.constant 7 : index
    %get3A_187 = arith.constant 0 : index
    %get3A_188 = vector.load %arg2[%get3A_186, %get3A_187] : memref<16x128xi32, #tpu.memory_space<vmem>>, vector<1x128xi32>
    %get3A_189 = vector.shape_cast %get3A_188 : vector<1x128xi32> to vector<128xi32>
    %broadcast_in_dim3A_190 = vector.shape_cast %get3A_189 : vector<128xi32> to vector<1x128xi32>
    %eq3A_191 = vector.broadcast %broadcast_in_dim3A_190 : vector<1x128xi32> to vector<512x128xi32>
    %eq3A_192 = arith.cmpi eq, %iota3A, %eq3A_191 : vector<512x128xi32>
    %convert_element_type3A_193 = arith.extui %eq3A_192 : vector<512x128xi1> to vector<512x128xi32>
    %convert_element_type3A_194 = arith.sitofp %convert_element_type3A_193 : vector<512x128xi32> to vector<512x128xf32>
    %convert_element_type3A_195 = arith.truncf %convert_element_type3A_194 : vector<512x128xf32> to vector<512x128xbf16>
    %dot_general3A_196 = arith.constant dense<0.000000e+00> : vector<128x128xf32>
    %dot_general3A_197 = tpu.matmul %convert_element_type3A_195, %get3A_10, %dot_general3A_196 {dimension_numbers = #tpu.dot_dimension_numbers<[0], [0], [1], [1], [0, 1, 1, 1], [], []>, transpose_lhs_hint = false} : vector<512x128xbf16>, vector<512x128xbf16>, vector<128x128xf32> -> vector<128x128xf32>
    %get3A_198 = arith.constant 7 : index
    %get3A_199 = arith.constant 0 : index
    %get3A_200 = vector.load %arg3[%get3A_198, %get3A_199] : memref<16x128xi32, #tpu.memory_space<vmem>>, vector<1x128xi32>
    %get3A_201 = vector.shape_cast %get3A_200 : vector<1x128xi32> to vector<128xi32>
    %broadcast_in_dim3A_202 = vector.shape_cast %get3A_201 : vector<128xi32> to vector<1x128xi32>
    %eq3A_203 = vector.broadcast %broadcast_in_dim3A_202 : vector<1x128xi32> to vector<512x128xi32>
    %eq3A_204 = arith.cmpi eq, %iota3A, %eq3A_203 : vector<512x128xi32>
    %convert_element_type3A_205 = arith.extui %eq3A_204 : vector<512x128xi1> to vector<512x128xi32>
    %convert_element_type3A_206 = arith.sitofp %convert_element_type3A_205 : vector<512x128xi32> to vector<512x128xf32>
    %convert_element_type3A_207 = arith.truncf %convert_element_type3A_206 : vector<512x128xf32> to vector<512x128xbf16>
    %dot_general3A_208 = arith.constant dense<0.000000e+00> : vector<128x128xf32>
    %dot_general3A_209 = tpu.matmul %convert_element_type3A_207, %get3A_13, %dot_general3A_208 {dimension_numbers = #tpu.dot_dimension_numbers<[0], [0], [1], [1], [0, 1, 1, 1], [], []>, transpose_lhs_hint = false} : vector<512x128xbf16>, vector<512x128xbf16>, vector<128x128xf32> -> vector<128x128xf32>
    %add3A_210 = arith.addf %dot_general3A_197, %dot_general3A_209 : vector<128x128xf32>
    %get3A_211 = arith.constant 8 : index
    %get3A_212 = arith.constant 0 : index
    %get3A_213 = vector.load %arg2[%get3A_211, %get3A_212] : memref<16x128xi32, #tpu.memory_space<vmem>>, vector<1x128xi32>
    %get3A_214 = vector.shape_cast %get3A_213 : vector<1x128xi32> to vector<128xi32>
    %broadcast_in_dim3A_215 = vector.shape_cast %get3A_214 : vector<128xi32> to vector<1x128xi32>
    %eq3A_216 = vector.broadcast %broadcast_in_dim3A_215 : vector<1x128xi32> to vector<512x128xi32>
    %eq3A_217 = arith.cmpi eq, %iota3A, %eq3A_216 : vector<512x128xi32>
    %convert_element_type3A_218 = arith.extui %eq3A_217 : vector<512x128xi1> to vector<512x128xi32>
    %convert_element_type3A_219 = arith.sitofp %convert_element_type3A_218 : vector<512x128xi32> to vector<512x128xf32>
    %convert_element_type3A_220 = arith.truncf %convert_element_type3A_219 : vector<512x128xf32> to vector<512x128xbf16>
    %dot_general3A_221 = arith.constant dense<0.000000e+00> : vector<128x128xf32>
    %dot_general3A_222 = tpu.matmul %convert_element_type3A_220, %get3A_10, %dot_general3A_221 {dimension_numbers = #tpu.dot_dimension_numbers<[0], [0], [1], [1], [0, 1, 1, 1], [], []>, transpose_lhs_hint = false} : vector<512x128xbf16>, vector<512x128xbf16>, vector<128x128xf32> -> vector<128x128xf32>
    %get3A_223 = arith.constant 8 : index
    %get3A_224 = arith.constant 0 : index
    %get3A_225 = vector.load %arg3[%get3A_223, %get3A_224] : memref<16x128xi32, #tpu.memory_space<vmem>>, vector<1x128xi32>
    %get3A_226 = vector.shape_cast %get3A_225 : vector<1x128xi32> to vector<128xi32>
    %broadcast_in_dim3A_227 = vector.shape_cast %get3A_226 : vector<128xi32> to vector<1x128xi32>
    %eq3A_228 = vector.broadcast %broadcast_in_dim3A_227 : vector<1x128xi32> to vector<512x128xi32>
    %eq3A_229 = arith.cmpi eq, %iota3A, %eq3A_228 : vector<512x128xi32>
    %convert_element_type3A_230 = arith.extui %eq3A_229 : vector<512x128xi1> to vector<512x128xi32>
    %convert_element_type3A_231 = arith.sitofp %convert_element_type3A_230 : vector<512x128xi32> to vector<512x128xf32>
    %convert_element_type3A_232 = arith.truncf %convert_element_type3A_231 : vector<512x128xf32> to vector<512x128xbf16>
    %dot_general3A_233 = arith.constant dense<0.000000e+00> : vector<128x128xf32>
    %dot_general3A_234 = tpu.matmul %convert_element_type3A_232, %get3A_13, %dot_general3A_233 {dimension_numbers = #tpu.dot_dimension_numbers<[0], [0], [1], [1], [0, 1, 1, 1], [], []>, transpose_lhs_hint = false} : vector<512x128xbf16>, vector<512x128xbf16>, vector<128x128xf32> -> vector<128x128xf32>
    %add3A_235 = arith.addf %dot_general3A_222, %dot_general3A_234 : vector<128x128xf32>
    %get3A_236 = arith.constant 9 : index
    %get3A_237 = arith.constant 0 : index
    %get3A_238 = vector.load %arg2[%get3A_236, %get3A_237] : memref<16x128xi32, #tpu.memory_space<vmem>>, vector<1x128xi32>
    %get3A_239 = vector.shape_cast %get3A_238 : vector<1x128xi32> to vector<128xi32>
    %broadcast_in_dim3A_240 = vector.shape_cast %get3A_239 : vector<128xi32> to vector<1x128xi32>
    %eq3A_241 = vector.broadcast %broadcast_in_dim3A_240 : vector<1x128xi32> to vector<512x128xi32>
    %eq3A_242 = arith.cmpi eq, %iota3A, %eq3A_241 : vector<512x128xi32>
    %convert_element_type3A_243 = arith.extui %eq3A_242 : vector<512x128xi1> to vector<512x128xi32>
    %convert_element_type3A_244 = arith.sitofp %convert_element_type3A_243 : vector<512x128xi32> to vector<512x128xf32>
    %convert_element_type3A_245 = arith.truncf %convert_element_type3A_244 : vector<512x128xf32> to vector<512x128xbf16>
    %dot_general3A_246 = arith.constant dense<0.000000e+00> : vector<128x128xf32>
    %dot_general3A_247 = tpu.matmul %convert_element_type3A_245, %get3A_10, %dot_general3A_246 {dimension_numbers = #tpu.dot_dimension_numbers<[0], [0], [1], [1], [0, 1, 1, 1], [], []>, transpose_lhs_hint = false} : vector<512x128xbf16>, vector<512x128xbf16>, vector<128x128xf32> -> vector<128x128xf32>
    %get3A_248 = arith.constant 9 : index
    %get3A_249 = arith.constant 0 : index
    %get3A_250 = vector.load %arg3[%get3A_248, %get3A_249] : memref<16x128xi32, #tpu.memory_space<vmem>>, vector<1x128xi32>
    %get3A_251 = vector.shape_cast %get3A_250 : vector<1x128xi32> to vector<128xi32>
    %broadcast_in_dim3A_252 = vector.shape_cast %get3A_251 : vector<128xi32> to vector<1x128xi32>
    %eq3A_253 = vector.broadcast %broadcast_in_dim3A_252 : vector<1x128xi32> to vector<512x128xi32>
    %eq3A_254 = arith.cmpi eq, %iota3A, %eq3A_253 : vector<512x128xi32>
    %convert_element_type3A_255 = arith.extui %eq3A_254 : vector<512x128xi1> to vector<512x128xi32>
    %convert_element_type3A_256 = arith.sitofp %convert_element_type3A_255 : vector<512x128xi32> to vector<512x128xf32>
    %convert_element_type3A_257 = arith.truncf %convert_element_type3A_256 : vector<512x128xf32> to vector<512x128xbf16>
    %dot_general3A_258 = arith.constant dense<0.000000e+00> : vector<128x128xf32>
    %dot_general3A_259 = tpu.matmul %convert_element_type3A_257, %get3A_13, %dot_general3A_258 {dimension_numbers = #tpu.dot_dimension_numbers<[0], [0], [1], [1], [0, 1, 1, 1], [], []>, transpose_lhs_hint = false} : vector<512x128xbf16>, vector<512x128xbf16>, vector<128x128xf32> -> vector<128x128xf32>
    %add3A_260 = arith.addf %dot_general3A_247, %dot_general3A_259 : vector<128x128xf32>
    %get3A_261 = arith.constant 10 : index
    %get3A_262 = arith.constant 0 : index
    %get3A_263 = vector.load %arg2[%get3A_261, %get3A_262] : memref<16x128xi32, #tpu.memory_space<vmem>>, vector<1x128xi32>
    %get3A_264 = vector.shape_cast %get3A_263 : vector<1x128xi32> to vector<128xi32>
    %broadcast_in_dim3A_265 = vector.shape_cast %get3A_264 : vector<128xi32> to vector<1x128xi32>
    %eq3A_266 = vector.broadcast %broadcast_in_dim3A_265 : vector<1x128xi32> to vector<512x128xi32>
    %eq3A_267 = arith.cmpi eq, %iota3A, %eq3A_266 : vector<512x128xi32>
    %convert_element_type3A_268 = arith.extui %eq3A_267 : vector<512x128xi1> to vector<512x128xi32>
    %convert_element_type3A_269 = arith.sitofp %convert_element_type3A_268 : vector<512x128xi32> to vector<512x128xf32>
    %convert_element_type3A_270 = arith.truncf %convert_element_type3A_269 : vector<512x128xf32> to vector<512x128xbf16>
    %dot_general3A_271 = arith.constant dense<0.000000e+00> : vector<128x128xf32>
    %dot_general3A_272 = tpu.matmul %convert_element_type3A_270, %get3A_10, %dot_general3A_271 {dimension_numbers = #tpu.dot_dimension_numbers<[0], [0], [1], [1], [0, 1, 1, 1], [], []>, transpose_lhs_hint = false} : vector<512x128xbf16>, vector<512x128xbf16>, vector<128x128xf32> -> vector<128x128xf32>
    %get3A_273 = arith.constant 10 : index
    %get3A_274 = arith.constant 0 : index
    %get3A_275 = vector.load %arg3[%get3A_273, %get3A_274] : memref<16x128xi32, #tpu.memory_space<vmem>>, vector<1x128xi32>
    %get3A_276 = vector.shape_cast %get3A_275 : vector<1x128xi32> to vector<128xi32>
    %broadcast_in_dim3A_277 = vector.shape_cast %get3A_276 : vector<128xi32> to vector<1x128xi32>
    %eq3A_278 = vector.broadcast %broadcast_in_dim3A_277 : vector<1x128xi32> to vector<512x128xi32>
    %eq3A_279 = arith.cmpi eq, %iota3A, %eq3A_278 : vector<512x128xi32>
    %convert_element_type3A_280 = arith.extui %eq3A_279 : vector<512x128xi1> to vector<512x128xi32>
    %convert_element_type3A_281 = arith.sitofp %convert_element_type3A_280 : vector<512x128xi32> to vector<512x128xf32>
    %convert_element_type3A_282 = arith.truncf %convert_element_type3A_281 : vector<512x128xf32> to vector<512x128xbf16>
    %dot_general3A_283 = arith.constant dense<0.000000e+00> : vector<128x128xf32>
    %dot_general3A_284 = tpu.matmul %convert_element_type3A_282, %get3A_13, %dot_general3A_283 {dimension_numbers = #tpu.dot_dimension_numbers<[0], [0], [1], [1], [0, 1, 1, 1], [], []>, transpose_lhs_hint = false} : vector<512x128xbf16>, vector<512x128xbf16>, vector<128x128xf32> -> vector<128x128xf32>
    %add3A_285 = arith.addf %dot_general3A_272, %dot_general3A_284 : vector<128x128xf32>
    %get3A_286 = arith.constant 11 : index
    %get3A_287 = arith.constant 0 : index
    %get3A_288 = vector.load %arg2[%get3A_286, %get3A_287] : memref<16x128xi32, #tpu.memory_space<vmem>>, vector<1x128xi32>
    %get3A_289 = vector.shape_cast %get3A_288 : vector<1x128xi32> to vector<128xi32>
    %broadcast_in_dim3A_290 = vector.shape_cast %get3A_289 : vector<128xi32> to vector<1x128xi32>
    %eq3A_291 = vector.broadcast %broadcast_in_dim3A_290 : vector<1x128xi32> to vector<512x128xi32>
    %eq3A_292 = arith.cmpi eq, %iota3A, %eq3A_291 : vector<512x128xi32>
    %convert_element_type3A_293 = arith.extui %eq3A_292 : vector<512x128xi1> to vector<512x128xi32>
    %convert_element_type3A_294 = arith.sitofp %convert_element_type3A_293 : vector<512x128xi32> to vector<512x128xf32>
    %convert_element_type3A_295 = arith.truncf %convert_element_type3A_294 : vector<512x128xf32> to vector<512x128xbf16>
    %dot_general3A_296 = arith.constant dense<0.000000e+00> : vector<128x128xf32>
    %dot_general3A_297 = tpu.matmul %convert_element_type3A_295, %get3A_10, %dot_general3A_296 {dimension_numbers = #tpu.dot_dimension_numbers<[0], [0], [1], [1], [0, 1, 1, 1], [], []>, transpose_lhs_hint = false} : vector<512x128xbf16>, vector<512x128xbf16>, vector<128x128xf32> -> vector<128x128xf32>
    %get3A_298 = arith.constant 11 : index
    %get3A_299 = arith.constant 0 : index
    %get3A_300 = vector.load %arg3[%get3A_298, %get3A_299] : memref<16x128xi32, #tpu.memory_space<vmem>>, vector<1x128xi32>
    %get3A_301 = vector.shape_cast %get3A_300 : vector<1x128xi32> to vector<128xi32>
    %broadcast_in_dim3A_302 = vector.shape_cast %get3A_301 : vector<128xi32> to vector<1x128xi32>
    %eq3A_303 = vector.broadcast %broadcast_in_dim3A_302 : vector<1x128xi32> to vector<512x128xi32>
    %eq3A_304 = arith.cmpi eq, %iota3A, %eq3A_303 : vector<512x128xi32>
    %convert_element_type3A_305 = arith.extui %eq3A_304 : vector<512x128xi1> to vector<512x128xi32>
    %convert_element_type3A_306 = arith.sitofp %convert_element_type3A_305 : vector<512x128xi32> to vector<512x128xf32>
    %convert_element_type3A_307 = arith.truncf %convert_element_type3A_306 : vector<512x128xf32> to vector<512x128xbf16>
    %dot_general3A_308 = arith.constant dense<0.000000e+00> : vector<128x128xf32>
    %dot_general3A_309 = tpu.matmul %convert_element_type3A_307, %get3A_13, %dot_general3A_308 {dimension_numbers = #tpu.dot_dimension_numbers<[0], [0], [1], [1], [0, 1, 1, 1], [], []>, transpose_lhs_hint = false} : vector<512x128xbf16>, vector<512x128xbf16>, vector<128x128xf32> -> vector<128x128xf32>
    %add3A_310 = arith.addf %dot_general3A_297, %dot_general3A_309 : vector<128x128xf32>
    %get3A_311 = arith.constant 12 : index
    %get3A_312 = arith.constant 0 : index
    %get3A_313 = vector.load %arg2[%get3A_311, %get3A_312] : memref<16x128xi32, #tpu.memory_space<vmem>>, vector<1x128xi32>
    %get3A_314 = vector.shape_cast %get3A_313 : vector<1x128xi32> to vector<128xi32>
    %broadcast_in_dim3A_315 = vector.shape_cast %get3A_314 : vector<128xi32> to vector<1x128xi32>
    %eq3A_316 = vector.broadcast %broadcast_in_dim3A_315 : vector<1x128xi32> to vector<512x128xi32>
    %eq3A_317 = arith.cmpi eq, %iota3A, %eq3A_316 : vector<512x128xi32>
    %convert_element_type3A_318 = arith.extui %eq3A_317 : vector<512x128xi1> to vector<512x128xi32>
    %convert_element_type3A_319 = arith.sitofp %convert_element_type3A_318 : vector<512x128xi32> to vector<512x128xf32>
    %convert_element_type3A_320 = arith.truncf %convert_element_type3A_319 : vector<512x128xf32> to vector<512x128xbf16>
    %dot_general3A_321 = arith.constant dense<0.000000e+00> : vector<128x128xf32>
    %dot_general3A_322 = tpu.matmul %convert_element_type3A_320, %get3A_10, %dot_general3A_321 {dimension_numbers = #tpu.dot_dimension_numbers<[0], [0], [1], [1], [0, 1, 1, 1], [], []>, transpose_lhs_hint = false} : vector<512x128xbf16>, vector<512x128xbf16>, vector<128x128xf32> -> vector<128x128xf32>
    %get3A_323 = arith.constant 12 : index
    %get3A_324 = arith.constant 0 : index
    %get3A_325 = vector.load %arg3[%get3A_323, %get3A_324] : memref<16x128xi32, #tpu.memory_space<vmem>>, vector<1x128xi32>
    %get3A_326 = vector.shape_cast %get3A_325 : vector<1x128xi32> to vector<128xi32>
    %broadcast_in_dim3A_327 = vector.shape_cast %get3A_326 : vector<128xi32> to vector<1x128xi32>
    %eq3A_328 = vector.broadcast %broadcast_in_dim3A_327 : vector<1x128xi32> to vector<512x128xi32>
    %eq3A_329 = arith.cmpi eq, %iota3A, %eq3A_328 : vector<512x128xi32>
    %convert_element_type3A_330 = arith.extui %eq3A_329 : vector<512x128xi1> to vector<512x128xi32>
    %convert_element_type3A_331 = arith.sitofp %convert_element_type3A_330 : vector<512x128xi32> to vector<512x128xf32>
    %convert_element_type3A_332 = arith.truncf %convert_element_type3A_331 : vector<512x128xf32> to vector<512x128xbf16>
    %dot_general3A_333 = arith.constant dense<0.000000e+00> : vector<128x128xf32>
    %dot_general3A_334 = tpu.matmul %convert_element_type3A_332, %get3A_13, %dot_general3A_333 {dimension_numbers = #tpu.dot_dimension_numbers<[0], [0], [1], [1], [0, 1, 1, 1], [], []>, transpose_lhs_hint = false} : vector<512x128xbf16>, vector<512x128xbf16>, vector<128x128xf32> -> vector<128x128xf32>
    %add3A_335 = arith.addf %dot_general3A_322, %dot_general3A_334 : vector<128x128xf32>
    %get3A_336 = arith.constant 13 : index
    %get3A_337 = arith.constant 0 : index
    %get3A_338 = vector.load %arg2[%get3A_336, %get3A_337] : memref<16x128xi32, #tpu.memory_space<vmem>>, vector<1x128xi32>
    %get3A_339 = vector.shape_cast %get3A_338 : vector<1x128xi32> to vector<128xi32>
    %broadcast_in_dim3A_340 = vector.shape_cast %get3A_339 : vector<128xi32> to vector<1x128xi32>
    %eq3A_341 = vector.broadcast %broadcast_in_dim3A_340 : vector<1x128xi32> to vector<512x128xi32>
    %eq3A_342 = arith.cmpi eq, %iota3A, %eq3A_341 : vector<512x128xi32>
    %convert_element_type3A_343 = arith.extui %eq3A_342 : vector<512x128xi1> to vector<512x128xi32>
    %convert_element_type3A_344 = arith.sitofp %convert_element_type3A_343 : vector<512x128xi32> to vector<512x128xf32>
    %convert_element_type3A_345 = arith.truncf %convert_element_type3A_344 : vector<512x128xf32> to vector<512x128xbf16>
    %dot_general3A_346 = arith.constant dense<0.000000e+00> : vector<128x128xf32>
    %dot_general3A_347 = tpu.matmul %convert_element_type3A_345, %get3A_10, %dot_general3A_346 {dimension_numbers = #tpu.dot_dimension_numbers<[0], [0], [1], [1], [0, 1, 1, 1], [], []>, transpose_lhs_hint = false} : vector<512x128xbf16>, vector<512x128xbf16>, vector<128x128xf32> -> vector<128x128xf32>
    %get3A_348 = arith.constant 13 : index
    %get3A_349 = arith.constant 0 : index
    %get3A_350 = vector.load %arg3[%get3A_348, %get3A_349] : memref<16x128xi32, #tpu.memory_space<vmem>>, vector<1x128xi32>
    %get3A_351 = vector.shape_cast %get3A_350 : vector<1x128xi32> to vector<128xi32>
    %broadcast_in_dim3A_352 = vector.shape_cast %get3A_351 : vector<128xi32> to vector<1x128xi32>
    %eq3A_353 = vector.broadcast %broadcast_in_dim3A_352 : vector<1x128xi32> to vector<512x128xi32>
    %eq3A_354 = arith.cmpi eq, %iota3A, %eq3A_353 : vector<512x128xi32>
    %convert_element_type3A_355 = arith.extui %eq3A_354 : vector<512x128xi1> to vector<512x128xi32>
    %convert_element_type3A_356 = arith.sitofp %convert_element_type3A_355 : vector<512x128xi32> to vector<512x128xf32>
    %convert_element_type3A_357 = arith.truncf %convert_element_type3A_356 : vector<512x128xf32> to vector<512x128xbf16>
    %dot_general3A_358 = arith.constant dense<0.000000e+00> : vector<128x128xf32>
    %dot_general3A_359 = tpu.matmul %convert_element_type3A_357, %get3A_13, %dot_general3A_358 {dimension_numbers = #tpu.dot_dimension_numbers<[0], [0], [1], [1], [0, 1, 1, 1], [], []>, transpose_lhs_hint = false} : vector<512x128xbf16>, vector<512x128xbf16>, vector<128x128xf32> -> vector<128x128xf32>
    %add3A_360 = arith.addf %dot_general3A_347, %dot_general3A_359 : vector<128x128xf32>
    %get3A_361 = arith.constant 14 : index
    %get3A_362 = arith.constant 0 : index
    %get3A_363 = vector.load %arg2[%get3A_361, %get3A_362] : memref<16x128xi32, #tpu.memory_space<vmem>>, vector<1x128xi32>
    %get3A_364 = vector.shape_cast %get3A_363 : vector<1x128xi32> to vector<128xi32>
    %broadcast_in_dim3A_365 = vector.shape_cast %get3A_364 : vector<128xi32> to vector<1x128xi32>
    %eq3A_366 = vector.broadcast %broadcast_in_dim3A_365 : vector<1x128xi32> to vector<512x128xi32>
    %eq3A_367 = arith.cmpi eq, %iota3A, %eq3A_366 : vector<512x128xi32>
    %convert_element_type3A_368 = arith.extui %eq3A_367 : vector<512x128xi1> to vector<512x128xi32>
    %convert_element_type3A_369 = arith.sitofp %convert_element_type3A_368 : vector<512x128xi32> to vector<512x128xf32>
    %convert_element_type3A_370 = arith.truncf %convert_element_type3A_369 : vector<512x128xf32> to vector<512x128xbf16>
    %dot_general3A_371 = arith.constant dense<0.000000e+00> : vector<128x128xf32>
    %dot_general3A_372 = tpu.matmul %convert_element_type3A_370, %get3A_10, %dot_general3A_371 {dimension_numbers = #tpu.dot_dimension_numbers<[0], [0], [1], [1], [0, 1, 1, 1], [], []>, transpose_lhs_hint = false} : vector<512x128xbf16>, vector<512x128xbf16>, vector<128x128xf32> -> vector<128x128xf32>
    %get3A_373 = arith.constant 14 : index
    %get3A_374 = arith.constant 0 : index
    %get3A_375 = vector.load %arg3[%get3A_373, %get3A_374] : memref<16x128xi32, #tpu.memory_space<vmem>>, vector<1x128xi32>
    %get3A_376 = vector.shape_cast %get3A_375 : vector<1x128xi32> to vector<128xi32>
    %broadcast_in_dim3A_377 = vector.shape_cast %get3A_376 : vector<128xi32> to vector<1x128xi32>
    %eq3A_378 = vector.broadcast %broadcast_in_dim3A_377 : vector<1x128xi32> to vector<512x128xi32>
    %eq3A_379 = arith.cmpi eq, %iota3A, %eq3A_378 : vector<512x128xi32>
    %convert_element_type3A_380 = arith.extui %eq3A_379 : vector<512x128xi1> to vector<512x128xi32>
    %convert_element_type3A_381 = arith.sitofp %convert_element_type3A_380 : vector<512x128xi32> to vector<512x128xf32>
    %convert_element_type3A_382 = arith.truncf %convert_element_type3A_381 : vector<512x128xf32> to vector<512x128xbf16>
    %dot_general3A_383 = arith.constant dense<0.000000e+00> : vector<128x128xf32>
    %dot_general3A_384 = tpu.matmul %convert_element_type3A_382, %get3A_13, %dot_general3A_383 {dimension_numbers = #tpu.dot_dimension_numbers<[0], [0], [1], [1], [0, 1, 1, 1], [], []>, transpose_lhs_hint = false} : vector<512x128xbf16>, vector<512x128xbf16>, vector<128x128xf32> -> vector<128x128xf32>
    %add3A_385 = arith.addf %dot_general3A_372, %dot_general3A_384 : vector<128x128xf32>
    %get3A_386 = arith.constant 15 : index
    %get3A_387 = arith.constant 0 : index
    %get3A_388 = vector.load %arg2[%get3A_386, %get3A_387] : memref<16x128xi32, #tpu.memory_space<vmem>>, vector<1x128xi32>
    %get3A_389 = vector.shape_cast %get3A_388 : vector<1x128xi32> to vector<128xi32>
    %broadcast_in_dim3A_390 = vector.shape_cast %get3A_389 : vector<128xi32> to vector<1x128xi32>
    %eq3A_391 = vector.broadcast %broadcast_in_dim3A_390 : vector<1x128xi32> to vector<512x128xi32>
    %eq3A_392 = arith.cmpi eq, %iota3A, %eq3A_391 : vector<512x128xi32>
    %convert_element_type3A_393 = arith.extui %eq3A_392 : vector<512x128xi1> to vector<512x128xi32>
    %convert_element_type3A_394 = arith.sitofp %convert_element_type3A_393 : vector<512x128xi32> to vector<512x128xf32>
    %convert_element_type3A_395 = arith.truncf %convert_element_type3A_394 : vector<512x128xf32> to vector<512x128xbf16>
    %dot_general3A_396 = arith.constant dense<0.000000e+00> : vector<128x128xf32>
    %dot_general3A_397 = tpu.matmul %convert_element_type3A_395, %get3A_10, %dot_general3A_396 {dimension_numbers = #tpu.dot_dimension_numbers<[0], [0], [1], [1], [0, 1, 1, 1], [], []>, transpose_lhs_hint = false} : vector<512x128xbf16>, vector<512x128xbf16>, vector<128x128xf32> -> vector<128x128xf32>
    %get3A_398 = arith.constant 15 : index
    %get3A_399 = arith.constant 0 : index
    %get3A_400 = vector.load %arg3[%get3A_398, %get3A_399] : memref<16x128xi32, #tpu.memory_space<vmem>>, vector<1x128xi32>
    %get3A_401 = vector.shape_cast %get3A_400 : vector<1x128xi32> to vector<128xi32>
    %broadcast_in_dim3A_402 = vector.shape_cast %get3A_401 : vector<128xi32> to vector<1x128xi32>
    %eq3A_403 = vector.broadcast %broadcast_in_dim3A_402 : vector<1x128xi32> to vector<512x128xi32>
    %eq3A_404 = arith.cmpi eq, %iota3A, %eq3A_403 : vector<512x128xi32>
    %convert_element_type3A_405 = arith.extui %eq3A_404 : vector<512x128xi1> to vector<512x128xi32>
    %convert_element_type3A_406 = arith.sitofp %convert_element_type3A_405 : vector<512x128xi32> to vector<512x128xf32>
    %convert_element_type3A_407 = arith.truncf %convert_element_type3A_406 : vector<512x128xf32> to vector<512x128xbf16>
    %dot_general3A_408 = arith.constant dense<0.000000e+00> : vector<128x128xf32>
    %dot_general3A_409 = tpu.matmul %convert_element_type3A_407, %get3A_13, %dot_general3A_408 {dimension_numbers = #tpu.dot_dimension_numbers<[0], [0], [1], [1], [0, 1, 1, 1], [], []>, transpose_lhs_hint = false} : vector<512x128xbf16>, vector<512x128xbf16>, vector<128x128xf32> -> vector<128x128xf32>
    %add3A_410 = arith.addf %dot_general3A_397, %dot_general3A_409 : vector<128x128xf32>
    %concatenate3A = tpu.concatenate %add3A, %add3A_60, %add3A_85, %add3A_110, %add3A_135, %add3A_160, %add3A_185, %add3A_210, %add3A_235, %add3A_260, %add3A_285, %add3A_310, %add3A_335, %add3A_360, %add3A_385, %add3A_410 in 0 : vector<128x128xf32>, vector<128x128xf32>, vector<128x128xf32>, vector<128x128xf32>, vector<128x128xf32>, vector<128x128xf32>, vector<128x128xf32>, vector<128x128xf32>, vector<128x128xf32>, vector<128x128xf32>, vector<128x128xf32>, vector<128x128xf32>, vector<128x128xf32>, vector<128x128xf32>, vector<128x128xf32>, vector<128x128xf32> -> vector<2048x128xf32>
    %add3A_411 = arith.addf %dot_general3A_7, %concatenate3A : vector<2048x128xf32>
    %get3A_412 = arith.constant 0 : index
    %get3A_413 = arith.constant 0 : index
    %get3A_414 = vector.load %arg6[%get3A_412, %get3A_413] : memref<1x128xf32, #tpu.memory_space<vmem>>, vector<1x128xf32>
    %add3A_415 = vector.broadcast %get3A_414 : vector<1x128xf32> to vector<2048x128xf32>
    %add3A_416 = arith.addf %add3A_411, %add3A_415 : vector<2048x128xf32>
    %max3A = arith.constant 0.000000e+00 : f32
    %max3A_417 = vector.broadcast %max3A : f32 to vector<2048x128xf32>
    %max3A_418 = arith.maximumf %add3A_416, %max3A_417 : vector<2048x128xf32>
    %convert_element_type3A_419 = arith.truncf %max3A_418 : vector<2048x128xf32> to vector<2048x128xbf16>
    %get3A_420 = arith.constant 0 : index
    %get3A_421 = arith.constant 0 : index
    %get3A_422 = vector.load %arg7[%get3A_420, %get3A_421] : memref<128x128xf32, #tpu.memory_space<vmem>>, vector<128x128xf32>
    %convert_element_type3A_423 = arith.truncf %get3A_422 : vector<128x128xf32> to vector<128x128xbf16>
    %dot_general3A_424 = arith.constant dense<0.000000e+00> : vector<2048x128xf32>
    %dot_general3A_425 = tpu.matmul %convert_element_type3A_419, %convert_element_type3A_423, %dot_general3A_424 {dimension_numbers = #tpu.dot_dimension_numbers<[1], [0], [0], [1], [0, 0, 1, 1], [], []>, transpose_lhs_hint = false} : vector<2048x128xbf16>, vector<128x128xbf16>, vector<2048x128xf32> -> vector<2048x128xf32>
    %get3A_426 = arith.constant 0 : index
    %get3A_427 = arith.constant 0 : index
    %get3A_428 = vector.load %arg8[%get3A_426, %get3A_427] : memref<1x128xf32, #tpu.memory_space<vmem>>, vector<1x128xf32>
    %add3A_429 = vector.broadcast %get3A_428 : vector<1x128xf32> to vector<2048x128xf32>
    %add3A_430 = arith.addf %dot_general3A_425, %add3A_429 : vector<2048x128xf32>
    %reshape3A_431 = vector.shape_cast %add3A_430 : vector<2048x128xf32> to vector<16x128x128xf32>
    %swap3A = arith.constant 0 : index
    %swap3A_432 = arith.constant 1 : index
    %swap3A_433 = arith.constant 0 : index
    %swap3A_434 = vector.load %arg10[%swap3A, %swap3A_432, %swap3A_433] : memref<16x129x128xf32, #tpu.memory_space<vmem>>, vector<16x128x128xf32>
    tpu.vector_store %arg10[%swap3A, %swap3A_432, %swap3A_433], %reshape3A_431 {strides = array<i32>} : memref<16x129x128xf32, #tpu.memory_space<vmem>>, vector<16x128x128xf32>,
    %get3A_435 = arith.constant 0 : index
    %get3A_436 = arith.constant 0 : index
    %get3A_437 = vector.load %arg9[%get3A_435, %get3A_436] : memref<1x128xf32, #tpu.memory_space<vmem>>, vector<1x128xf32>
    %broadcast_in_dim3A_438 = vector.shape_cast %get3A_437 : vector<1x128xf32> to vector<1x1x128xf32>
    %broadcast_in_dim3A_439 = vector.shape_cast %broadcast_in_dim3A_438 : vector<1x1x128xf32> to vector<1x1x128xf32>
    %broadcast_in_dim3A_440 = vector.broadcast %broadcast_in_dim3A_439 : vector<1x1x128xf32> to vector<16x1x128xf32>
    %swap3A_441 = arith.constant 0 : index
    %swap3A_442 = arith.constant 0 : index
    %swap3A_443 = arith.constant 0 : index
    %swap3A_444 = vector.load %arg10[%swap3A_441, %swap3A_442, %swap3A_443] : memref<16x129x128xf32, #tpu.memory_space<vmem>>, vector<16x1x128xf32>
    tpu.vector_store %arg10[%swap3A_441, %swap3A_442, %swap3A_443], %broadcast_in_dim3A_440 {strides = array<i32>} : memref<16x129x128xf32, #tpu.memory_space<vmem>>, vector<16x1x128xf32>,
    return
  }
  func.func @transform_0(%arg0: i32) -> (i32, i32, i32) {
    %c0_i32 = arith.constant 0 : i32
    %c0_i32_0 = arith.constant 0 : i32
    %c0_i32_1 = arith.constant 0 : i32
    return %arg0, %c0_i32, %c0_i32_0 : i32, i32, i32
  }
  func.func @transform_1(%arg0: i32) -> (i32, i32) {
    %c0_i32 = arith.constant 0 : i32
    %c0_i32_0 = arith.constant 0 : i32
    return %arg0, %c0_i32 : i32, i32
  }
  func.func @transform_2(%arg0: i32) -> (i32, i32) {
    %c0_i32 = arith.constant 0 : i32
    %c0_i32_0 = arith.constant 0 : i32
    return %arg0, %c0_i32 : i32, i32
  }
  func.func @transform_3(%arg0: i32) -> (i32, i32) {
    %c0_i32 = arith.constant 0 : i32
    %c0_i32_0 = arith.constant 0 : i32
    %c0_i32_1 = arith.constant 0 : i32
    return %c0_i32, %c0_i32_0 : i32, i32
  }
  func.func @transform_4(%arg0: i32) -> (i32, i32) {
    %c0_i32 = arith.constant 0 : i32
    %c0_i32_0 = arith.constant 0 : i32
    %c0_i32_1 = arith.constant 0 : i32
    return %c0_i32, %c0_i32_0 : i32, i32
  }
  func.func @transform_5(%arg0: i32) -> (i32, i32) {
    %c0_i32 = arith.constant 0 : i32
    %c0_i32_0 = arith.constant 0 : i32
    %c0_i32_1 = arith.constant 0 : i32
    return %c0_i32, %c0_i32_0 : i32, i32
  }
  func.func @transform_6(%arg0: i32) -> (i32, i32) {
    %c0_i32 = arith.constant 0 : i32
    %c0_i32_0 = arith.constant 0 : i32
    %c0_i32_1 = arith.constant 0 : i32
    return %c0_i32, %c0_i32_0 : i32, i32
  }
  func.func @transform_7(%arg0: i32) -> (i32, i32) {
    %c0_i32 = arith.constant 0 : i32
    %c0_i32_0 = arith.constant 0 : i32
    %c0_i32_1 = arith.constant 0 : i32
    return %c0_i32, %c0_i32_0 : i32, i32
  }
  func.func @transform_8(%arg0: i32) -> (i32, i32) {
    %c0_i32 = arith.constant 0 : i32
    %c0_i32_0 = arith.constant 0 : i32
    %c0_i32_1 = arith.constant 0 : i32
    return %c0_i32, %c0_i32_0 : i32, i32
  }
  func.func @transform_9(%arg0: i32) -> (i32, i32, i32) {
    %add3A = arith.constant 0 : i32
    %add3A_0 = arith.addi %arg0, %add3A : i32
    %c0_i32 = arith.constant 0 : i32
    %c0_i32_1 = arith.constant 0 : i32
    %c0_i32_2 = arith.constant 0 : i32
    return %add3A_0, %c0_i32, %c0_i32_1 : i32, i32, i32
  }
}

</mosaic_0001>

<sc_bundles>
// kernel: kernel.10.cloned.1.call-start
scs
__scs_entry_jumppad:
0x0: {  	(pc) =	sbr.rel $0x88, $3  }
0x1: {  	(tag) =	ssettag $0x0;
	lr =	simm.s32 $0x1  }
0x2: {  	[smem:$0x3F96] =	sst lr;
	_ =	strace $0xD0000000  }
0x3: {  	_ = 	snop  }
0x4: {  	_ = 	snop  }
0x5: {  	_ = 	snop  }
0x6: {  	_ = 	snop  }
0x7: {  	_ = 	snop  }
__scs_overlays_trampoline_lowered:
0x8: {  	[smem:$0x3FA5] =	sst s0  }
0x9: {  	[smem:$0x3FA6] =	sst s1  }
0xa: {  	[smem:$0x3FA7] =	sst s2  }
0xb: {  	[smem:$0x3FA8] =	sst s3  }
0xc: {  	[smem:$0x3FA9] =	sst s4  }
0xd: {  	[smem:$0x3FAA] =	sst s5  }
0xe: {  	[smem:$0x3FAB] =	sst s6  }
0xf: {  	[smem:$0x3FAC] =	sst s7  }
0x10: {  	[smem:$0x3FAD] =	sst s8  }
0x11: {  	[smem:$0x3FAE] =	sst s9;
	s0 =	simm.s32 @!p0 $0x0  }
0x12: {  	s1 =	sld [smem:$0x3F94];
	s0 =	simm.s32 @p0 $0x1  }
0x13: {  	[smem:$0x3FAF] =	sst s0;
	s0 =	simm.s32 @!p1 $0x0  }
0x14: {  	s2 =	sld [smem:$0x3F93];
	s0 =	simm.s32 @p1 $0x1  }
0x15: {  	[smem:$0x3FB0] =	sst s0;
	s0 =	simm.s32 @!p2 $0x0  }
0x16: {  	s3 =	sld [smem:$0x3FDB];
	s0 =	simm.s32 @p2 $0x1  }
0x17: {  	s4 =	simm.s32 $0x1BF5;
	[smem:$0x3FB2] =	sst s0  }
0x18: {  	s0 =	sld [smem:$0x3F95];
	_ =	swait.ge [sflag:s4], $0x0  }
0x19: {  	s7 =	sld [smem:$0x3F96]  }
0x1a: {  	s8 =	sadd.s32 $0xFFFFE003, lr  }
0x1b: {  	s9 =	sadd.s32 $0xFFFFFEF7, lr;
	s5 =	simm.s32 $0xFFFFFFFF;
	p2 =	slt.u32 s8, $0xFFFFF086  }
0x1c: {  	p1 =	slt.u32 s9, $0xF7A;
	s5 =	simm.s32 @!p2 $0x0  }
0x1d: {  	s5 =	simm.s32 @p1 $0x1;
	p0 =	seq.s32 s7, s2  }
0x1e: {  	s7 =	smul.u32 @!p0 $0xF7A, s2;
	p2 =	seq.s32 @!p0 s5, $0x0  }
0x1f: {  	s9 =	smul.u32 $0xF7A, s1;
	s8 =	simm.s32 @!p0 $0x1BF5;
	p2 =	por !p2, p0  }
0x20: {  	[sflag:s8] =	ssyncset.s32 @!p0 $0xFFFFF086;
	s6 =	sadd.s32 @!p0 s3, s7;
	s7 =	simm.s32 @!p0 $0x108  }
0x21: {  	s3 =	sadd.s32 s3, s9;
	s6 =	sadd.s32 @!p0 $0x88, s6;
	s7 =	simm.s32 @p2 $0x1082  }
0x22: {  	[simem:s7], [sflag:s8] =	dma.local @!p0 [hbm:s6], $0xF7A  }
0x23: {  	s9 =	sor.u32 $0xD0000000, s2;
	s6 =	simm.s32 $0x108;
	_ =	swait.ge @!p0 [sflag:s8], $0x0  }
0x24: {  	s3 =	sadd.s32 $0x88, s3;
	s6 =	simm.s32 @!p1 $0x1082;
	[sflag:s4] =	ssyncset.s32 $0xFFFFF086  }
0x25: {  	[simem:s6], [sflag:s4] =	dma.local [hbm:s3], $0xF7A  }
0x26: {  	[smem:$0x3F96] =	sst s1;
	(tag) =	ssettag s2;
	_ =	strace s9  }
0x27: {  	s1 =	sld [smem:$0x3FA6]  }
0x28: {  	s2 =	sld [smem:$0x3FA7]  }
0x29: {  	s4 =	sld [smem:$0x3FA9]  }
0x2a: {  	p0 =	seq.s32 s5, $0x0;
	s5 =	sld [smem:$0x3FAA]  }
0x2b: {  	s6 =	sld [smem:$0x3FAB]  }
0x2c: {  	s7 =	sld [smem:$0x3FAC]  }
0x2d: {  	s3 =	simm.s32 $0x108;
	s8 =	sld [smem:$0x3FAD]  }
0x2e: {  	s3 =	simm.s32 @!p0 $0x1082;
	s9 =	sld [smem:$0x3FAE]  }
0x2f: {  	lr =	sadd.s32 s0, s3;
	s0 =	sld [smem:$0x3FA5]  }
0x30: {  	s3 =	sld [smem:$0x3FA8]  }
0x31: {  	[smem:$0x3FB1] =	sst s10  }
0x32: {  	s10 =	sld [smem:$0x3FAF];
	_ =	sdelay $0x3  }
0x33: {  	p0 =	seq.s32 s10, $0x1;
	s10 =	sld [smem:$0x3FB1];
	_ =	sdelay $0x3  }
0x34: {  	[smem:$0x3FB1] =	sst s10  }
0x35: {  	s10 =	sld [smem:$0x3FB0];
	_ =	sdelay $0x3  }
0x36: {  	p1 =	seq.s32 s10, $0x1;
	s10 =	sld [smem:$0x3FB1];
	_ =	sdelay $0x3  }
0x37: {  	[smem:$0x3FB1] =	sst s10  }
0x38: {  	s10 =	sld [smem:$0x3FB2]  }
0x39: {  	_ = 	snop;
	(pc) =	sbr.ind lr, $3  }
0x3a: {  	_ = 	snop  }
0x3b: {  	_ = 	snop  }
0x3c: {  	p2 =	seq.s32 s10, $0x1;
	s10 =	sld [smem:$0x3FB1]  }
0x3d: {  	_ =	shalt  }
0x3e: {  	_ =	shalt  }
0x3f: {  	_ =	shalt  }
0x40: {  	_ =	shalt  }
0x41: {  	_ =	shalt  }
0x42: {  	_ =	shalt  }
0x43: {  	_ =	shalt  }
0x44: {  	_ =	shalt  }
0x45: {  	_ =	shalt  }
0x46: {  	_ =	shalt  }
0x47: {  	_ =	shalt  }
0x48: {  	_ =	shalt  }
0x49: {  	_ =	shalt  }
0x4a: {  	_ =	shalt  }
0x4b: {  	_ =	shalt  }
0x4c: {  	_ =	shalt  }
0x4d: {  	_ =	shalt  }
0x4e: {  	_ =	shalt  }
0x4f: {  	_ =	shalt  }
0x50: {  	_ =	shalt  }
0x51: {  	_ =	shalt  }
0x52: {  	_ =	shalt  }
0x53: {  	_ =	shalt  }
0x54: {  	_ =	shalt  }
0x55: {  	_ =	shalt  }
0x56: {  	_ =	shalt  }
0x57: {  	_ =	shalt  }
0x58: {  	_ =	shalt  }
0x59: {  	_ =	shalt  }
0x5a: {  	_ =	shalt  }
0x5b: {  	_ =	shalt  }
0x5c: {  	_ =	shalt  }
0x5d: {  	_ =	shalt  }
0x5e: {  	_ =	shalt  }
0x5f: {  	_ =	shalt  }
0x60: {  	_ =	shalt  }
0x61: {  	_ =	shalt  }
0x62: {  	_ =	shalt  }
0x63: {  	_ =	shalt  }
0x64: {  	_ =	shalt  }
0x65: {  	_ =	shalt  }
0x66: {  	_ =	shalt  }
0x67: {  	_ =	shalt  }
0x68: {  	_ =	shalt  }
0x69: {  	_ =	shalt  }
0x6a: {  	_ =	shalt  }
0x6b: {  	_ =	shalt  }
0x6c: {  	_ =	shalt  }
0x6d: {  	_ =	shalt  }
0x6e: {  	_ =	shalt  }
0x6f: {  	_ =	shalt  }
0x70: {  	_ =	shalt  }
0x71: {  	_ =	shalt  }
0x72: {  	_ =	shalt  }
0x73: {  	_ =	shalt  }
0x74: {  	_ =	shalt  }
0x75: {  	_ =	shalt  }
0x76: {  	_ =	shalt  }
0x77: {  	_ =	shalt  }
0x78: {  	_ =	shalt  }
0x79: {  	_ =	shalt  }
0x7a: {  	_ =	shalt  }
0x7b: {  	_ =	shalt  }
0x7c: {  	_ =	shalt  }
0x7d: {  	_ =	shalt  }
0x7e: {  	_ =	shalt  }
0x7f: {  	_ =	shalt  }
0x80: {  	_ =	shalt  }
0x81: {  	_ =	shalt  }
0x82: {  	_ =	shalt  }
0x83: {  	_ =	shalt  }
0x84: {  	_ =	shalt  }
0x85: {  	_ =	shalt  }
0x86: {  	_ =	shalt  }
0x87: {  	_ =	shalt  }
.Lfunc_end0:
.L_simem_size_0:
called_computation.1_lowered:
.L_overlay_start_0:
0x88: {  	s2 =	sld [smem:$0x3FD9]  }
0x89: {  	s3 =	sld [smem:$0x3FFE];
	_ =	sdelay $0x1  }
0x8a: {  	s1 =	srdreg.scid  }
0x8b: {  	s0 =	sand.u32 $0x1, s1  }
0x8c: {  	s17 =	sshll.u32 s0, $0xA;
	s2 =	sadd.s32 s3, s2  }
0x8d: {  	s2 =	sadd.s32 s2, s17  }
0x8e: {  	[smem:$0x3FBD] =	sst s2  }
0x8f: {  	_ = 	snop  }
0x90: {  	s18 =	sld [smem:$0x3FC6]  }
0x91: {  	s4 =	sld [smem:$0x3FD0];
	(tm) =	ssettm $0x1  }
0x92: {  	s19 =	sld [smem:$0x3FFB];
	_ =	sdelay $0x3  }
0x93: {  	_ =	strace s19  }
0x94: {  	s2 =	sld [smem:$0x3FFC];
	_ =	sdelay $0x3  }
0x95: {  	_ =	strace s2  }
0x96: {  	s2 =	sld [smem:$0x3FFD];
	_ =	sdelay $0x3  }
0x97: {  	_ =	strace s2  }
0x98: {  	_ =	strace $0x8FFFFFFF  }
0x99: {  	s20 =	sld [smem:$0x3FDB];
	_ =	sdelay $0x1  }
0x9a: {  	s5 =	simm.s32 $_scs_section_size  }
0x9b: {  	s6 =	simm.s32 $_size__tile_overlayer_lowered;
	s7 =	simm.s32 $_tile_overlayer_lowered  }
0x9c: {  	s8 =	simm.s32 $0x1BFF;
	s21 =	sshll.u32 s7, $0x1;
	s5 =	sadd.s32 s5, s20  }
0x9d: {  	s22 =	simm.s32 $0x0;
	s6 =	sshll.u32 s6, $0x1;
	s7 =	sadd.s32 s21, s5  }
0x9e: {  	[timem:s22], [sflag:s8] =	dma.local [hbm:s7], s6  }
0x9f: {  	_ =	swait.ge [sflag:s8], s6  }
0xa0: {  	s6 =	ssub.s32 $0x0, s6;
	[sflag:s8] =	ssyncset.done $0x0  }
0xa1: {  	[sflag:s8] =	ssyncadd.s32 s6;
	_ =	sdelay $0x1  }
0xa2: {  	s23 =	simm.s32 $0x1B8B  }
0xa3: {  	_ =	swait.ge [sflag:s23], $0x1  }
0xa4: {  	[sflag:s23] =	ssyncset.done $0x0  }
0xa5: {  	[sflag:s23] =	ssyncadd.s32 $0xFFFFFFFF  }
0xa6: {  	s6 =	sld [smem:$0x0]  }
0xa7: {  	s7 =	sand.u32 $0xFFFFFFFE, s1  }
0xa8: {  	p0 =	sne.s32 s1, s7  }
0xa9: {  	s7 =	sshll.u32 @p0 s7, $0xE  }
0xaa: {  	s7 =	sadd.s32 @p0 $0x11B8D, s7;
	s8 =	sshll.u32 @p0 s6, $0x11  }
0xab: {  	s7 =	sor.u32 @p0 s8, s7  }
0xac: {  	[sflag:s7] =	ssyncadd.remote.s32 @p0 $0x1;
	_ =	sdelay $0x1  }
0xad: {  	s7 =	simm.s32 @p0 $0x1B8D  }
0xae: {  	_ =	swait.eq @p0 [sflag:s7], $0x1  }
0xaf: {  	[sflag:s7] =	ssyncadd.s32 @p0 $0xFFFFFFFF  }
0xb0: {  	s8 =	sshll.u32 @!p0 s1, $0xE  }
0xb1: {  	s8 =	sor.u32 @!p0 $0x4000, s8;
	s7 =	simm.s32 @!p0 $0x1B8D  }
0xb2: {  	s6 =	sshll.u32 @!p0 s6, $0x11;
	s8 =	sadd.s32 @!p0 $0x11B8D, s8;
	_ =	swait.eq @!p0 [sflag:s7], $0x1  }
0xb3: {  	s6 =	sor.u32 @!p0 s6, s8;
	[sflag:s7] =	ssyncadd.s32 @!p0 $0xFFFFFFFF  }
0xb4: {  	s25 =	simm.s32 $0x1B8E;
	s24 =	sld [smem:$0x3FFE];
	[sflag:s6] =	ssyncadd.remote.s32 @!p0 $0x1  }
0xb5: {  	s26 =	simm.s32 $execute0_lowered;
	[smem:$0x3FD2] =	sst s25  }
0xb6: {  	s7 =	sshll.u32 s26, $0x1;
	_ =	strace $0x80000049;
	[dreg:$0x1] =	wrdreg $0xFFFFFFFF  }
0xb7: {  	s28 =	simm.s32 $_size_execute0_lowered;
	s5 =	sadd.s32 s5, s7;
	[dreg:$0x0] =	wrdreg $0x0  }
0xb8: {  	s7 =	sshll.u32 s28, $0x1;
	[dreg:$0x2] =	wrdreg s5  }
0xb9: {  	[dreg:$0x3] =	wrdreg s7  }
0xba: {  	[dreg:$0x4] =	wrdreg $0xC0  }
0xbb: {  	_ =	task [dreg:s22], $0x5FFFF  }
0xbc: {  	[dreg:$0x1] =	wrdreg $0xFFFFFFFF  }
0xbd: {  	[dreg:$0x0] =	wrdreg $0x60  }
0xbe: {  	[dreg:$0x2] =	wrdreg s24  }
0xbf: {  	[dreg:$0x3] =	wrdreg s18  }
0xc0: {  	[dreg:$0x4] =	wrdreg s4  }
0xc1: {  	[dreg:$0x5] =	wrdreg $0x10C800  }
0xc2: {  	[dreg:$0x6] =	wrdreg $0xA  }
0xc3: {  	_ =	task.clear_ibuf [dreg:s22], $0x7FFFF;
	_ =	strace $0x90000049  }
0xc4: {  	s29 =	simm.s32 $0xA;
	_ =	strace $0x8000004B  }
0xc5: {  	_ =	swait.ge [sflag:s29], $0x1  }
0xc6: {  	[sflag:s29] =	ssyncadd.s32 $0xFFFFFFFF  }
0xc7: {  	_ =	strace $0x9000004B  }
0xc8: {  	_ =	sfence  }
0xc9: {  	s30 =	sld [smem:$0x0];
	_ =	sdelay $0x2  }
0xca: {  	s31 =	sshll.u32 s1, $0xD;
	s1 =	sshrl.u32 s1, $0x2  }
0xcb: {  	s4 =	sand.u32 $0x4000, s31;
	s1 =	sadd.s32 s1, s30  }
0xcc: {  	s0 =	sor.u32 s4, s0;
	s1 =	sshll.u32 s1, $0x11  }
0xcd: {  	s0 =	sor.u32 s1, s0  }
0xce: {  	s0 =	sadd.s32 $0x8F2B, s0  }
0xcf: {  	[sflag:s0] =	ssyncadd.remote.s32 $0x1  }
0xd0: {  	_ =	sfence.sel $0xFFFF  }
0xd1: {  	[dreg:$0x0] =	wrdreg $0xFFFFFFFF;
	(pc) =	sbr.abs _section_cstart, $3  }
0xd2: {  	[dreg:$0x1] =	wrdreg $0xFFFFFFFF  }
0xd3: {  	_ =	task.clear_ibuf [dreg:s22], $0x2FFFF;
	_ =	strace $0x9FFFFFFF  }
0xd4: {  	(tm) =	ssettm $0x7FFFFFFF  }
0xd5: {  	_ =	shalt  }
tec
execute0_lowered:
.L_overlay_start_1:
0x0: {  	(tag) =	ssettag $0x1  }
0x1: {  	s0 =	rddreg [dreg:$0x0]  }
0x2: {  	s1 =	rddreg [dreg:$0x1]  }
0x3: {  	s3 =	rddreg [dreg:$0x2]  }
0x4: {  	s4 =	rddreg [dreg:$0x3];
	s2 =	simm.s32 $0x0  }
0x5: {  	s5 =	srdreg.scid;
	s9 =	stileid.u32;
	s16 =	simm.s32 $0x100  }
0x6: {  	s17 =	simm.s32 $0x180;
	s18 =	simm.s32 $0x500;
	s19 =	simm.s32 $0x200  }
0x7: {  	s20 =	simm.s32 $0x580;
	[smem:$0x7FF] =	sst s2;
	s6 =	sadd.s32 $0x47800, s0  }
0x8: {  	s31 =	sadd.s32 $0x6E00, s0;
	_ =	strace $0x8000004A;
	[dreg:$0x5] =	wrdreg s6  }
0x9: {  	s21 =	simm.s32 $0x280;
	s0 =	sadd.s32 $0x7000, s0;
	[dreg:$0x16] =	wrdreg s31  }
0xa: {  	s22 =	simm.s32 $0x600;
	s23 =	simm.s32 $0x300;
	[dreg:$0x17] =	wrdreg s0  }
0xb: {  	s24 =	simm.s32 $0x680;
	s25 =	simm.s32 $0x380;
	[dreg:$0x8] =	wrdreg s16  }
0xc: {  	s26 =	simm.s32 $0x700;
	s28 =	simm.s32 $0x780;
	[dreg:$0x9] =	wrdreg s17  }
0xd: {  	s29 =	simm.s32 $0x0;
	s7 =	sand.u32 $0x1, s5;
	[dreg:$0xa] =	wrdreg s18  }
0xe: {  	s8 =	smul.u32 $0x2400, s9;
	s11 =	sshll.u32 s9, $0xE;
	[dreg:$0xb] =	wrdreg s19  }
0xf: {  	s12 =	sshll.u32 s9, $0xA;
	s30 =	ssub.s32 $0x2, s7;
	[dreg:$0xc] =	wrdreg s20  }
0x10: {  	s6 =	sadd.s32 s11, s4;
	s13 =	sshll.u32 s7, $0x9;
	[dreg:$0xd] =	wrdreg s21  }
0x11: {  	s3 =	sadd.s32 s11, s3;
	s14 =	sshll.u32 s7, $0xD;
	[dreg:$0xe] =	wrdreg s22  }
0x12: {  	s11 =	simm.s32 $0x14C80;
	s16 =	simm.s32 $0x8C80;
	[dreg:$0xf] =	wrdreg s23  }
0x13: {  	s17 =	simm.s32 $0x1;
	s18 =	simm.s32 $0x9;
	[dreg:$0x10] =	wrdreg s24  }
0x14: {  	s19 =	simm.s32 $0xCC80;
	s20 =	simm.s32 $0x2;
	[dreg:$0x11] =	wrdreg s25  }
0x15: {  	s21 =	simm.s32 $0x5;
	[dreg:$0x12] =	wrdreg s26;
	s22 =	simm.s32 $0x3  }
0x16: {  	[dreg:$0x13] =	wrdreg s28;
	s23 =	simm.s32 $0x6;
	s31 =	simm.s32 $0x880  }
0x17: {  	s24 =	simm.s32 $0x4;
	s25 =	simm.s32 $0x7;
	s26 =	simm.s32 $0x8  }
0x18: {  	s10 =	sshrl.u32 s30, $0x1;
	[dreg:$0x6] =	wrdreg s8;
	s9 =	sor.u32 s13, s12  }
0x19: {  	s15 =	sadd.s32 s14, s3;
	s12 =	simm.s32 $0x80;
	[dreg:$0x15] =	wrdreg s31  }
0x1a: {  	s13 =	simm.s32 $0x400;
	s14 =	simm.s32 $0xC80;
	[dreg:$0x19] =	wrdreg s15  }
0x1b: {  	s0 =	ssub.s32 s30, s10;
	[dreg:$0x7] =	wrdreg s9;
	s30 =	simm.s32 $0x800  }
0x1c: {  	s9 =	simm.s32 $0x480;
	s0 =	smax.u32 s0, $0x1;
	[dreg:$0x14] =	wrdreg s30  }
0x1d: {  	s10 =	simm.s32 $0xB;
	s15 =	simm.s32 $0x4C80;
	[dreg:$0x18] =	wrdreg s0  }
.LBB2_1:
0x1e: {  	s0 =	rddreg [dreg:$0x16]  }
0x1f: {  	[tilespmem:s9], [sflag:$0xB] =	stream.linear.gather [hbm4b:s0+s2], $0x480, $0x38;
	[tilespmem:$0x18C80] =	vst v63  }
0x20: {  	_ =	swait.ge [sflag:s10], $0x480  }
0x21: {  	[sflag:s10] =	ssyncset.done $0x0  }
0x22: {  	s4 =	rddreg [dreg:$0x17];
	[sflag:s10] =	ssyncadd.s32 $0xFFFFFB80  }
0x23: {  	[tilespmem:s11], [sflag:$0xB] =	stream.linear.gather [hbm4b:s4+s2], $0x4000, $0x38;
	[tilespmem:$0x18C80] =	vst v63  }
0x24: {  	_ =	swait.ge [sflag:s10], $0x4000  }
0x25: {  	s5 =	rddreg [dreg:$0x7]  }
0x26: {  	s0 =	sadd.s32 $0x0, s5  }
0x27: {  	s3 =	rddreg [dreg:$0x6];
	s0 =	sand.u32 $0x380, s0  }
0x28: {  	s0 =	sor.u32 s3, s0  }
0x29: {  	s8 =	rddreg [dreg:$0x5];
	[sflag:s10] =	ssyncset.done $0x0;
	s0 =	sshrl.u32 s0, $0x3  }
0x2a: {  	[sflag:s10] =	ssyncadd.s32 $0xFFFFC000;
	s0 =	sadd.s32 s8, s0  }
0x2b: {  	[tilespmem:s2], [sflag:$0xB] =	stream.strided.gather [hbm4b:s0+s12], $0x480, s13, s12, $0x38;
	[tilespmem:$0x18C80] =	vst v63  }
0x2c: {  	_ =	swait.ge [sflag:s10], $0x480  }
0x2d: {  	[sflag:s10] =	ssyncset.done $0x0  }
0x2e: {  	p0 =	por $0x1, $0x1;
	[sflag:s10] =	ssyncadd.s32 $0xFFFFFB80  }
0x2f: {  	[tilespmem:s14], [sflag:$0x1] =	stream.indirect.gather [hbm4b:s1+s12], $0x80, s2, s12, $0xb8;
	[tilespmem:$0x18C80] =	vst v63  }
0x30: {  	s0 =	simm.s32 @!p0 $0xA  }
0x31: {  	[tilespmem:s15], [sflag:$0x2] =	stream.indirect.gather [hbm4b:s1+s12], $0x80, s12, s12, $0xb8;
	[tilespmem:$0x18C80] =	vst v63  }
0x32: {  	_ =	swait.ge @!p0 [sflag:s0], $0x800  }
0x33: {  	[sflag:s0] =	ssyncset.done @!p0 $0x0  }
0x34: {  	[sflag:s0] =	ssyncadd.s32 @!p0 $0xFFFFF800  }
0x35: {  	[spmem:s6] =	stream.linear.scatter [tilespmem:s11], [sflag:$0x9], $0x4000, $0x38;
	[tilespmem:$0x18C80] =	vst v63  }
0x36: {  	s7 =	rddreg [dreg:$0x8]  }
0x37: {  	[tilespmem:s16], [sflag:$0x3] =	stream.indirect.gather [hbm4b:s1+s12], $0x80, s7, s12, $0xb8;
	[tilespmem:$0x18C80] =	vst v63  }
0x38: {  	_ =	swait.ge [sflag:s17], $0x4000  }
0x39: {  	[sflag:s17] =	ssyncset.done $0x0  }
0x3a: {  	[sflag:s17] =	ssyncadd.s32 $0xFFFFC000  }
0x3b: {  	_ =	swait.ge [sflag:s18], $0x4000  }
0x3c: {  	[sflag:s18] =	ssyncset.done $0x0  }
0x3d: {  	[sflag:s18] =	ssyncadd.s32 $0xFFFFC000  }
0x3e: {  	[spmem:s6] =	stream.indirect.scatter.add.f32 [tilespmem:s14], [sflag:$0x5], $0x80, s9, s12, $0xb8;
	[tilespmem:$0x18C80] =	vst v63  }
0x3f: {  	s8 =	rddreg [dreg:$0x9]  }
0x40: {  	[tilespmem:s19], [sflag:$0x4] =	stream.indirect.gather [hbm4b:s1+s12], $0x80, s8, s12, $0xb8;
	[tilespmem:$0x18C80] =	vst v63  }
0x41: {  	_ =	swait.ge [sflag:s20], $0x4000  }
0x42: {  	[sflag:s20] =	ssyncset.done $0x0  }
0x43: {  	s28 =	rddreg [dreg:$0xa];
	[sflag:s20] =	ssyncadd.s32 $0xFFFFC000  }
0x44: {  	[spmem:s6] =	stream.indirect.scatter.add.f32 [tilespmem:s15], [sflag:$0x6], $0x80, s28, s12, $0xb8;
	[tilespmem:$0x18C80] =	vst v63  }
0x45: {  	_ =	swait.ge [sflag:s21], $0x4000  }
0x46: {  	[sflag:s21] =	ssyncset.done $0x0  }
0x47: {  	s3 =	rddreg [dreg:$0xb];
	[sflag:s21] =	ssyncadd.s32 $0xFFFFC000  }
0x48: {  	[tilespmem:s14], [sflag:$0x1] =	stream.indirect.gather [hbm4b:s1+s12], $0x80, s3, s12, $0xb8;
	[tilespmem:$0x18C80] =	vst v63  }
0x49: {  	_ =	swait.ge [sflag:s22], $0x4000  }
0x4a: {  	[sflag:s22] =	ssyncset.done $0x0  }
0x4b: {  	s4 =	rddreg [dreg:$0xc];
	[sflag:s22] =	ssyncadd.s32 $0xFFFFC000  }
0x4c: {  	[spmem:s6] =	stream.indirect.scatter.add.f32 [tilespmem:s16], [sflag:$0x7], $0x80, s4, s12, $0xb8;
	[tilespmem:$0x18C80] =	vst v63  }
0x4d: {  	_ =	swait.ge [sflag:s23], $0x4000  }
0x4e: {  	[sflag:s23] =	ssyncset.done $0x0  }
0x4f: {  	s5 =	rddreg [dreg:$0xd];
	[sflag:s23] =	ssyncadd.s32 $0xFFFFC000  }
0x50: {  	[tilespmem:s15], [sflag:$0x2] =	stream.indirect.gather [hbm4b:s1+s12], $0x80, s5, s12, $0xb8;
	[tilespmem:$0x18C80] =	vst v63  }
0x51: {  	_ =	swait.ge [sflag:s24], $0x4000  }
0x52: {  	[sflag:s24] =	ssyncset.done $0x0  }
0x53: {  	s7 =	rddreg [dreg:$0xe];
	[sflag:s24] =	ssyncadd.s32 $0xFFFFC000  }
0x54: {  	[spmem:s6] =	stream.indirect.scatter.add.f32 [tilespmem:s19], [sflag:$0x8], $0x80, s7, s12, $0xb8;
	[tilespmem:$0x18C80] =	vst v63  }
0x55: {  	_ =	swait.ge [sflag:s25], $0x4000  }
0x56: {  	[sflag:s25] =	ssyncset.done $0x0  }
0x57: {  	s8 =	rddreg [dreg:$0xf];
	[sflag:s25] =	ssyncadd.s32 $0xFFFFC000  }
0x58: {  	[tilespmem:s16], [sflag:$0x3] =	stream.indirect.gather [hbm4b:s1+s12], $0x80, s8, s12, $0xb8;
	[tilespmem:$0x18C80] =	vst v63  }
0x59: {  	_ =	swait.ge [sflag:s17], $0x4000  }
0x5a: {  	[sflag:s17] =	ssyncset.done $0x0  }
0x5b: {  	s28 =	rddreg [dreg:$0x10];
	[sflag:s17] =	ssyncadd.s32 $0xFFFFC000  }
0x5c: {  	[spmem:s6] =	stream.indirect.scatter.add.f32 [tilespmem:s14], [sflag:$0x5], $0x80, s28, s12, $0xb8;
	[tilespmem:$0x18C80] =	vst v63  }
0x5d: {  	_ =	swait.ge [sflag:s26], $0x4000  }
0x5e: {  	[sflag:s26] =	ssyncset.done $0x0  }
0x5f: {  	s3 =	rddreg [dreg:$0x11];
	[sflag:s26] =	ssyncadd.s32 $0xFFFFC000  }
0x60: {  	[tilespmem:s19], [sflag:$0x4] =	stream.indirect.gather [hbm4b:s1+s12], $0x80, s3, s12, $0xb8;
	[tilespmem:$0x18C80] =	vst v63  }
0x61: {  	_ =	swait.ge [sflag:s20], $0x4000  }
0x62: {  	[sflag:s20] =	ssyncset.done $0x0  }
0x63: {  	s4 =	rddreg [dreg:$0x12];
	[sflag:s20] =	ssyncadd.s32 $0xFFFFC000  }
0x64: {  	[spmem:s6] =	stream.indirect.scatter.add.f32 [tilespmem:s15], [sflag:$0x6], $0x80, s4, s12, $0xb8;
	[tilespmem:$0x18C80] =	vst v63  }
0x65: {  	_ =	swait.ge [sflag:s21], $0x4000  }
0x66: {  	[sflag:s21] =	ssyncset.done $0x0  }
0x67: {  	[sflag:s21] =	ssyncadd.s32 $0xFFFFC000  }
0x68: {  	[tilespmem:s14], [sflag:$0x1] =	stream.indirect.gather [hbm4b:s1+s12], $0x80, s13, s12, $0xb8;
	[tilespmem:$0x18C80] =	vst v63  }
0x69: {  	_ =	swait.ge [sflag:s22], $0x4000  }
0x6a: {  	[sflag:s22] =	ssyncset.done $0x0  }
0x6b: {  	s5 =	rddreg [dreg:$0x13];
	[sflag:s22] =	ssyncadd.s32 $0xFFFFC000  }
0x6c: {  	[spmem:s6] =	stream.indirect.scatter.add.f32 [tilespmem:s16], [sflag:$0x7], $0x80, s5, s12, $0xb8;
	[tilespmem:$0x18C80] =	vst v63  }
0x6d: {  	_ =	swait.ge [sflag:s24], $0x4000  }
0x6e: {  	[sflag:s24] =	ssyncset.done $0x0  }
0x6f: {  	s7 =	rddreg [dreg:$0x14];
	[sflag:s24] =	ssyncadd.s32 $0xFFFFC000  }
0x70: {  	[spmem:s6] =	stream.indirect.scatter.add.f32 [tilespmem:s19], [sflag:$0x8], $0x80, s7, s12, $0xb8;
	[tilespmem:$0x18C80] =	vst v63  }
0x71: {  	_ =	swait.ge [sflag:s17], $0x4000  }
0x72: {  	[sflag:s17] =	ssyncset.done $0x0  }
0x73: {  	s8 =	rddreg [dreg:$0x15];
	[sflag:s17] =	ssyncadd.s32 $0xFFFFC000  }
0x74: {  	[spmem:s6] =	stream.indirect.scatter.add.f32 [tilespmem:s14], [sflag:$0x5], $0x80, s8, s12, $0xb8;
	[tilespmem:$0x18C80] =	vst v63  }
0x75: {  	_ =	swait.ge [sflag:s21], $0x4000  }
0x76: {  	[sflag:s21] =	ssyncset.done $0x0  }
0x77: {  	[sflag:s21] =	ssyncadd.s32 $0xFFFFC000  }
0x78: {  	_ =	swait.ge [sflag:s23], $0x4000  }
0x79: {  	[sflag:s23] =	ssyncset.done $0x0  }
0x7a: {  	[sflag:s23] =	ssyncadd.s32 $0xFFFFC000  }
0x7b: {  	_ =	swait.ge [sflag:s25], $0x4000  }
0x7c: {  	[sflag:s25] =	ssyncset.done $0x0  }
0x7d: {  	s28 =	stileid.u32;
	[sflag:s25] =	ssyncadd.s32 $0xFFFFC000  }
0x7e: {  	s0 =	sshll.u32 s28, $0x6;
	_ =	swait.ge [sflag:s26], $0x4000  }
0x7f: {  	s30 =	simm.s32 $0x80;
	s31 =	sor.u32 $0x1C0A, s0;
	s3 =	rddreg [dreg:$0x19]  }
0x80: {  	s0 =	sshrl.u32 s6, $0x3;
	[sflag:s26] =	ssyncset.done $0x0;
	s8 =	smov.u32 s3  }
.LBB2_2:
0x81: {  	[sflag:s26] =	ssyncadd.s32 $0xFFFFC000  }
0x82: {  	[hbm:s3], [sflag:s31] =	dma.local [spmem:s0], $0x800  }
0x83: {  	s5 =	smov.u32 s30;
	s7 =	rddreg [dreg:$0x7]  }
0x84: {  	s7 =	sadd.s32 s5, s7  }
0x85: {  	s28 =	rddreg [dreg:$0x6];
	s7 =	sand.u32 $0x380, s7  }
0x86: {  	s7 =	sor.u32 s28, s7  }
0x87: {  	s4 =	rddreg [dreg:$0x5];
	s7 =	sshrl.u32 s7, $0x3  }
0x88: {  	s4 =	sadd.s32 s4, s7  }
0x89: {  	[tilespmem:s2], [sflag:$0xB] =	stream.strided.gather [hbm4b:s4+s12], $0x480, s13, s12, $0x38;
	[tilespmem:$0x18C80] =	vst v63  }
0x8a: {  	_ =	swait.ge [sflag:s10], $0x480  }
0x8b: {  	[sflag:s10] =	ssyncset.done $0x0  }
0x8c: {  	p1 =	seq.s32 s5, $0x0;
	[sflag:s10] =	ssyncadd.s32 $0xFFFFFB80  }
0x8d: {  	[tilespmem:s14], [sflag:$0x1] =	stream.indirect.gather [hbm4b:s1+s12], $0x80, s2, s12, $0xb8;
	[tilespmem:$0x18C80] =	vst v63  }
0x8e: {  	s4 =	simm.s32 @!p1 $0xA  }
0x8f: {  	[tilespmem:s15], [sflag:$0x2] =	stream.indirect.gather [hbm4b:s1+s12], $0x80, s12, s12, $0xb8;
	[tilespmem:$0x18C80] =	vst v63  }
0x90: {  	_ =	swait.ge @!p1 [sflag:s4], $0x800  }
0x91: {  	[sflag:s4] =	ssyncset.done @!p1 $0x0  }
0x92: {  	[sflag:s4] =	ssyncadd.s32 @!p1 $0xFFFFF800  }
0x93: {  	[spmem:s6] =	stream.linear.scatter [tilespmem:s11], [sflag:$0x9], $0x4000, $0x38;
	[tilespmem:$0x18C80] =	vst v63  }
0x94: {  	s7 =	rddreg [dreg:$0x8]  }
0x95: {  	[tilespmem:s16], [sflag:$0x3] =	stream.indirect.gather [hbm4b:s1+s12], $0x80, s7, s12, $0xb8;
	[tilespmem:$0x18C80] =	vst v63  }
0x96: {  	_ =	swait.ge [sflag:s17], $0x4000  }
0x97: {  	[sflag:s17] =	ssyncset.done $0x0  }
0x98: {  	[sflag:s17] =	ssyncadd.s32 $0xFFFFC000  }
0x99: {  	_ =	swait.ge [sflag:s18], $0x4000  }
0x9a: {  	[sflag:s18] =	ssyncset.done $0x0  }
0x9b: {  	[sflag:s18] =	ssyncadd.s32 $0xFFFFC000  }
0x9c: {  	[spmem:s6] =	stream.indirect.scatter.add.f32 [tilespmem:s14], [sflag:$0x5], $0x80, s9, s12, $0xb8;
	[tilespmem:$0x18C80] =	vst v63  }
0x9d: {  	s28 =	rddreg [dreg:$0x9]  }
0x9e: {  	[tilespmem:s19], [sflag:$0x4] =	stream.indirect.gather [hbm4b:s1+s12], $0x80, s28, s12, $0xb8;
	[tilespmem:$0x18C80] =	vst v63  }
0x9f: {  	_ =	swait.ge [sflag:s20], $0x4000  }
0xa0: {  	[sflag:s20] =	ssyncset.done $0x0  }
0xa1: {  	s5 =	rddreg [dreg:$0xa];
	[sflag:s20] =	ssyncadd.s32 $0xFFFFC000  }
0xa2: {  	[spmem:s6] =	stream.indirect.scatter.add.f32 [tilespmem:s15], [sflag:$0x6], $0x80, s5, s12, $0xb8;
	[tilespmem:$0x18C80] =	vst v63  }
0xa3: {  	_ =	swait.ge [sflag:s21], $0x4000  }
0xa4: {  	[sflag:s21] =	ssyncset.done $0x0  }
0xa5: {  	s7 =	rddreg [dreg:$0xb];
	[sflag:s21] =	ssyncadd.s32 $0xFFFFC000  }
0xa6: {  	[tilespmem:s14], [sflag:$0x1] =	stream.indirect.gather [hbm4b:s1+s12], $0x80, s7, s12, $0xb8;
	[tilespmem:$0x18C80] =	vst v63  }
0xa7: {  	_ =	swait.ge [sflag:s22], $0x4000  }
0xa8: {  	[sflag:s22] =	ssyncset.done $0x0  }
0xa9: {  	s28 =	rddreg [dreg:$0xc];
	[sflag:s22] =	ssyncadd.s32 $0xFFFFC000  }
0xaa: {  	[spmem:s6] =	stream.indirect.scatter.add.f32 [tilespmem:s16], [sflag:$0x7], $0x80, s28, s12, $0xb8;
	[tilespmem:$0x18C80] =	vst v63  }
0xab: {  	_ =	swait.ge [sflag:s23], $0x4000  }
0xac: {  	[sflag:s23] =	ssyncset.done $0x0  }
0xad: {  	s5 =	rddreg [dreg:$0xd];
	[sflag:s23] =	ssyncadd.s32 $0xFFFFC000  }
0xae: {  	[tilespmem:s15], [sflag:$0x2] =	stream.indirect.gather [hbm4b:s1+s12], $0x80, s5, s12, $0xb8;
	[tilespmem:$0x18C80] =	vst v63  }
0xaf: {  	_ =	swait.ge [sflag:s24], $0x4000  }
0xb0: {  	[sflag:s24] =	ssyncset.done $0x0  }
0xb1: {  	s7 =	rddreg [dreg:$0xe];
	[sflag:s24] =	ssyncadd.s32 $0xFFFFC000  }
0xb2: {  	[spmem:s6] =	stream.indirect.scatter.add.f32 [tilespmem:s19], [sflag:$0x8], $0x80, s7, s12, $0xb8;
	[tilespmem:$0x18C80] =	vst v63  }
0xb3: {  	_ =	swait.ge [sflag:s25], $0x4000  }
0xb4: {  	[sflag:s25] =	ssyncset.done $0x0  }
0xb5: {  	s28 =	rddreg [dreg:$0xf];
	[sflag:s25] =	ssyncadd.s32 $0xFFFFC000  }
0xb6: {  	[tilespmem:s16], [sflag:$0x3] =	stream.indirect.gather [hbm4b:s1+s12], $0x80, s28, s12, $0xb8;
	[tilespmem:$0x18C80] =	vst v63  }
0xb7: {  	_ =	swait.ge [sflag:s17], $0x4000  }
0xb8: {  	[sflag:s17] =	ssyncset.done $0x0  }
0xb9: {  	s5 =	rddreg [dreg:$0x10];
	[sflag:s17] =	ssyncadd.s32 $0xFFFFC000  }
0xba: {  	[spmem:s6] =	stream.indirect.scatter.add.f32 [tilespmem:s14], [sflag:$0x5], $0x80, s5, s12, $0xb8;
	[tilespmem:$0x18C80] =	vst v63  }
0xbb: {  	_ =	swait.ge [sflag:s26], $0x4000  }
0xbc: {  	[sflag:s26] =	ssyncset.done $0x0  }
0xbd: {  	s7 =	rddreg [dreg:$0x11];
	[sflag:s26] =	ssyncadd.s32 $0xFFFFC000  }
0xbe: {  	[tilespmem:s19], [sflag:$0x4] =	stream.indirect.gather [hbm4b:s1+s12], $0x80, s7, s12, $0xb8;
	[tilespmem:$0x18C80] =	vst v63  }
0xbf: {  	_ =	swait.ge [sflag:s20], $0x4000  }
0xc0: {  	[sflag:s20] =	ssyncset.done $0x0  }
0xc1: {  	s28 =	rddreg [dreg:$0x12];
	[sflag:s20] =	ssyncadd.s32 $0xFFFFC000  }
0xc2: {  	[spmem:s6] =	stream.indirect.scatter.add.f32 [tilespmem:s15], [sflag:$0x6], $0x80, s28, s12, $0xb8;
	[tilespmem:$0x18C80] =	vst v63  }
0xc3: {  	_ =	swait.ge [sflag:s21], $0x4000  }
0xc4: {  	[sflag:s21] =	ssyncset.done $0x0  }
0xc5: {  	[sflag:s21] =	ssyncadd.s32 $0xFFFFC000  }
0xc6: {  	[tilespmem:s14], [sflag:$0x1] =	stream.indirect.gather [hbm4b:s1+s12], $0x80, s13, s12, $0xb8;
	[tilespmem:$0x18C80] =	vst v63  }
0xc7: {  	_ =	swait.ge [sflag:s22], $0x4000  }
0xc8: {  	[sflag:s22] =	ssyncset.done $0x0  }
0xc9: {  	s5 =	rddreg [dreg:$0x13];
	[sflag:s22] =	ssyncadd.s32 $0xFFFFC000  }
0xca: {  	[spmem:s6] =	stream.indirect.scatter.add.f32 [tilespmem:s16], [sflag:$0x7], $0x80, s5, s12, $0xb8;
	[tilespmem:$0x18C80] =	vst v63  }
0xcb: {  	_ =	swait.ge [sflag:s24], $0x4000  }
0xcc: {  	[sflag:s24] =	ssyncset.done $0x0  }
0xcd: {  	s7 =	rddreg [dreg:$0x14];
	[sflag:s24] =	ssyncadd.s32 $0xFFFFC000  }
0xce: {  	[spmem:s6] =	stream.indirect.scatter.add.f32 [tilespmem:s19], [sflag:$0x8], $0x80, s7, s12, $0xb8;
	[tilespmem:$0x18C80] =	vst v63  }
0xcf: {  	_ =	swait.ge [sflag:s17], $0x4000  }
0xd0: {  	[sflag:s17] =	ssyncset.done $0x0  }
0xd1: {  	s28 =	rddreg [dreg:$0x15];
	[sflag:s17] =	ssyncadd.s32 $0xFFFFC000  }
0xd2: {  	[spmem:s6] =	stream.indirect.scatter.add.f32 [tilespmem:s14], [sflag:$0x5], $0x80, s28, s12, $0xb8;
	[tilespmem:$0x18C80] =	vst v63  }
0xd3: {  	_ =	swait.ge [sflag:s21], $0x4000  }
0xd4: {  	[sflag:s21] =	ssyncset.done $0x0  }
0xd5: {  	[sflag:s21] =	ssyncadd.s32 $0xFFFFC000  }
0xd6: {  	_ =	swait.ge [sflag:s23], $0x4000  }
0xd7: {  	s30 =	sadd.s32 $0x80, s30;
	[sflag:s23] =	ssyncset.done $0x0  }
0xd8: {  	p0 =	sne.s32 s30, $0x200;
	[sflag:s23] =	ssyncadd.s32 $0xFFFFC000  }
.Ltmp0:
0xd9: {  	_ =	swait.ge [sflag:s25], $0x4000;
	(pc) =	sbr.rel @p0 .LBB2_2-.Ltmp0, $4  }
0xda: {  	[sflag:s25] =	ssyncset.done $0x0  }
0xdb: {  	[sflag:s25] =	ssyncadd.s32 $0xFFFFC000  }
0xdc: {  	s8 =	sadd.s32 $0x800, s8;
	_ =	swait.ge [sflag:s26], $0x4000  }
0xdd: {  	s3 =	smov.u32 s8;
	[sflag:s26] =	ssyncset.done $0x0  }
0xde: {  	[sflag:s26] =	ssyncadd.s32 $0xFFFFC000;
	s30 =	simm.s32 $0xA  }
0xdf: {  	[hbm:s3], [sflag:s31] =	dma.local [spmem:s0], $0x800  }
0xe0: {  	_ =	swait.ge [sflag:s30], $0x800  }
0xe1: {  	s29 =	sadd.s32 $0x1, s29;
	s31 =	rddreg [dreg:$0x18]  }
0xe2: {  	p0 =	sne.s32 s29, s31  }
.Ltmp1:
0xe3: {  	_ = 	snop;
	(pc) =	sbr.rel @p0 .LBB2_1-.Ltmp1, $3  }
0xe4: {  	_ =	sdelay $0x1  }
0xe5: {  	[sflag:s30] =	ssyncset.done $0x0  }
0xe6: {  	[sflag:s30] =	ssyncadd.s32 $0xFFFFF800  }
0xe7: {  	_ =	sfence.sel $0x180000  }
0xe8: {  	[bflag:$0x0] =	sbarrier.arrive $0xFFFF  }
0xe9: {  	_ =	strace $0x9000004A  }
0xea: {  	s0 =	stileid.u32;
	[bflag:$0x2] =	sbarrier.arrive $0xFFFF  }
0xeb: {  	p0 =	sne.s32 s0, $0x0;
	s0 =	rddreg [dreg:$0x4]  }
0xec: {  	s0 =	sadd.s32 @!p0 $0x100000, s0  }
0xed: {  	[sflag:s0] =	ssyncadd.tile.s32 @!p0 $0x1;
	_ =	shalt  }
.Lfunc_end2:
_tile_overlayer_lowered:
.L_overlay_start_2:
0xee: {  	(tag) =	ssettag $0x2  }
0xef: {  	s0 =	rddreg [dreg:$0x0];
	s2 =	stileid.u32  }
0xf0: {  	s1 =	rddreg [dreg:$0x1];
	p0 =	sne.s32 s2, $0x0  }
0xf1: {  	s3 =	rddreg [dreg:$0x2];
	[bflag:$0x3] =	sbarrier.arrive $0xFFFF;
	s2 =	simm.s32 @!p0 $0x1C0B  }
0xf2: {  	[timem:s3], [sflag:s2] =	dma.local @!p0 [hbm:s0], s1  }
0xf3: {  	s0 =	simm.s32 @!p0 $0xB  }
0xf4: {  	_ =	swait.ge @!p0 [sflag:s0], s1  }
0xf5: {  	s1 =	ssub.s32 @!p0 $0x0, s1;
	[sflag:s0] =	ssyncset.done @!p0 $0x0  }
0xf6: {  	[sflag:s0] =	ssyncadd.s32 @!p0 s1  }
0xf7: {  	[bflag:$0x3] =	sbarrier.arrive $0xFFFF  }
0xf8: {  	_ =	shalt  }

// kernel: kernel.7.cloned.1.call-start
scs
__scs_entry_jumppad:
0x0: {  	(pc) =	sbr.rel $0x88, $3  }
0x1: {  	(tag) =	ssettag $0x0;
	lr =	simm.s32 $0x1  }
0x2: {  	[smem:$0x3F96] =	sst lr;
	_ =	strace $0xD0000000  }
0x3: {  	_ = 	snop  }
0x4: {  	_ = 	snop  }
0x5: {  	_ = 	snop  }
0x6: {  	_ = 	snop  }
0x7: {  	_ = 	snop  }
__scs_overlays_trampoline_lowered:
0x8: {  	[smem:$0x3FA5] =	sst s0  }
0x9: {  	[smem:$0x3FA6] =	sst s1  }
0xa: {  	[smem:$0x3FA7] =	sst s2  }
0xb: {  	[smem:$0x3FA8] =	sst s3  }
0xc: {  	[smem:$0x3FA9] =	sst s4  }
0xd: {  	[smem:$0x3FAA] =	sst s5  }
0xe: {  	[smem:$0x3FAB] =	sst s6  }
0xf: {  	[smem:$0x3FAC] =	sst s7  }
0x10: {  	[smem:$0x3FAD] =	sst s8  }
0x11: {  	[smem:$0x3FAE] =	sst s9;
	s0 =	simm.s32 @!p0 $0x0  }
0x12: {  	s1 =	sld [smem:$0x3F94];
	s0 =	simm.s32 @p0 $0x1  }
0x13: {  	[smem:$0x3FAF] =	sst s0;
	s0 =	simm.s32 @!p1 $0x0  }
0x14: {  	s2 =	sld [smem:$0x3F93];
	s0 =	simm.s32 @p1 $0x1  }
0x15: {  	[smem:$0x3FB0] =	sst s0;
	s0 =	simm.s32 @!p2 $0x0  }
0x16: {  	s3 =	sld [smem:$0x3FDB];
	s0 =	simm.s32 @p2 $0x1  }
0x17: {  	s4 =	simm.s32 $0x1BF5;
	[smem:$0x3FB2] =	sst s0  }
0x18: {  	s0 =	sld [smem:$0x3F95];
	_ =	swait.ge [sflag:s4], $0x0  }
0x19: {  	s7 =	sld [smem:$0x3F96]  }
0x1a: {  	s8 =	sadd.s32 $0xFFFFE003, lr  }
0x1b: {  	s9 =	sadd.s32 $0xFFFFFEF7, lr;
	s5 =	simm.s32 $0xFFFFFFFF;
	p2 =	slt.u32 s8, $0xFFFFF086  }
0x1c: {  	p1 =	slt.u32 s9, $0xF7A;
	s5 =	simm.s32 @!p2 $0x0  }
0x1d: {  	s5 =	simm.s32 @p1 $0x1;
	p0 =	seq.s32 s7, s2  }
0x1e: {  	s7 =	smul.u32 @!p0 $0xF7A, s2;
	p2 =	seq.s32 @!p0 s5, $0x0  }
0x1f: {  	s9 =	smul.u32 $0xF7A, s1;
	s8 =	simm.s32 @!p0 $0x1BF5;
	p2 =	por !p2, p0  }
0x20: {  	[sflag:s8] =	ssyncset.s32 @!p0 $0xFFFFF086;
	s6 =	sadd.s32 @!p0 s3, s7;
	s7 =	simm.s32 @!p0 $0x108  }
0x21: {  	s3 =	sadd.s32 s3, s9;
	s6 =	sadd.s32 @!p0 $0x88, s6;
	s7 =	simm.s32 @p2 $0x1082  }
0x22: {  	[simem:s7], [sflag:s8] =	dma.local @!p0 [hbm:s6], $0xF7A  }
0x23: {  	s9 =	sor.u32 $0xD0000000, s2;
	s6 =	simm.s32 $0x108;
	_ =	swait.ge @!p0 [sflag:s8], $0x0  }
0x24: {  	s3 =	sadd.s32 $0x88, s3;
	s6 =	simm.s32 @!p1 $0x1082;
	[sflag:s4] =	ssyncset.s32 $0xFFFFF086  }
0x25: {  	[simem:s6], [sflag:s4] =	dma.local [hbm:s3], $0xF7A  }
0x26: {  	[smem:$0x3F96] =	sst s1;
	(tag) =	ssettag s2;
	_ =	strace s9  }
0x27: {  	s1 =	sld [smem:$0x3FA6]  }
0x28: {  	s2 =	sld [smem:$0x3FA7]  }
0x29: {  	s4 =	sld [smem:$0x3FA9]  }
0x2a: {  	p0 =	seq.s32 s5, $0x0;
	s5 =	sld [smem:$0x3FAA]  }
0x2b: {  	s6 =	sld [smem:$0x3FAB]  }
0x2c: {  	s7 =	sld [smem:$0x3FAC]  }
0x2d: {  	s3 =	simm.s32 $0x108;
	s8 =	sld [smem:$0x3FAD]  }
0x2e: {  	s3 =	simm.s32 @!p0 $0x1082;
	s9 =	sld [smem:$0x3FAE]  }
0x2f: {  	lr =	sadd.s32 s0, s3;
	s0 =	sld [smem:$0x3FA5]  }
0x30: {  	s3 =	sld [smem:$0x3FA8]  }
0x31: {  	[smem:$0x3FB1] =	sst s10  }
0x32: {  	s10 =	sld [smem:$0x3FAF];
	_ =	sdelay $0x3  }
0x33: {  	p0 =	seq.s32 s10, $0x1;
	s10 =	sld [smem:$0x3FB1];
	_ =	sdelay $0x3  }
0x34: {  	[smem:$0x3FB1] =	sst s10  }
0x35: {  	s10 =	sld [smem:$0x3FB0];
	_ =	sdelay $0x3  }
0x36: {  	p1 =	seq.s32 s10, $0x1;
	s10 =	sld [smem:$0x3FB1];
	_ =	sdelay $0x3  }
0x37: {  	[smem:$0x3FB1] =	sst s10  }
0x38: {  	s10 =	sld [smem:$0x3FB2]  }
0x39: {  	_ = 	snop;
	(pc) =	sbr.ind lr, $3  }
0x3a: {  	_ = 	snop  }
0x3b: {  	_ = 	snop  }
0x3c: {  	p2 =	seq.s32 s10, $0x1;
	s10 =	sld [smem:$0x3FB1]  }
0x3d: {  	_ =	shalt  }
0x3e: {  	_ =	shalt  }
0x3f: {  	_ =	shalt  }
0x40: {  	_ =	shalt  }
0x41: {  	_ =	shalt  }
0x42: {  	_ =	shalt  }
0x43: {  	_ =	shalt  }
0x44: {  	_ =	shalt  }
0x45: {  	_ =	shalt  }
0x46: {  	_ =	shalt  }
0x47: {  	_ =	shalt  }
0x48: {  	_ =	shalt  }
0x49: {  	_ =	shalt  }
0x4a: {  	_ =	shalt  }
0x4b: {  	_ =	shalt  }
0x4c: {  	_ =	shalt  }
0x4d: {  	_ =	shalt  }
0x4e: {  	_ =	shalt  }
0x4f: {  	_ =	shalt  }
0x50: {  	_ =	shalt  }
0x51: {  	_ =	shalt  }
0x52: {  	_ =	shalt  }
0x53: {  	_ =	shalt  }
0x54: {  	_ =	shalt  }
0x55: {  	_ =	shalt  }
0x56: {  	_ =	shalt  }
0x57: {  	_ =	shalt  }
0x58: {  	_ =	shalt  }
0x59: {  	_ =	shalt  }
0x5a: {  	_ =	shalt  }
0x5b: {  	_ =	shalt  }
0x5c: {  	_ =	shalt  }
0x5d: {  	_ =	shalt  }
0x5e: {  	_ =	shalt  }
0x5f: {  	_ =	shalt  }
0x60: {  	_ =	shalt  }
0x61: {  	_ =	shalt  }
0x62: {  	_ =	shalt  }
0x63: {  	_ =	shalt  }
0x64: {  	_ =	shalt  }
0x65: {  	_ =	shalt  }
0x66: {  	_ =	shalt  }
0x67: {  	_ =	shalt  }
0x68: {  	_ =	shalt  }
0x69: {  	_ =	shalt  }
0x6a: {  	_ =	shalt  }
0x6b: {  	_ =	shalt  }
0x6c: {  	_ =	shalt  }
0x6d: {  	_ =	shalt  }
0x6e: {  	_ =	shalt  }
0x6f: {  	_ =	shalt  }
0x70: {  	_ =	shalt  }
0x71: {  	_ =	shalt  }
0x72: {  	_ =	shalt  }
0x73: {  	_ =	shalt  }
0x74: {  	_ =	shalt  }
0x75: {  	_ =	shalt  }
0x76: {  	_ =	shalt  }
0x77: {  	_ =	shalt  }
0x78: {  	_ =	shalt  }
0x79: {  	_ =	shalt  }
0x7a: {  	_ =	shalt  }
0x7b: {  	_ =	shalt  }
0x7c: {  	_ =	shalt  }
0x7d: {  	_ =	shalt  }
0x7e: {  	_ =	shalt  }
0x7f: {  	_ =	shalt  }
0x80: {  	_ =	shalt  }
0x81: {  	_ =	shalt  }
0x82: {  	_ =	shalt  }
0x83: {  	_ =	shalt  }
0x84: {  	_ =	shalt  }
0x85: {  	_ =	shalt  }
0x86: {  	_ =	shalt  }
0x87: {  	_ =	shalt  }
.Lfunc_end0:
.L_simem_size_0:
called_computation_lowered:
.L_overlay_start_0:
0x88: {  	s2 =	sld [smem:$0x3FD9]  }
0x89: {  	s3 =	sld [smem:$0x3FFE];
	_ =	sdelay $0x1  }
0x8a: {  	s1 =	srdreg.scid  }
0x8b: {  	s0 =	sand.u32 $0x1, s1  }
0x8c: {  	s17 =	sshll.u32 s0, $0xA;
	s2 =	sadd.s32 s3, s2  }
0x8d: {  	s2 =	sadd.s32 s2, s17  }
0x8e: {  	[smem:$0x3FBD] =	sst s2  }
0x8f: {  	_ = 	snop  }
0x90: {  	s2 =	sld [smem:$0x3FC6];
	(tm) =	ssettm $0x1  }
0x91: {  	s18 =	sld [smem:$0x3FFB];
	_ =	sdelay $0x3  }
0x92: {  	_ =	strace s18  }
0x93: {  	s3 =	sld [smem:$0x3FFC];
	_ =	sdelay $0x3  }
0x94: {  	_ =	strace s3  }
0x95: {  	s3 =	sld [smem:$0x3FFD];
	_ =	sdelay $0x3  }
0x96: {  	_ =	strace s3  }
0x97: {  	_ =	strace $0x8FFFFFFF  }
0x98: {  	s19 =	sld [smem:$0x3FDB];
	_ =	sdelay $0x1  }
0x99: {  	s4 =	simm.s32 $_scs_section_size  }
0x9a: {  	s5 =	simm.s32 $_size__tile_overlayer_lowered;
	s6 =	simm.s32 $_tile_overlayer_lowered  }
0x9b: {  	s22 =	simm.s32 $0x1BFF;
	s21 =	sshll.u32 s6, $0x1;
	s3 =	sadd.s32 s4, s19  }
0x9c: {  	s7 =	simm.s32 $0x0;
	s20 =	sshll.u32 s5, $0x1;
	s5 =	sadd.s32 s21, s3  }
0x9d: {  	[timem:s7], [sflag:s22] =	dma.local [hbm:s5], s20  }
0x9e: {  	_ =	swait.ge [sflag:s22], s20  }
0x9f: {  	s4 =	ssub.s32 $0x0, s20;
	[sflag:s22] =	ssyncset.done $0x0  }
0xa0: {  	[sflag:s22] =	ssyncadd.s32 s4;
	_ =	sdelay $0x1  }
0xa1: {  	s23 =	simm.s32 $0x1B8B  }
0xa2: {  	_ =	swait.ge [sflag:s23], $0x1  }
0xa3: {  	[sflag:s23] =	ssyncset.done $0x0  }
0xa4: {  	s25 =	simm.s32 $0x1B8E;
	s24 =	sld [smem:$0x3FFE];
	[sflag:s23] =	ssyncadd.s32 $0xFFFFFFFF  }
0xa5: {  	s26 =	simm.s32 $execute0_lowered;
	[smem:$0x3FD2] =	sst s25  }
0xa6: {  	s5 =	sshll.u32 s26, $0x1;
	_ =	strace $0x80000046;
	[dreg:$0x1] =	wrdreg $0xFFFFFFFF  }
0xa7: {  	s28 =	simm.s32 $_size_execute0_lowered;
	s3 =	sadd.s32 s3, s5;
	[dreg:$0x0] =	wrdreg $0x0  }
0xa8: {  	s5 =	sshll.u32 s28, $0x1;
	[dreg:$0x2] =	wrdreg s3  }
0xa9: {  	[dreg:$0x3] =	wrdreg s5  }
0xaa: {  	[dreg:$0x4] =	wrdreg $0xC0  }
0xab: {  	_ =	task [dreg:s7], $0x5FFFF  }
0xac: {  	[dreg:$0x1] =	wrdreg $0xFFFFFFFF  }
0xad: {  	[dreg:$0x0] =	wrdreg $0x60  }
0xae: {  	[dreg:$0x2] =	wrdreg s24  }
0xaf: {  	[dreg:$0x3] =	wrdreg s2  }
0xb0: {  	[dreg:$0x4] =	wrdreg $0x10C800  }
0xb1: {  	[dreg:$0x5] =	wrdreg $0x9  }
0xb2: {  	_ =	task.clear_ibuf [dreg:s7], $0x6FFFF;
	_ =	strace $0x90000046  }
0xb3: {  	s29 =	simm.s32 $0x9;
	_ =	strace $0x80000048  }
0xb4: {  	_ =	swait.ge [sflag:s29], $0x1  }
0xb5: {  	[sflag:s29] =	ssyncadd.s32 $0xFFFFFFFF  }
0xb6: {  	_ =	strace $0x90000048  }
0xb7: {  	_ =	sfence  }
0xb8: {  	s30 =	sld [smem:$0x0];
	_ =	sdelay $0x2  }
0xb9: {  	s31 =	sshll.u32 s1, $0xD;
	s1 =	sshrl.u32 s1, $0x2  }
0xba: {  	s3 =	sand.u32 $0x4000, s31;
	s1 =	sadd.s32 s1, s30  }
0xbb: {  	s0 =	sor.u32 s3, s0;
	s1 =	sshll.u32 s1, $0x11  }
0xbc: {  	s0 =	sor.u32 s1, s0  }
0xbd: {  	s0 =	sadd.s32 $0x8F2B, s0  }
0xbe: {  	[sflag:s0] =	ssyncadd.remote.s32 $0x1  }
0xbf: {  	_ =	sfence.sel $0xFFFF  }
0xc0: {  	[dreg:$0x0] =	wrdreg $0xFFFFFFFF;
	(pc) =	sbr.abs _section_cstart, $3  }
0xc1: {  	[dreg:$0x1] =	wrdreg $0xFFFFFFFF  }
0xc2: {  	_ =	task.clear_ibuf [dreg:s7], $0x2FFFF;
	_ =	strace $0x9FFFFFFF  }
0xc3: {  	(tm) =	ssettm $0x7FFFFFFF  }
tec
execute0_lowered:
.L_overlay_start_1:
0x0: {  	(tag) =	ssettag $0x1  }
0x1: {  	s0 =	rddreg [dreg:$0x0]  }
0x2: {  	s1 =	rddreg [dreg:$0x1]  }
0x3: {  	s3 =	rddreg [dreg:$0x2];
	s2 =	simm.s32 $0x0;
	s5 =	srdreg.scid  }
0x4: {  	s10 =	stileid.u32;
	s16 =	simm.s32 $0x100;
	s17 =	simm.s32 $0x180  }
0x5: {  	s18 =	simm.s32 $0x500;
	[smem:$0x7FF] =	sst s2;
	s4 =	sadd.s32 $0x2400, s0  }
0x6: {  	s11 =	sadd.s32 $0x6C00, s0;
	_ =	strace $0x80000047;
	[dreg:$0x4] =	wrdreg s4  }
0x7: {  	s19 =	simm.s32 $0x200;
	s12 =	sadd.s32 $0x7000, s0;
	[dreg:$0x15] =	wrdreg s11  }
0x8: {  	s20 =	simm.s32 $0x580;
	s21 =	simm.s32 $0x280;
	[dreg:$0x16] =	wrdreg s12  }
0x9: {  	s22 =	simm.s32 $0x600;
	s23 =	simm.s32 $0x300;
	[dreg:$0x7] =	wrdreg s16  }
0xa: {  	s24 =	simm.s32 $0x680;
	s25 =	simm.s32 $0x380;
	[dreg:$0x8] =	wrdreg s17  }
0xb: {  	s26 =	simm.s32 $0x700;
	s28 =	simm.s32 $0x780;
	[dreg:$0x9] =	wrdreg s18  }
0xc: {  	s30 =	simm.s32 $0x800;
	s29 =	simm.s32 $0x0;
	[dreg:$0xa] =	wrdreg s19  }
0xd: {  	s31 =	sand.u32 $0x1, s5;
	s7 =	smul.u32 $0x2400, s10;
	[dreg:$0xb] =	wrdreg s20  }
0xe: {  	s8 =	sshll.u32 s10, $0xE;
	s10 =	sshll.u32 s10, $0xA;
	[dreg:$0xc] =	wrdreg s21  }
0xf: {  	s6 =	ssub.s32 $0x2, s31;
	s0 =	sadd.s32 s8, s0;
	[dreg:$0xd] =	wrdreg s22  }
0x10: {  	s13 =	sshll.u32 s31, $0xD;
	s4 =	sshll.u32 s31, $0x9;
	[dreg:$0xe] =	wrdreg s23  }
0x11: {  	s11 =	simm.s32 $0x14C80;
	s12 =	simm.s32 $0x80;
	[dreg:$0xf] =	wrdreg s24  }
0x12: {  	s16 =	simm.s32 $0x8C80;
	s17 =	simm.s32 $0x1;
	[dreg:$0x10] =	wrdreg s25  }
0x13: {  	s18 =	simm.s32 $0x9;
	s19 =	simm.s32 $0xCC80;
	[dreg:$0x11] =	wrdreg s26  }
0x14: {  	s20 =	simm.s32 $0x2;
	s21 =	simm.s32 $0x5;
	[dreg:$0x12] =	wrdreg s28  }
0x15: {  	s22 =	simm.s32 $0x3;
	s23 =	simm.s32 $0x6;
	[dreg:$0x13] =	wrdreg s30  }
0x16: {  	s31 =	simm.s32 $0x880;
	s24 =	simm.s32 $0x4;
	s25 =	simm.s32 $0x7  }
0x17: {  	s26 =	simm.s32 $0x8;
	s9 =	sshrl.u32 s6, $0x1;
	[dreg:$0x5] =	wrdreg s7  }
0x18: {  	s0 =	sadd.s32 s13, s0;
	s14 =	sor.u32 s4, s10;
	s10 =	simm.s32 $0xB  }
0x19: {  	s13 =	simm.s32 $0x400;
	[dreg:$0x14] =	wrdreg s31;
	s9 =	ssub.s32 s6, s9  }
0x1a: {  	s6 =	sadd.s32 s8, s3;
	s0 =	sadd.s32 $0x7800, s0;
	[dreg:$0x6] =	wrdreg s14  }
0x1b: {  	s14 =	simm.s32 $0xC80;
	s15 =	smax.u32 s9, $0x1;
	[dreg:$0x18] =	wrdreg s0  }
0x1c: {  	s9 =	simm.s32 $0x480;
	[dreg:$0x17] =	wrdreg s15;
	s15 =	simm.s32 $0x4C80  }
.LBB2_1:
0x1d: {  	s0 =	rddreg [dreg:$0x15]  }
0x1e: {  	[tilespmem:s9], [sflag:$0xB] =	stream.linear.gather [hbm4b:s0+s2], $0x480, $0x38;
	[tilespmem:$0x18C80] =	vst v63  }
0x1f: {  	_ =	swait.ge [sflag:s10], $0x480  }
0x20: {  	[sflag:s10] =	ssyncset.done $0x0  }
0x21: {  	s4 =	rddreg [dreg:$0x16];
	[sflag:s10] =	ssyncadd.s32 $0xFFFFFB80  }
0x22: {  	[tilespmem:s11], [sflag:$0xB] =	stream.linear.gather [hbm4b:s4+s2], $0x4000, $0x38;
	[tilespmem:$0x18C80] =	vst v63  }
0x23: {  	_ =	swait.ge [sflag:s10], $0x4000  }
0x24: {  	s5 =	rddreg [dreg:$0x6]  }
0x25: {  	s0 =	sadd.s32 $0x0, s5  }
0x26: {  	s3 =	rddreg [dreg:$0x5];
	s0 =	sand.u32 $0x380, s0  }
0x27: {  	s0 =	sor.u32 s3, s0  }
0x28: {  	s8 =	rddreg [dreg:$0x4];
	[sflag:s10] =	ssyncset.done $0x0;
	s0 =	sshrl.u32 s0, $0x3  }
0x29: {  	[sflag:s10] =	ssyncadd.s32 $0xFFFFC000;
	s0 =	sadd.s32 s8, s0  }
0x2a: {  	[tilespmem:s2], [sflag:$0xB] =	stream.strided.gather [hbm4b:s0+s12], $0x480, s13, s12, $0x38;
	[tilespmem:$0x18C80] =	vst v63  }
0x2b: {  	_ =	swait.ge [sflag:s10], $0x480  }
0x2c: {  	[sflag:s10] =	ssyncset.done $0x0  }
0x2d: {  	p0 =	por $0x1, $0x1;
	[sflag:s10] =	ssyncadd.s32 $0xFFFFFB80  }
0x2e: {  	[tilespmem:s14], [sflag:$0x1] =	stream.indirect.gather [hbm4b:s1+s12], $0x80, s2, s12, $0xb8;
	[tilespmem:$0x18C80] =	vst v63  }
0x2f: {  	s0 =	simm.s32 @!p0 $0xA  }
0x30: {  	[tilespmem:s15], [sflag:$0x2] =	stream.indirect.gather [hbm4b:s1+s12], $0x80, s12, s12, $0xb8;
	[tilespmem:$0x18C80] =	vst v63  }
0x31: {  	_ =	swait.ge @!p0 [sflag:s0], $0x800  }
0x32: {  	[sflag:s0] =	ssyncset.done @!p0 $0x0  }
0x33: {  	[sflag:s0] =	ssyncadd.s32 @!p0 $0xFFFFF800  }
0x34: {  	[spmem:s6] =	stream.linear.scatter [tilespmem:s11], [sflag:$0x9], $0x4000, $0x38;
	[tilespmem:$0x18C80] =	vst v63  }
0x35: {  	s7 =	rddreg [dreg:$0x7]  }
0x36: {  	[tilespmem:s16], [sflag:$0x3] =	stream.indirect.gather [hbm4b:s1+s12], $0x80, s7, s12, $0xb8;
	[tilespmem:$0x18C80] =	vst v63  }
0x37: {  	_ =	swait.ge [sflag:s17], $0x4000  }
0x38: {  	[sflag:s17] =	ssyncset.done $0x0  }
0x39: {  	[sflag:s17] =	ssyncadd.s32 $0xFFFFC000  }
0x3a: {  	_ =	swait.ge [sflag:s18], $0x4000  }
0x3b: {  	[sflag:s18] =	ssyncset.done $0x0  }
0x3c: {  	[sflag:s18] =	ssyncadd.s32 $0xFFFFC000  }
0x3d: {  	[spmem:s6] =	stream.indirect.scatter.add.f32 [tilespmem:s14], [sflag:$0x5], $0x80, s9, s12, $0xb8;
	[tilespmem:$0x18C80] =	vst v63  }
0x3e: {  	s8 =	rddreg [dreg:$0x8]  }
0x3f: {  	[tilespmem:s19], [sflag:$0x4] =	stream.indirect.gather [hbm4b:s1+s12], $0x80, s8, s12, $0xb8;
	[tilespmem:$0x18C80] =	vst v63  }
0x40: {  	_ =	swait.ge [sflag:s20], $0x4000  }
0x41: {  	[sflag:s20] =	ssyncset.done $0x0  }
0x42: {  	s28 =	rddreg [dreg:$0x9];
	[sflag:s20] =	ssyncadd.s32 $0xFFFFC000  }
0x43: {  	[spmem:s6] =	stream.indirect.scatter.add.f32 [tilespmem:s15], [sflag:$0x6], $0x80, s28, s12, $0xb8;
	[tilespmem:$0x18C80] =	vst v63  }
0x44: {  	_ =	swait.ge [sflag:s21], $0x4000  }
0x45: {  	[sflag:s21] =	ssyncset.done $0x0  }
0x46: {  	s3 =	rddreg [dreg:$0xa];
	[sflag:s21] =	ssyncadd.s32 $0xFFFFC000  }
0x47: {  	[tilespmem:s14], [sflag:$0x1] =	stream.indirect.gather [hbm4b:s1+s12], $0x80, s3, s12, $0xb8;
	[tilespmem:$0x18C80] =	vst v63  }
0x48: {  	_ =	swait.ge [sflag:s22], $0x4000  }
0x49: {  	[sflag:s22] =	ssyncset.done $0x0  }
0x4a: {  	s4 =	rddreg [dreg:$0xb];
	[sflag:s22] =	ssyncadd.s32 $0xFFFFC000  }
0x4b: {  	[spmem:s6] =	stream.indirect.scatter.add.f32 [tilespmem:s16], [sflag:$0x7], $0x80, s4, s12, $0xb8;
	[tilespmem:$0x18C80] =	vst v63  }
0x4c: {  	_ =	swait.ge [sflag:s23], $0x4000  }
0x4d: {  	[sflag:s23] =	ssyncset.done $0x0  }
0x4e: {  	s5 =	rddreg [dreg:$0xc];
	[sflag:s23] =	ssyncadd.s32 $0xFFFFC000  }
0x4f: {  	[tilespmem:s15], [sflag:$0x2] =	stream.indirect.gather [hbm4b:s1+s12], $0x80, s5, s12, $0xb8;
	[tilespmem:$0x18C80] =	vst v63  }
0x50: {  	_ =	swait.ge [sflag:s24], $0x4000  }
0x51: {  	[sflag:s24] =	ssyncset.done $0x0  }
0x52: {  	s7 =	rddreg [dreg:$0xd];
	[sflag:s24] =	ssyncadd.s32 $0xFFFFC000  }
0x53: {  	[spmem:s6] =	stream.indirect.scatter.add.f32 [tilespmem:s19], [sflag:$0x8], $0x80, s7, s12, $0xb8;
	[tilespmem:$0x18C80] =	vst v63  }
0x54: {  	_ =	swait.ge [sflag:s25], $0x4000  }
0x55: {  	[sflag:s25] =	ssyncset.done $0x0  }
0x56: {  	s8 =	rddreg [dreg:$0xe];
	[sflag:s25] =	ssyncadd.s32 $0xFFFFC000  }
0x57: {  	[tilespmem:s16], [sflag:$0x3] =	stream.indirect.gather [hbm4b:s1+s12], $0x80, s8, s12, $0xb8;
	[tilespmem:$0x18C80] =	vst v63  }
0x58: {  	_ =	swait.ge [sflag:s17], $0x4000  }
0x59: {  	[sflag:s17] =	ssyncset.done $0x0  }
0x5a: {  	s28 =	rddreg [dreg:$0xf];
	[sflag:s17] =	ssyncadd.s32 $0xFFFFC000  }
0x5b: {  	[spmem:s6] =	stream.indirect.scatter.add.f32 [tilespmem:s14], [sflag:$0x5], $0x80, s28, s12, $0xb8;
	[tilespmem:$0x18C80] =	vst v63  }
0x5c: {  	_ =	swait.ge [sflag:s26], $0x4000  }
0x5d: {  	[sflag:s26] =	ssyncset.done $0x0  }
0x5e: {  	s3 =	rddreg [dreg:$0x10];
	[sflag:s26] =	ssyncadd.s32 $0xFFFFC000  }
0x5f: {  	[tilespmem:s19], [sflag:$0x4] =	stream.indirect.gather [hbm4b:s1+s12], $0x80, s3, s12, $0xb8;
	[tilespmem:$0x18C80] =	vst v63  }
0x60: {  	_ =	swait.ge [sflag:s20], $0x4000  }
0x61: {  	[sflag:s20] =	ssyncset.done $0x0  }
0x62: {  	s4 =	rddreg [dreg:$0x11];
	[sflag:s20] =	ssyncadd.s32 $0xFFFFC000  }
0x63: {  	[spmem:s6] =	stream.indirect.scatter.add.f32 [tilespmem:s15], [sflag:$0x6], $0x80, s4, s12, $0xb8;
	[tilespmem:$0x18C80] =	vst v63  }
0x64: {  	_ =	swait.ge [sflag:s21], $0x4000  }
0x65: {  	[sflag:s21] =	ssyncset.done $0x0  }
0x66: {  	[sflag:s21] =	ssyncadd.s32 $0xFFFFC000  }
0x67: {  	[tilespmem:s14], [sflag:$0x1] =	stream.indirect.gather [hbm4b:s1+s12], $0x80, s13, s12, $0xb8;
	[tilespmem:$0x18C80] =	vst v63  }
0x68: {  	_ =	swait.ge [sflag:s22], $0x4000  }
0x69: {  	[sflag:s22] =	ssyncset.done $0x0  }
0x6a: {  	s5 =	rddreg [dreg:$0x12];
	[sflag:s22] =	ssyncadd.s32 $0xFFFFC000  }
0x6b: {  	[spmem:s6] =	stream.indirect.scatter.add.f32 [tilespmem:s16], [sflag:$0x7], $0x80, s5, s12, $0xb8;
	[tilespmem:$0x18C80] =	vst v63  }
0x6c: {  	_ =	swait.ge [sflag:s24], $0x4000  }
0x6d: {  	[sflag:s24] =	ssyncset.done $0x0  }
0x6e: {  	s7 =	rddreg [dreg:$0x13];
	[sflag:s24] =	ssyncadd.s32 $0xFFFFC000  }
0x6f: {  	[spmem:s6] =	stream.indirect.scatter.add.f32 [tilespmem:s19], [sflag:$0x8], $0x80, s7, s12, $0xb8;
	[tilespmem:$0x18C80] =	vst v63  }
0x70: {  	_ =	swait.ge [sflag:s17], $0x4000  }
0x71: {  	[sflag:s17] =	ssyncset.done $0x0  }
0x72: {  	s8 =	rddreg [dreg:$0x14];
	[sflag:s17] =	ssyncadd.s32 $0xFFFFC000  }
0x73: {  	[spmem:s6] =	stream.indirect.scatter.add.f32 [tilespmem:s14], [sflag:$0x5], $0x80, s8, s12, $0xb8;
	[tilespmem:$0x18C80] =	vst v63  }
0x74: {  	_ =	swait.ge [sflag:s21], $0x4000  }
0x75: {  	[sflag:s21] =	ssyncset.done $0x0  }
0x76: {  	[sflag:s21] =	ssyncadd.s32 $0xFFFFC000  }
0x77: {  	_ =	swait.ge [sflag:s23], $0x4000  }
0x78: {  	[sflag:s23] =	ssyncset.done $0x0  }
0x79: {  	[sflag:s23] =	ssyncadd.s32 $0xFFFFC000  }
0x7a: {  	_ =	swait.ge [sflag:s25], $0x4000  }
0x7b: {  	[sflag:s25] =	ssyncset.done $0x0  }
0x7c: {  	s28 =	stileid.u32;
	[sflag:s25] =	ssyncadd.s32 $0xFFFFC000  }
0x7d: {  	s0 =	sshll.u32 s28, $0x6;
	_ =	swait.ge [sflag:s26], $0x4000  }
0x7e: {  	s30 =	simm.s32 $0x80;
	s31 =	sor.u32 $0x1C0A, s0;
	s3 =	rddreg [dreg:$0x18]  }
0x7f: {  	s0 =	sshrl.u32 s6, $0x3;
	[sflag:s26] =	ssyncset.done $0x0;
	s8 =	smov.u32 s3  }
.LBB2_2:
0x80: {  	[sflag:s26] =	ssyncadd.s32 $0xFFFFC000  }
0x81: {  	[hbm:s3], [sflag:s31] =	dma.local [spmem:s0], $0x800  }
0x82: {  	s5 =	smov.u32 s30;
	s7 =	rddreg [dreg:$0x6]  }
0x83: {  	s7 =	sadd.s32 s5, s7  }
0x84: {  	s28 =	rddreg [dreg:$0x5];
	s7 =	sand.u32 $0x380, s7  }
0x85: {  	s7 =	sor.u32 s28, s7  }
0x86: {  	s4 =	rddreg [dreg:$0x4];
	s7 =	sshrl.u32 s7, $0x3  }
0x87: {  	s4 =	sadd.s32 s4, s7  }
0x88: {  	[tilespmem:s2], [sflag:$0xB] =	stream.strided.gather [hbm4b:s4+s12], $0x480, s13, s12, $0x38;
	[tilespmem:$0x18C80] =	vst v63  }
0x89: {  	_ =	swait.ge [sflag:s10], $0x480  }
0x8a: {  	[sflag:s10] =	ssyncset.done $0x0  }
0x8b: {  	p1 =	seq.s32 s5, $0x0;
	[sflag:s10] =	ssyncadd.s32 $0xFFFFFB80  }
0x8c: {  	[tilespmem:s14], [sflag:$0x1] =	stream.indirect.gather [hbm4b:s1+s12], $0x80, s2, s12, $0xb8;
	[tilespmem:$0x18C80] =	vst v63  }
0x8d: {  	s4 =	simm.s32 @!p1 $0xA  }
0x8e: {  	[tilespmem:s15], [sflag:$0x2] =	stream.indirect.gather [hbm4b:s1+s12], $0x80, s12, s12, $0xb8;
	[tilespmem:$0x18C80] =	vst v63  }
0x8f: {  	_ =	swait.ge @!p1 [sflag:s4], $0x800  }
0x90: {  	[sflag:s4] =	ssyncset.done @!p1 $0x0  }
0x91: {  	[sflag:s4] =	ssyncadd.s32 @!p1 $0xFFFFF800  }
0x92: {  	[spmem:s6] =	stream.linear.scatter [tilespmem:s11], [sflag:$0x9], $0x4000, $0x38;
	[tilespmem:$0x18C80] =	vst v63  }
0x93: {  	s7 =	rddreg [dreg:$0x7]  }
0x94: {  	[tilespmem:s16], [sflag:$0x3] =	stream.indirect.gather [hbm4b:s1+s12], $0x80, s7, s12, $0xb8;
	[tilespmem:$0x18C80] =	vst v63  }
0x95: {  	_ =	swait.ge [sflag:s17], $0x4000  }
0x96: {  	[sflag:s17] =	ssyncset.done $0x0  }
0x97: {  	[sflag:s17] =	ssyncadd.s32 $0xFFFFC000  }
0x98: {  	_ =	swait.ge [sflag:s18], $0x4000  }
0x99: {  	[sflag:s18] =	ssyncset.done $0x0  }
0x9a: {  	[sflag:s18] =	ssyncadd.s32 $0xFFFFC000  }
0x9b: {  	[spmem:s6] =	stream.indirect.scatter.add.f32 [tilespmem:s14], [sflag:$0x5], $0x80, s9, s12, $0xb8;
	[tilespmem:$0x18C80] =	vst v63  }
0x9c: {  	s28 =	rddreg [dreg:$0x8]  }
0x9d: {  	[tilespmem:s19], [sflag:$0x4] =	stream.indirect.gather [hbm4b:s1+s12], $0x80, s28, s12, $0xb8;
	[tilespmem:$0x18C80] =	vst v63  }
0x9e: {  	_ =	swait.ge [sflag:s20], $0x4000  }
0x9f: {  	[sflag:s20] =	ssyncset.done $0x0  }
0xa0: {  	s5 =	rddreg [dreg:$0x9];
	[sflag:s20] =	ssyncadd.s32 $0xFFFFC000  }
0xa1: {  	[spmem:s6] =	stream.indirect.scatter.add.f32 [tilespmem:s15], [sflag:$0x6], $0x80, s5, s12, $0xb8;
	[tilespmem:$0x18C80] =	vst v63  }
0xa2: {  	_ =	swait.ge [sflag:s21], $0x4000  }
0xa3: {  	[sflag:s21] =	ssyncset.done $0x0  }
0xa4: {  	s7 =	rddreg [dreg:$0xa];
	[sflag:s21] =	ssyncadd.s32 $0xFFFFC000  }
0xa5: {  	[tilespmem:s14], [sflag:$0x1] =	stream.indirect.gather [hbm4b:s1+s12], $0x80, s7, s12, $0xb8;
	[tilespmem:$0x18C80] =	vst v63  }
0xa6: {  	_ =	swait.ge [sflag:s22], $0x4000  }
0xa7: {  	[sflag:s22] =	ssyncset.done $0x0  }
0xa8: {  	s28 =	rddreg [dreg:$0xb];
	[sflag:s22] =	ssyncadd.s32 $0xFFFFC000  }
0xa9: {  	[spmem:s6] =	stream.indirect.scatter.add.f32 [tilespmem:s16], [sflag:$0x7], $0x80, s28, s12, $0xb8;
	[tilespmem:$0x18C80] =	vst v63  }
0xaa: {  	_ =	swait.ge [sflag:s23], $0x4000  }
0xab: {  	[sflag:s23] =	ssyncset.done $0x0  }
0xac: {  	s5 =	rddreg [dreg:$0xc];
	[sflag:s23] =	ssyncadd.s32 $0xFFFFC000  }
0xad: {  	[tilespmem:s15], [sflag:$0x2] =	stream.indirect.gather [hbm4b:s1+s12], $0x80, s5, s12, $0xb8;
	[tilespmem:$0x18C80] =	vst v63  }
0xae: {  	_ =	swait.ge [sflag:s24], $0x4000  }
0xaf: {  	[sflag:s24] =	ssyncset.done $0x0  }
0xb0: {  	s7 =	rddreg [dreg:$0xd];
	[sflag:s24] =	ssyncadd.s32 $0xFFFFC000  }
0xb1: {  	[spmem:s6] =	stream.indirect.scatter.add.f32 [tilespmem:s19], [sflag:$0x8], $0x80, s7, s12, $0xb8;
	[tilespmem:$0x18C80] =	vst v63  }
0xb2: {  	_ =	swait.ge [sflag:s25], $0x4000  }
0xb3: {  	[sflag:s25] =	ssyncset.done $0x0  }
0xb4: {  	s28 =	rddreg [dreg:$0xe];
	[sflag:s25] =	ssyncadd.s32 $0xFFFFC000  }
0xb5: {  	[tilespmem:s16], [sflag:$0x3] =	stream.indirect.gather [hbm4b:s1+s12], $0x80, s28, s12, $0xb8;
	[tilespmem:$0x18C80] =	vst v63  }
0xb6: {  	_ =	swait.ge [sflag:s17], $0x4000  }
0xb7: {  	[sflag:s17] =	ssyncset.done $0x0  }
0xb8: {  	s5 =	rddreg [dreg:$0xf];
	[sflag:s17] =	ssyncadd.s32 $0xFFFFC000  }
0xb9: {  	[spmem:s6] =	stream.indirect.scatter.add.f32 [tilespmem:s14], [sflag:$0x5], $0x80, s5, s12, $0xb8;
	[tilespmem:$0x18C80] =	vst v63  }
0xba: {  	_ =	swait.ge [sflag:s26], $0x4000  }
0xbb: {  	[sflag:s26] =	ssyncset.done $0x0  }
0xbc: {  	s7 =	rddreg [dreg:$0x10];
	[sflag:s26] =	ssyncadd.s32 $0xFFFFC000  }
0xbd: {  	[tilespmem:s19], [sflag:$0x4] =	stream.indirect.gather [hbm4b:s1+s12], $0x80, s7, s12, $0xb8;
	[tilespmem:$0x18C80] =	vst v63  }
0xbe: {  	_ =	swait.ge [sflag:s20], $0x4000  }
0xbf: {  	[sflag:s20] =	ssyncset.done $0x0  }
0xc0: {  	s28 =	rddreg [dreg:$0x11];
	[sflag:s20] =	ssyncadd.s32 $0xFFFFC000  }
0xc1: {  	[spmem:s6] =	stream.indirect.scatter.add.f32 [tilespmem:s15], [sflag:$0x6], $0x80, s28, s12, $0xb8;
	[tilespmem:$0x18C80] =	vst v63  }
0xc2: {  	_ =	swait.ge [sflag:s21], $0x4000  }
0xc3: {  	[sflag:s21] =	ssyncset.done $0x0  }
0xc4: {  	[sflag:s21] =	ssyncadd.s32 $0xFFFFC000  }
0xc5: {  	[tilespmem:s14], [sflag:$0x1] =	stream.indirect.gather [hbm4b:s1+s12], $0x80, s13, s12, $0xb8;
	[tilespmem:$0x18C80] =	vst v63  }
0xc6: {  	_ =	swait.ge [sflag:s22], $0x4000  }
0xc7: {  	[sflag:s22] =	ssyncset.done $0x0  }
0xc8: {  	s5 =	rddreg [dreg:$0x12];
	[sflag:s22] =	ssyncadd.s32 $0xFFFFC000  }
0xc9: {  	[spmem:s6] =	stream.indirect.scatter.add.f32 [tilespmem:s16], [sflag:$0x7], $0x80, s5, s12, $0xb8;
	[tilespmem:$0x18C80] =	vst v63  }
0xca: {  	_ =	swait.ge [sflag:s24], $0x4000  }
0xcb: {  	[sflag:s24] =	ssyncset.done $0x0  }
0xcc: {  	s7 =	rddreg [dreg:$0x13];
	[sflag:s24] =	ssyncadd.s32 $0xFFFFC000  }
0xcd: {  	[spmem:s6] =	stream.indirect.scatter.add.f32 [tilespmem:s19], [sflag:$0x8], $0x80, s7, s12, $0xb8;
	[tilespmem:$0x18C80] =	vst v63  }
0xce: {  	_ =	swait.ge [sflag:s17], $0x4000  }
0xcf: {  	[sflag:s17] =	ssyncset.done $0x0  }
0xd0: {  	s28 =	rddreg [dreg:$0x14];
	[sflag:s17] =	ssyncadd.s32 $0xFFFFC000  }
0xd1: {  	[spmem:s6] =	stream.indirect.scatter.add.f32 [tilespmem:s14], [sflag:$0x5], $0x80, s28, s12, $0xb8;
	[tilespmem:$0x18C80] =	vst v63  }
0xd2: {  	_ =	swait.ge [sflag:s21], $0x4000  }
0xd3: {  	[sflag:s21] =	ssyncset.done $0x0  }
0xd4: {  	[sflag:s21] =	ssyncadd.s32 $0xFFFFC000  }
0xd5: {  	_ =	swait.ge [sflag:s23], $0x4000  }
0xd6: {  	s30 =	sadd.s32 $0x80, s30;
	[sflag:s23] =	ssyncset.done $0x0  }
0xd7: {  	p0 =	sne.s32 s30, $0x200;
	[sflag:s23] =	ssyncadd.s32 $0xFFFFC000  }
.Ltmp0:
0xd8: {  	_ =	swait.ge [sflag:s25], $0x4000;
	(pc) =	sbr.rel @p0 .LBB2_2-.Ltmp0, $4  }
0xd9: {  	[sflag:s25] =	ssyncset.done $0x0  }
0xda: {  	[sflag:s25] =	ssyncadd.s32 $0xFFFFC000  }
0xdb: {  	s8 =	sadd.s32 $0x800, s8;
	_ =	swait.ge [sflag:s26], $0x4000  }
0xdc: {  	s3 =	smov.u32 s8;
	[sflag:s26] =	ssyncset.done $0x0  }
0xdd: {  	[sflag:s26] =	ssyncadd.s32 $0xFFFFC000;
	s30 =	simm.s32 $0xA  }
0xde: {  	[hbm:s3], [sflag:s31] =	dma.local [spmem:s0], $0x800  }
0xdf: {  	_ =	swait.ge [sflag:s30], $0x800  }
0xe0: {  	s29 =	sadd.s32 $0x1, s29;
	s31 =	rddreg [dreg:$0x17]  }
0xe1: {  	p0 =	sne.s32 s29, s31  }
.Ltmp1:
0xe2: {  	_ = 	snop;
	(pc) =	sbr.rel @p0 .LBB2_1-.Ltmp1, $3  }
0xe3: {  	_ =	sdelay $0x1  }
0xe4: {  	[sflag:s30] =	ssyncset.done $0x0  }
0xe5: {  	[sflag:s30] =	ssyncadd.s32 $0xFFFFF800  }
0xe6: {  	_ =	sfence.sel $0x180000  }
0xe7: {  	[bflag:$0x0] =	sbarrier.arrive $0xFFFF  }
0xe8: {  	_ =	strace $0x90000047  }
0xe9: {  	s0 =	stileid.u32;
	[bflag:$0x2] =	sbarrier.arrive $0xFFFF  }
0xea: {  	p0 =	sne.s32 s0, $0x0;
	s0 =	rddreg [dreg:$0x3]  }
0xeb: {  	s0 =	sadd.s32 @!p0 $0x100000, s0  }
0xec: {  	[sflag:s0] =	ssyncadd.tile.s32 @!p0 $0x1;
	_ =	shalt  }
.Lfunc_end2:
_tile_overlayer_lowered:
.L_overlay_start_2:
0xed: {  	(tag) =	ssettag $0x2  }
0xee: {  	s0 =	rddreg [dreg:$0x0];
	s2 =	stileid.u32  }
0xef: {  	s1 =	rddreg [dreg:$0x1];
	p0 =	sne.s32 s2, $0x0  }
0xf0: {  	s3 =	rddreg [dreg:$0x2];
	[bflag:$0x3] =	sbarrier.arrive $0xFFFF;
	s2 =	simm.s32 @!p0 $0x1C0B  }
0xf1: {  	[timem:s3], [sflag:s2] =	dma.local @!p0 [hbm:s0], s1  }
0xf2: {  	s0 =	simm.s32 @!p0 $0xB  }
0xf3: {  	_ =	swait.ge @!p0 [sflag:s0], s1  }
0xf4: {  	s1 =	ssub.s32 @!p0 $0x0, s1;
	[sflag:s0] =	ssyncset.done @!p0 $0x0  }
0xf5: {  	[sflag:s0] =	ssyncadd.s32 @!p0 s1  }
0xf6: {  	[bflag:$0x3] =	sbarrier.arrive $0xFFFF  }
0xf7: {  	_ =	shalt  }

</sc_bundles>
